<compile_context>
chip_gen: v7x
topology: tpu7x:2x2x1
jax: 0.10.2.dev20260603
libtpu: 0.0.44.dev20260713+nightly
codegen_flags: <defaults>
</compile_context>

<pallas_src>
import jax
import jax.numpy as jnp
from jax import lax
from jax.experimental import pallas as pl
from jax.experimental.pallas import tpu as pltpu
from jax.experimental.pallas import tpu_sc as plsc

_N = 10000
_E = 160000
_D = 256
_H = 128
_NT = 16
_EPT = _E // _NT
_CH = 40
_NCH = _EPT // _CH
_NB = 6
_LOOK = 4
_DCH = 80
_DNCH = _EPT // _DCH
_RPT = 632
_NPAD = 10240
_DEGR = _NPAD // _NT
_RB = 1000



def _sc_deg_body(dst3, invout, deg_s, dst_v, ones_v, invb, repl):
    c = lax.axis_index("c")
    s = lax.axis_index("s")

    @pl.when(c == 0)
    def _():
        pltpu.sync_copy(dst3.at[s], dst_v)

        def _zero(i, carry):
            invb[pl.ds(i * 16, 16)] = jnp.zeros((16,), jnp.float32)
            return carry
        lax.fori_loop(0, _DEGR // 16, _zero, 0)

        def _one(i, carry):
            ones_v[pl.ds(i * 16, 16)] = jnp.full((16,), 1.0, jnp.float32)
            return carry
        lax.fori_loop(0, _DCH // 16, _one, 0)

        pltpu.sync_copy(invb, deg_s.at[pl.ds(s * _DEGR, _DEGR)])

    plsc.subcore_barrier()

    @pl.when(c == 0)
    def _():
        def _chunk(j, carry):
            pltpu.sync_copy(ones_v, deg_s.at[dst_v.at[j]], add=True)
            return carry
        lax.fori_loop(0, _DNCH, _chunk, 0)

    plsc.subcore_barrier()

    @pl.when(c == 0)
    def _():
        pltpu.sync_copy(deg_s.at[pl.ds(s * _DEGR, _DEGR)], invb)

        def _inv(i, carry):
            v = invb[pl.ds(i * 16, 16)]
            invb[pl.ds(i * 16, 16)] = 1.0 / (v + 1.0)
            return carry
        lax.fori_loop(0, _DEGR // 16, _inv, 0)

        def _repl(i, carry):
            v = invb[pl.ds(i * 16, 16)]
            for k in range(16):
                repl[i * 16 + k] = jnp.full((16,), 1.0, jnp.float32) * v[k]
            return carry
        lax.fori_loop(0, _DEGR // 16, _repl, 0)
        pltpu.sync_copy(repl, invout.at[pl.ds(s * _DEGR, _DEGR)])


_sc_deg = pl.kernel(
    _sc_deg_body,
    out_type=[jax.ShapeDtypeStruct((_NPAD, 16), jnp.float32)],
    mesh=plsc.VectorSubcoreMesh(core_axis_name="c", subcore_axis_name="s"),
    scratch_types=[
        pltpu.VMEM_SHARED((_NPAD,), jnp.float32),
        pltpu.VMEM((_DNCH, _DCH), jnp.int32),
        pltpu.VMEM((_DCH,), jnp.float32),
        pltpu.VMEM((_DEGR,), jnp.float32),
        pltpu.VMEM((_DEGR, 16), jnp.float32),
    ],
)


def _sc_agg_body(ytab, srcb, dstb, aggy, agg_s, src_v, dst_v, buf, *sems):
    gsems = sems[:_NB]
    ssems = sems[_NB:]
    c = lax.axis_index("c")
    s = lax.axis_index("s")

    pltpu.sync_copy(srcb.at[c, s], src_v)
    pltpu.sync_copy(dstb.at[s], dst_v)

    _LAST = _N - 15 * _RPT

    @pl.when(s < 15)
    def _():
        pltpu.sync_copy(
            ytab.at[pl.ds(c * _N + s * _RPT, _RPT)],
            agg_s.at[pl.ds(s * _RPT, _RPT)],
        )

    @pl.when(s == 15)
    def _():
        pltpu.sync_copy(
            ytab.at[pl.ds(c * _N + 15 * _RPT, _LAST)],
            agg_s.at[pl.ds(15 * _RPT, _LAST)],
        )

    plsc.subcore_barrier()

    bufs = [buf.at[b] for b in range(_NB)]

    def _eidx(v, j):
        return v.at[pl.ds(j * _CH, _CH)]

    def _start_g(j, b):
        pltpu.async_copy(ytab.at[_eidx(src_v, j)], bufs[b], gsems[b])

    def _wait_g(j, b):
        pltpu.make_async_copy(ytab.at[_eidx(src_v, j)], bufs[b],
                              gsems[b]).wait()

    def _start_s(j, b):
        pltpu.async_copy(bufs[b], agg_s.at[_eidx(dst_v, j)], ssems[b],
                         add=True)

    def _wait_s(j, b):
        pltpu.make_async_copy(bufs[b], agg_s.at[_eidx(dst_v, j)],
                              ssems[b]).wait()

    for b in range(_LOOK):
        _start_g(b, b)

    def _step(j, b):
        b2 = (b + _LOOK) % _NB
        _wait_g(j, b)

        @pl.when(j >= _NB - _LOOK)
        def _():
            _wait_s(j - (_NB - _LOOK), b2)
        _start_g(j + _LOOK, b2)
        _start_s(j, b)

    def _sext(o, carry):
        for b in range(_NB):
            _step(_NB * o + b, b)
        return carry
    lax.fori_loop(0, (_NCH - _LOOK) // _NB, _sext, 0)

    for j in range(_NCH - _LOOK, _NCH):
        b = j % _NB
        _wait_g(j, b)
        _wait_s(j - (_NB - _LOOK), (b + _LOOK) % _NB)
        _start_s(j, b)
    for j in range(_NCH - _NB + _LOOK, _NCH):
        _wait_s(j, j % _NB)

    plsc.subcore_barrier()

    @pl.when(s < 15)
    def _():
        pltpu.sync_copy(
            agg_s.at[pl.ds(s * _RPT, _RPT)],
            aggy.at[c, pl.ds(s * _RPT, _RPT)],
        )

    @pl.when(s == 15)
    def _():
        pltpu.sync_copy(
            agg_s.at[pl.ds(15 * _RPT, _LAST)],
            aggy.at[c, pl.ds(15 * _RPT, _LAST)],
        )


_sc_agg = pl.kernel(
    _sc_agg_body,
    out_type=[jax.ShapeDtypeStruct((2, _N, _H), jnp.float32)],
    mesh=plsc.VectorSubcoreMesh(core_axis_name="c", subcore_axis_name="s"),
    scratch_types=[
        pltpu.VMEM_SHARED((_N, _H), jnp.float32),
        pltpu.VMEM((_EPT,), jnp.int32),
        pltpu.VMEM((_EPT,), jnp.int32),
        pltpu.VMEM((_NB, _CH, _H), jnp.float32),
    ] + [pltpu.SemaphoreType.DMA] * (2 * _NB),
)



def _mm1_body(x_ref, w_ref, y_ref):
    y = jnp.dot(x_ref[...], w_ref[...], preferred_element_type=jnp.float32)
    y_ref[0] = y[:, :_H]
    y_ref[1] = y[:, _H:]


def _mm2_body(agg_ref, inv_ref, b_ref, w_ref, y_ref):
    a = jnp.concatenate([agg_ref[0], agg_ref[1]], axis=1)
    h = jnp.maximum(a * inv_ref[:, 0:1] + b_ref[0], 0.0)
    y = jnp.dot(h, w_ref[...], preferred_element_type=jnp.float32)
    y_ref[0] = y[:, :_H]
    y_ref[1] = y[:, _H:]


def _ep_body(agg_ref, inv_ref, b_ref, o_ref):
    a = jnp.concatenate([agg_ref[0], agg_ref[1]], axis=1)
    o_ref[...] = a * inv_ref[:, 0:1] + b_ref[0]


def _mm1(x, w):
    return pl.pallas_call(
        _mm1_body,
        grid=(_N // _RB,),
        in_specs=[
            pl.BlockSpec((_RB, _D), lambda r: (r, 0)),
            pl.BlockSpec((_D, _D), lambda r: (0, 0)),
        ],
        out_specs=pl.BlockSpec((2, _RB, _H), lambda r: (0, r, 0)),
        out_shape=jax.ShapeDtypeStruct((2, _N, _H), jnp.float32),
    )(x, w)


def _mm2(aggy, inv, b, w):
    return pl.pallas_call(
        _mm2_body,
        grid=(_N // _RB,),
        in_specs=[
            pl.BlockSpec((2, _RB, _H), lambda r: (0, r, 0)),
            pl.BlockSpec((_RB, 16), lambda r: (r, 0)),
            pl.BlockSpec((1, _D), lambda r: (0, 0)),
            pl.BlockSpec((_D, _D), lambda r: (0, 0)),
        ],
        out_specs=pl.BlockSpec((2, _RB, _H), lambda r: (0, r, 0)),
        out_shape=jax.ShapeDtypeStruct((2, _N, _H), jnp.float32),
    )(aggy, inv, b, w)


def _ep(aggy, inv, b):
    return pl.pallas_call(
        _ep_body,
        grid=(_N // _RB,),
        in_specs=[
            pl.BlockSpec((2, _RB, _H), lambda r: (0, r, 0)),
            pl.BlockSpec((_RB, 16), lambda r: (r, 0)),
            pl.BlockSpec((1, _D), lambda r: (0, 0)),
        ],
        out_specs=pl.BlockSpec((_RB, _D), lambda r: (r, 0)),
        out_shape=jax.ShapeDtypeStruct((_N, _D), jnp.float32),
    )(aggy, inv, b)



def kernel(features, edge_index, W1, b1, W2, b2):
    src = edge_index[0]
    dst = edge_index[1]
    srcb = jnp.stack([src, src + _N]).reshape(2, _NT, _EPT)
    dstb = dst.reshape(_NT, _EPT)
    dst3 = dst.reshape(_NT, _DNCH, _DCH)
    b1r = b1.reshape(1, _D)
    b2r = b2.reshape(1, _D)

    inv, = _sc_deg(dst3)
    y1 = _mm1(features, W1)
    aggy1, = _sc_agg(y1.reshape(2 * _N, _H), srcb, dstb)
    y2 = _mm2(aggy1, inv, b1r, W2)
    aggy2, = _sc_agg(y2.reshape(2 * _N, _H), srcb, dstb)
    return _ep(aggy2, inv, b2r)

# --- scband reference (transcript-rebuilt; emitter-appended) ---
"""Pipeline reference for scband-graph-sagemodel-80530636800639 (READ-ONLY COPY).

The authoritative reference and input builder live on the scoring server;
editing this copy changes nothing except your own understanding.
"""

import jax, jax.numpy as jnp
import numpy as np

N = 10000
E = 160000
D = 256


def setup_inputs(seed: int = 0) -> dict:
    key = jax.random.key(seed)
    k1, k2, k3, k4 = jax.random.split(key, 4)
    x = jax.random.normal(k1, (N, D), dtype=jnp.float32)
    edge_index = jax.random.randint(k2, (2, E), 0, N, dtype=jnp.int32)
    # SAGEConv 'gcn' aggregator has only fc_neigh (no fc_self)
    W1 = jax.random.normal(k3, (D, D), dtype=jnp.float32) * (1.0 / np.sqrt(D))
    b1 = jnp.zeros((D,), dtype=jnp.float32)
    W2 = jax.random.normal(k4, (D, D), dtype=jnp.float32) * (1.0 / np.sqrt(D))
    b2 = jnp.zeros((D,), dtype=jnp.float32)
    return {"features": x, "edge_index": edge_index, "W1": W1, "b1": b1, "W2": W2, "b2": b2}


def _sage_gcn_layer(h, src, dst, W, b):
    # DGL SAGEConv with aggregator_type='gcn':
    #   h_neigh = (sum_{j in N(i)} h_j + h_i) / (in_deg(i) + 1)
    #   out = fc_neigh(h_neigh)
    agg = jnp.zeros_like(h).at[dst].add(h[src])
    deg = jnp.zeros((h.shape[0], 1), dtype=h.dtype).at[dst].add(1.0)
    h_neigh = (agg + h) / (deg + 1.0)
    return h_neigh @ W + b


def reference(features, edge_index, W1, b1, W2, b2):
    src = edge_index[0]
    dst = edge_index[1]
    # layer 1: SAGEConv(in_feats, n_hidden, 'gcn', activation=relu); dropout off in eval
    h = _sage_gcn_layer(features, src, dst, W1, b1)
    h = jax.nn.relu(h)
    # layer 2 (output): SAGEConv(n_hidden, out_dim, 'gcn', activation=None)
    h = _sage_gcn_layer(h, src, dst, W2, b2)
    return h

if __name__ == "__main__":
    import jax
    _d = setup_inputs()
    print(jax.jit(kernel)(*tuple(_d.values())))

</pallas_src>

<mosaic_0001>
#map = affine_map<(d0, d1) -> (0, 0, 0)>
#map1 = affine_map<(d0, d1) -> (0, 0)>
module attributes {stable_mosaic.version = 14 : i64} {
  func.func @_sc_deg_body(%arg0: i32, %arg1: i32, %arg2: memref<16x125x80xi32, #tpu.memory_space<hbm>>, %arg3: memref<10240x16xf32, #tpu.memory_space<hbm>>, %arg4: memref<10240xf32, #tpu.memory_space<vmem_shared>>, %arg5: memref<125x80xi32, #tpu.memory_space<vmem>>, %arg6: memref<80xf32, #tpu.memory_space<vmem>>, %arg7: memref<640xf32, #tpu.memory_space<vmem>>, %arg8: memref<640x16xf32, #tpu.memory_space<vmem>>) attributes {dimension_semantics = [#tpu.dimension_semantics<core_parallel>, #tpu.dimension_semantics<subcore_parallel>], iteration_bounds = array<i64: 2, 16>, scalar_prefetch = 0 : i64, scratch_operands = 5 : i64, tpu.core_type = #tpu.core_type<sc_vector_subcore>, window_params = [{transform_indices = #map}, {transform_indices = #map1}]} {
    %eq3A = arith.constant 0 : i32
    %eq3A_0 = arith.cmpi eq, %arg0, %eq3A : i32
    %convert_element_type3A = arith.extui %eq3A_0 : i1 to i32
    %cond3A = arith.constant 0 : i32
    %cond3A_1 = arith.cmpi ne, %convert_element_type3A, %cond3A : i32
    scf.if %cond3A_1 {
      "tpu.region"() ({
        %run_scoped3A = tpu.sem_alloc : memref<!tpu.dma_semaphore, #tpu.memory_space<semaphore_mem>>
        %dma_start3A = arith.constant 0 : i32
        %dma_start3A_25 = arith.constant 0 : i32
        %dma_start3A_26 = tpu.memref_slice %arg2[%arg1, %dma_start3A, %dma_start3A_25] : memref<16x125x80xi32, #tpu.memory_space<hbm>> -> memref<1x125x80xi32, #tpu.memory_space<hbm>>
        %dma_start3A_27 = tpu.memref_squeeze %dma_start3A_26 : memref<1x125x80xi32, #tpu.memory_space<hbm>> -> memref<125x80xi32, #tpu.memory_space<hbm>>
        %dma_start3A_28 = arith.constant 0 : i32
        %dma_start3A_29 = arith.constant 0 : i32
        %dma_start3A_30 = tpu.memref_slice %arg2[%arg1, %dma_start3A_28, %dma_start3A_29] : memref<16x125x80xi32, #tpu.memory_space<hbm>> -> memref<1x125x80xi32, #tpu.memory_space<hbm>>
        %dma_start3A_31 = tpu.memref_squeeze %dma_start3A_30 : memref<1x125x80xi32, #tpu.memory_space<hbm>> -> memref<125x80xi32, #tpu.memory_space<hbm>>
        tpu.enqueue_dma source(%dma_start3A_31 : memref<125x80xi32, #tpu.memory_space<hbm>>) target(%arg5 : memref<125x80xi32, #tpu.memory_space<vmem>>) target_semaphore(%run_scoped3A : memref<!tpu.dma_semaphore, #tpu.memory_space<semaphore_mem>>)
        %dma_wait3A = arith.constant 0 : i32
        %dma_wait3A_32 = arith.constant 0 : i32
        %dma_wait3A_33 = tpu.memref_slice %arg2[%arg1, %dma_wait3A, %dma_wait3A_32] : memref<16x125x80xi32, #tpu.memory_space<hbm>> -> memref<1x125x80xi32, #tpu.memory_space<hbm>>
        %dma_wait3A_34 = tpu.memref_squeeze %dma_wait3A_33 : memref<1x125x80xi32, #tpu.memory_space<hbm>> -> memref<125x80xi32, #tpu.memory_space<hbm>>
        %dma_wait3A_35 = arith.constant 0 : i32
        %dma_wait3A_36 = arith.constant 0 : i32
        %dma_wait3A_37 = tpu.memref_slice %arg2[%arg1, %dma_wait3A_35, %dma_wait3A_36] : memref<16x125x80xi32, #tpu.memory_space<hbm>> -> memref<1x125x80xi32, #tpu.memory_space<hbm>>
        %dma_wait3A_38 = tpu.memref_squeeze %dma_wait3A_37 : memref<1x125x80xi32, #tpu.memory_space<hbm>> -> memref<125x80xi32, #tpu.memory_space<hbm>>
        tpu.wait_dma2 semaphore(%run_scoped3A : memref<!tpu.dma_semaphore, #tpu.memory_space<semaphore_mem>>) src(%dma_wait3A_38 : memref<125x80xi32, #tpu.memory_space<hbm>>) dst(%arg5 : memref<125x80xi32, #tpu.memory_space<vmem>>)
        tpu.yield
      }) : () -> ()
      %scan3A = arith.constant 0 : i32
      %scan3A_13 = arith.constant 0 : i32
      %scan3A_14 = arith.constant 40 : i32
      %scan3A_15 = arith.addi %scan3A_13, %scan3A_14 : i32
      %scan3A_16 = arith.constant 1 : i32
      scf.for %scan3A_25 = %scan3A_13 to %scan3A_15 step %scan3A_16  : i32 {
        %broadcast_in_dim3A = arith.constant 0.000000e+00 : f32
        %broadcast_in_dim3A_26 = vector.broadcast %broadcast_in_dim3A : f32 to vector<16xf32>
        %mul3A_27 = arith.constant 16 : i32
        %mul3A_28 = arith.muli %scan3A_25, %mul3A_27 : i32
        %swap3A = arith.index_cast %mul3A_28 : i32 to index
        %swap3A_29 = tpu.vector_load %arg7[%swap3A] {strides = array<i32>} : memref<640xf32, #tpu.memory_space<vmem>>, vector<16xf32>,
        %swap3A_30 = vector.shape_cast %swap3A_29 : vector<16xf32> to vector<16xf32>
        %swap3A_31 = vector.shape_cast %broadcast_in_dim3A_26 : vector<16xf32> to vector<16xf32>
        tpu.vector_store %arg7[%swap3A], %swap3A_31 {strides = array<i32>} : memref<640xf32, #tpu.memory_space<vmem>>, vector<16xf32>,
      }
      %scan3A_17 = arith.constant 40 : i32
      %scan3A_18 = arith.constant 0 : i32
      %scan3A_19 = arith.constant 0 : i32
      %scan3A_20 = arith.constant 5 : i32
      %scan3A_21 = arith.addi %scan3A_19, %scan3A_20 : i32
      %scan3A_22 = arith.constant 1 : i32
      scf.for %scan3A_25 = %scan3A_19 to %scan3A_21 step %scan3A_22  : i32 {
        %broadcast_in_dim3A = arith.constant 1.000000e+00 : f32
        %broadcast_in_dim3A_26 = vector.broadcast %broadcast_in_dim3A : f32 to vector<16xf32>
        %mul3A_27 = arith.constant 16 : i32
        %mul3A_28 = arith.muli %scan3A_25, %mul3A_27 : i32
        %swap3A = arith.index_cast %mul3A_28 : i32 to index
        %swap3A_29 = tpu.vector_load %arg6[%swap3A] {strides = array<i32>} : memref<80xf32, #tpu.memory_space<vmem>>, vector<16xf32>,
        %swap3A_30 = vector.shape_cast %swap3A_29 : vector<16xf32> to vector<16xf32>
        %swap3A_31 = vector.shape_cast %broadcast_in_dim3A_26 : vector<16xf32> to vector<16xf32>
        tpu.vector_store %arg6[%swap3A], %swap3A_31 {strides = array<i32>} : memref<80xf32, #tpu.memory_space<vmem>>, vector<16xf32>,
      }
      %scan3A_23 = arith.constant 5 : i32
      %mul3A = arith.constant 640 : i32
      %mul3A_24 = arith.muli %arg1, %mul3A : i32
      "tpu.region"() ({
        %run_scoped3A = tpu.sem_alloc : memref<!tpu.dma_semaphore, #tpu.memory_space<semaphore_mem>>
        %dma_start3A = tpu.memref_slice %arg4[%mul3A_24] : memref<10240xf32, #tpu.memory_space<vmem_shared>> -> memref<640xf32, #tpu.memory_space<vmem_shared>>
        %dma_start3A_25 = tpu.memref_slice %arg4[%mul3A_24] : memref<10240xf32, #tpu.memory_space<vmem_shared>> -> memref<640xf32, #tpu.memory_space<vmem_shared>>
        tpu.enqueue_dma source(%arg7 : memref<640xf32, #tpu.memory_space<vmem>>) target(%dma_start3A_25 : memref<640xf32, #tpu.memory_space<vmem_shared>>) target_semaphore(%run_scoped3A : memref<!tpu.dma_semaphore, #tpu.memory_space<semaphore_mem>>)
        %dma_wait3A = tpu.memref_slice %arg4[%mul3A_24] : memref<10240xf32, #tpu.memory_space<vmem_shared>> -> memref<640xf32, #tpu.memory_space<vmem_shared>>
        %dma_wait3A_26 = tpu.memref_slice %arg4[%mul3A_24] : memref<10240xf32, #tpu.memory_space<vmem_shared>> -> memref<640xf32, #tpu.memory_space<vmem_shared>>
        tpu.wait_dma2 semaphore(%run_scoped3A : memref<!tpu.dma_semaphore, #tpu.memory_space<semaphore_mem>>) src(%arg7 : memref<640xf32, #tpu.memory_space<vmem>>) dst(%dma_wait3A_26 : memref<640xf32, #tpu.memory_space<vmem_shared>>)
        tpu.yield
      }) : () -> ()
    } else {
    }
    %barrier3A = arith.constant 0 : index
    tpu.barrier barrier_id(%barrier3A)
    %eq3A_2 = arith.constant 0 : i32
    %eq3A_3 = arith.cmpi eq, %arg0, %eq3A_2 : i32
    %convert_element_type3A_4 = arith.extui %eq3A_3 : i1 to i32
    %cond3A_5 = arith.constant 0 : i32
    %cond3A_6 = arith.cmpi ne, %convert_element_type3A_4, %cond3A_5 : i32
    scf.if %cond3A_6 {
      %scan3A = arith.constant 0 : i32
      %scan3A_13 = arith.constant 0 : i32
      %scan3A_14 = arith.constant 125 : i32
      %scan3A_15 = arith.addi %scan3A_13, %scan3A_14 : i32
      %scan3A_16 = arith.constant 1 : i32
      scf.for %scan3A_18 = %scan3A_13 to %scan3A_15 step %scan3A_16  : i32 {
        "tpu.region"() ({
          %run_scoped3A = tpu.sem_alloc : memref<!tpu.dma_semaphore, #tpu.memory_space<semaphore_mem>>
          %dma_start3A = arith.constant 0 : i32
          %dma_start3A_19 = tpu.memref_slice %arg5[%scan3A_18, %dma_start3A] : memref<125x80xi32, #tpu.memory_space<vmem>> -> memref<1x80xi32, #tpu.memory_space<vmem>>
          %dma_start3A_20 = tpu.memref_squeeze %dma_start3A_19 : memref<1x80xi32, #tpu.memory_space<vmem>> -> memref<80xi32, #tpu.memory_space<vmem>>
          %dma_start3A_21 = arith.constant 0 : i32
          %dma_start3A_22 = tpu.memref_slice %arg4[%dma_start3A_21] : memref<10240xf32, #tpu.memory_space<vmem_shared>> -> memref<10240xf32, #tpu.memory_space<vmem_shared>>
          tpu.enqueue_indirect_dma source(%arg6 : memref<80xf32, #tpu.memory_space<vmem>>) target(%dma_start3A_22 : memref<10240xf32, #tpu.memory_space<vmem_shared>>) offsets(%dma_start3A_20 : memref<80xi32, #tpu.memory_space<vmem>>) semaphore(%run_scoped3A : memref<!tpu.dma_semaphore, #tpu.memory_space<semaphore_mem>>) {add = true}
          %dma_wait3A = arith.constant 0 : i32
          %dma_wait3A_23 = tpu.memref_slice %arg5[%scan3A_18, %dma_wait3A] : memref<125x80xi32, #tpu.memory_space<vmem>> -> memref<1x80xi32, #tpu.memory_space<vmem>>
          %dma_wait3A_24 = tpu.memref_squeeze %dma_wait3A_23 : memref<1x80xi32, #tpu.memory_space<vmem>> -> memref<80xi32, #tpu.memory_space<vmem>>
          %dma_wait3A_25 = arith.constant 0 : i32
          %dma_wait3A_26 = tpu.memref_slice %arg4[%dma_wait3A_25] : memref<10240xf32, #tpu.memory_space<vmem_shared>> -> memref<10240xf32, #tpu.memory_space<vmem_shared>>
          tpu.wait_indirect_dma semaphore(%run_scoped3A : memref<!tpu.dma_semaphore, #tpu.memory_space<semaphore_mem>>) src(%arg6 : memref<80xf32, #tpu.memory_space<vmem>>) dst(%dma_wait3A_26 : memref<10240xf32, #tpu.memory_space<vmem_shared>>)
          tpu.yield
        }) : () -> ()
      }
      %scan3A_17 = arith.constant 125 : i32
    } else {
    }
    %barrier3A_7 = arith.constant 0 : index
    tpu.barrier barrier_id(%barrier3A_7)
    %eq3A_8 = arith.constant 0 : i32
    %eq3A_9 = arith.cmpi eq, %arg0, %eq3A_8 : i32
    %convert_element_type3A_10 = arith.extui %eq3A_9 : i1 to i32
    %cond3A_11 = arith.constant 0 : i32
    %cond3A_12 = arith.cmpi ne, %convert_element_type3A_10, %cond3A_11 : i32
    scf.if %cond3A_12 {
      %mul3A = arith.constant 640 : i32
      %mul3A_13 = arith.muli %arg1, %mul3A : i32
      "tpu.region"() ({
        %run_scoped3A = tpu.sem_alloc : memref<!tpu.dma_semaphore, #tpu.memory_space<semaphore_mem>>
        %dma_start3A = tpu.memref_slice %arg4[%mul3A_13] : memref<10240xf32, #tpu.memory_space<vmem_shared>> -> memref<640xf32, #tpu.memory_space<vmem_shared>>
        %dma_start3A_27 = tpu.memref_slice %arg4[%mul3A_13] : memref<10240xf32, #tpu.memory_space<vmem_shared>> -> memref<640xf32, #tpu.memory_space<vmem_shared>>
        tpu.enqueue_dma source(%dma_start3A_27 : memref<640xf32, #tpu.memory_space<vmem_shared>>) target(%arg7 : memref<640xf32, #tpu.memory_space<vmem>>) target_semaphore(%run_scoped3A : memref<!tpu.dma_semaphore, #tpu.memory_space<semaphore_mem>>)
        %dma_wait3A = tpu.memref_slice %arg4[%mul3A_13] : memref<10240xf32, #tpu.memory_space<vmem_shared>> -> memref<640xf32, #tpu.memory_space<vmem_shared>>
        %dma_wait3A_28 = tpu.memref_slice %arg4[%mul3A_13] : memref<10240xf32, #tpu.memory_space<vmem_shared>> -> memref<640xf32, #tpu.memory_space<vmem_shared>>
        tpu.wait_dma2 semaphore(%run_scoped3A : memref<!tpu.dma_semaphore, #tpu.memory_space<semaphore_mem>>) src(%dma_wait3A_28 : memref<640xf32, #tpu.memory_space<vmem_shared>>) dst(%arg7 : memref<640xf32, #tpu.memory_space<vmem>>)
        tpu.yield
      }) : () -> ()
      %scan3A = arith.constant 0 : i32
      %scan3A_14 = arith.constant 0 : i32
      %scan3A_15 = arith.constant 40 : i32
      %scan3A_16 = arith.addi %scan3A_14, %scan3A_15 : i32
      %scan3A_17 = arith.constant 1 : i32
      scf.for %scan3A_27 = %scan3A_14 to %scan3A_16 step %scan3A_17  : i32 {
        %mul3A_28 = arith.constant 16 : i32
        %mul3A_29 = arith.muli %scan3A_27, %mul3A_28 : i32
        %get3A = arith.index_cast %mul3A_29 : i32 to index
        %get3A_30 = tpu.vector_load %arg7[%get3A] {strides = array<i32>} : memref<640xf32, #tpu.memory_space<vmem>>, vector<16xf32>,
        %get3A_31 = vector.shape_cast %get3A_30 : vector<16xf32> to vector<16xf32>
        %add3A = arith.constant 1.000000e+00 : f32
        %add3A_32 = vector.broadcast %add3A : f32 to vector<16xf32>
        %add3A_33 = arith.addf %get3A_31, %add3A_32 : vector<16xf32>
        %div3A = arith.constant 1.000000e+00 : f32
        %div3A_34 = vector.broadcast %div3A : f32 to vector<16xf32>
        %div3A_35 = arith.divf %div3A_34, %add3A_33 : vector<16xf32>
        %mul3A_36 = arith.constant 16 : i32
        %mul3A_37 = arith.muli %scan3A_27, %mul3A_36 : i32
        %swap3A = arith.index_cast %mul3A_37 : i32 to index
        %swap3A_38 = tpu.vector_load %arg7[%swap3A] {strides = array<i32>} : memref<640xf32, #tpu.memory_space<vmem>>, vector<16xf32>,
        %swap3A_39 = vector.shape_cast %swap3A_38 : vector<16xf32> to vector<16xf32>
        %swap3A_40 = vector.shape_cast %div3A_35 : vector<16xf32> to vector<16xf32>
        tpu.vector_store %arg7[%swap3A], %swap3A_40 {strides = array<i32>} : memref<640xf32, #tpu.memory_space<vmem>>, vector<16xf32>,
      }
      %scan3A_18 = arith.constant 40 : i32
      %scan3A_19 = arith.constant 0 : i32
      %scan3A_20 = arith.constant 0 : i32
      %scan3A_21 = arith.constant 40 : i32
      %scan3A_22 = arith.addi %scan3A_20, %scan3A_21 : i32
      %scan3A_23 = arith.constant 1 : i32
      scf.for %scan3A_27 = %scan3A_20 to %scan3A_22 step %scan3A_23  : i32 {
        %mul3A_28 = arith.constant 16 : i32
        %mul3A_29 = arith.muli %scan3A_27, %mul3A_28 : i32
        %get3A = arith.index_cast %mul3A_29 : i32 to index
        %get3A_30 = tpu.vector_load %arg7[%get3A] {strides = array<i32>} : memref<640xf32, #tpu.memory_space<vmem>>, vector<16xf32>,
        %get3A_31 = vector.shape_cast %get3A_30 : vector<16xf32> to vector<16xf32>
        %broadcast_in_dim3A = arith.constant 1.000000e+00 : f32
        %broadcast_in_dim3A_32 = vector.broadcast %broadcast_in_dim3A : f32 to vector<16xf32>
        %slice3A = vector.extract_strided_slice %get3A_31 {offsets = [0], sizes = [1], strides = [1]} : vector<16xf32> to vector<1xf32>
        %squeeze3A = vector.extract %slice3A[0] : f32 from vector<1xf32>
        %mul3A_33 = vector.broadcast %squeeze3A : f32 to vector<16xf32>
        %mul3A_34 = arith.mulf %broadcast_in_dim3A_32, %mul3A_33 : vector<16xf32>
        %mul3A_35 = arith.constant 16 : i32
        %mul3A_36 = arith.muli %scan3A_27, %mul3A_35 : i32
        %add3A = arith.constant 0 : i32
        %add3A_37 = arith.addi %mul3A_36, %add3A : i32
        %swap3A = arith.index_cast %add3A_37 : i32 to index
        %swap3A_38 = arith.constant 0 : index
        %swap3A_39 = tpu.vector_load %arg8[%swap3A, %swap3A_38] {strides = array<i32>} : memref<640x16xf32, #tpu.memory_space<vmem>>, vector<1x16xf32>,
        %swap3A_40 = vector.shape_cast %swap3A_39 : vector<1x16xf32> to vector<16xf32>
        %swap3A_41 = vector.shape_cast %mul3A_34 : vector<16xf32> to vector<1x16xf32>
        tpu.vector_store %arg8[%swap3A, %swap3A_38], %swap3A_41 {strides = array<i32>} : memref<640x16xf32, #tpu.memory_space<vmem>>, vector<1x16xf32>,
        %broadcast_in_dim3A_42 = arith.constant 1.000000e+00 : f32
        %broadcast_in_dim3A_43 = vector.broadcast %broadcast_in_dim3A_42 : f32 to vector<16xf32>
        %slice3A_44 = vector.extract_strided_slice %get3A_31 {offsets = [1], sizes = [1], strides = [1]} : vector<16xf32> to vector<1xf32>
        %squeeze3A_45 = vector.extract %slice3A_44[0] : f32 from vector<1xf32>
        %mul3A_46 = vector.broadcast %squeeze3A_45 : f32 to vector<16xf32>
        %mul3A_47 = arith.mulf %broadcast_in_dim3A_43, %mul3A_46 : vector<16xf32>
        %mul3A_48 = arith.constant 16 : i32
        %mul3A_49 = arith.muli %scan3A_27, %mul3A_48 : i32
        %add3A_50 = arith.constant 1 : i32
        %add3A_51 = arith.addi %mul3A_49, %add3A_50 : i32
        %swap3A_52 = arith.index_cast %add3A_51 : i32 to index
        %swap3A_53 = arith.constant 0 : index
        %swap3A_54 = tpu.vector_load %arg8[%swap3A_52, %swap3A_53] {strides = array<i32>} : memref<640x16xf32, #tpu.memory_space<vmem>>, vector<1x16xf32>,
        %swap3A_55 = vector.shape_cast %swap3A_54 : vector<1x16xf32> to vector<16xf32>
        %swap3A_56 = vector.shape_cast %mul3A_47 : vector<16xf32> to vector<1x16xf32>
        tpu.vector_store %arg8[%swap3A_52, %swap3A_53], %swap3A_56 {strides = array<i32>} : memref<640x16xf32, #tpu.memory_space<vmem>>, vector<1x16xf32>,
        %broadcast_in_dim3A_57 = arith.constant 1.000000e+00 : f32
        %broadcast_in_dim3A_58 = vector.broadcast %broadcast_in_dim3A_57 : f32 to vector<16xf32>
        %slice3A_59 = vector.extract_strided_slice %get3A_31 {offsets = [2], sizes = [1], strides = [1]} : vector<16xf32> to vector<1xf32>
        %squeeze3A_60 = vector.extract %slice3A_59[0] : f32 from vector<1xf32>
        %mul3A_61 = vector.broadcast %squeeze3A_60 : f32 to vector<16xf32>
        %mul3A_62 = arith.mulf %broadcast_in_dim3A_58, %mul3A_61 : vector<16xf32>
        %mul3A_63 = arith.constant 16 : i32
        %mul3A_64 = arith.muli %scan3A_27, %mul3A_63 : i32
        %add3A_65 = arith.constant 2 : i32
        %add3A_66 = arith.addi %mul3A_64, %add3A_65 : i32
        %swap3A_67 = arith.index_cast %add3A_66 : i32 to index
        %swap3A_68 = arith.constant 0 : index
        %swap3A_69 = tpu.vector_load %arg8[%swap3A_67, %swap3A_68] {strides = array<i32>} : memref<640x16xf32, #tpu.memory_space<vmem>>, vector<1x16xf32>,
        %swap3A_70 = vector.shape_cast %swap3A_69 : vector<1x16xf32> to vector<16xf32>
        %swap3A_71 = vector.shape_cast %mul3A_62 : vector<16xf32> to vector<1x16xf32>
        tpu.vector_store %arg8[%swap3A_67, %swap3A_68], %swap3A_71 {strides = array<i32>} : memref<640x16xf32, #tpu.memory_space<vmem>>, vector<1x16xf32>,
        %broadcast_in_dim3A_72 = arith.constant 1.000000e+00 : f32
        %broadcast_in_dim3A_73 = vector.broadcast %broadcast_in_dim3A_72 : f32 to vector<16xf32>
        %slice3A_74 = vector.extract_strided_slice %get3A_31 {offsets = [3], sizes = [1], strides = [1]} : vector<16xf32> to vector<1xf32>
        %squeeze3A_75 = vector.extract %slice3A_74[0] : f32 from vector<1xf32>
        %mul3A_76 = vector.broadcast %squeeze3A_75 : f32 to vector<16xf32>
        %mul3A_77 = arith.mulf %broadcast_in_dim3A_73, %mul3A_76 : vector<16xf32>
        %mul3A_78 = arith.constant 16 : i32
        %mul3A_79 = arith.muli %scan3A_27, %mul3A_78 : i32
        %add3A_80 = arith.constant 3 : i32
        %add3A_81 = arith.addi %mul3A_79, %add3A_80 : i32
        %swap3A_82 = arith.index_cast %add3A_81 : i32 to index
        %swap3A_83 = arith.constant 0 : index
        %swap3A_84 = tpu.vector_load %arg8[%swap3A_82, %swap3A_83] {strides = array<i32>} : memref<640x16xf32, #tpu.memory_space<vmem>>, vector<1x16xf32>,
        %swap3A_85 = vector.shape_cast %swap3A_84 : vector<1x16xf32> to vector<16xf32>
        %swap3A_86 = vector.shape_cast %mul3A_77 : vector<16xf32> to vector<1x16xf32>
        tpu.vector_store %arg8[%swap3A_82, %swap3A_83], %swap3A_86 {strides = array<i32>} : memref<640x16xf32, #tpu.memory_space<vmem>>, vector<1x16xf32>,
        %broadcast_in_dim3A_87 = arith.constant 1.000000e+00 : f32
        %broadcast_in_dim3A_88 = vector.broadcast %broadcast_in_dim3A_87 : f32 to vector<16xf32>
        %slice3A_89 = vector.extract_strided_slice %get3A_31 {offsets = [4], sizes = [1], strides = [1]} : vector<16xf32> to vector<1xf32>
        %squeeze3A_90 = vector.extract %slice3A_89[0] : f32 from vector<1xf32>
        %mul3A_91 = vector.broadcast %squeeze3A_90 : f32 to vector<16xf32>
        %mul3A_92 = arith.mulf %broadcast_in_dim3A_88, %mul3A_91 : vector<16xf32>
        %mul3A_93 = arith.constant 16 : i32
        %mul3A_94 = arith.muli %scan3A_27, %mul3A_93 : i32
        %add3A_95 = arith.constant 4 : i32
        %add3A_96 = arith.addi %mul3A_94, %add3A_95 : i32
        %swap3A_97 = arith.index_cast %add3A_96 : i32 to index
        %swap3A_98 = arith.constant 0 : index
        %swap3A_99 = tpu.vector_load %arg8[%swap3A_97, %swap3A_98] {strides = array<i32>} : memref<640x16xf32, #tpu.memory_space<vmem>>, vector<1x16xf32>,
        %swap3A_100 = vector.shape_cast %swap3A_99 : vector<1x16xf32> to vector<16xf32>
        %swap3A_101 = vector.shape_cast %mul3A_92 : vector<16xf32> to vector<1x16xf32>
        tpu.vector_store %arg8[%swap3A_97, %swap3A_98], %swap3A_101 {strides = array<i32>} : memref<640x16xf32, #tpu.memory_space<vmem>>, vector<1x16xf32>,
        %broadcast_in_dim3A_102 = arith.constant 1.000000e+00 : f32
        %broadcast_in_dim3A_103 = vector.broadcast %broadcast_in_dim3A_102 : f32 to vector<16xf32>
        %slice3A_104 = vector.extract_strided_slice %get3A_31 {offsets = [5], sizes = [1], strides = [1]} : vector<16xf32> to vector<1xf32>
        %squeeze3A_105 = vector.extract %slice3A_104[0] : f32 from vector<1xf32>
        %mul3A_106 = vector.broadcast %squeeze3A_105 : f32 to vector<16xf32>
        %mul3A_107 = arith.mulf %broadcast_in_dim3A_103, %mul3A_106 : vector<16xf32>
        %mul3A_108 = arith.constant 16 : i32
        %mul3A_109 = arith.muli %scan3A_27, %mul3A_108 : i32
        %add3A_110 = arith.constant 5 : i32
        %add3A_111 = arith.addi %mul3A_109, %add3A_110 : i32
        %swap3A_112 = arith.index_cast %add3A_111 : i32 to index
        %swap3A_113 = arith.constant 0 : index
        %swap3A_114 = tpu.vector_load %arg8[%swap3A_112, %swap3A_113] {strides = array<i32>} : memref<640x16xf32, #tpu.memory_space<vmem>>, vector<1x16xf32>,
        %swap3A_115 = vector.shape_cast %swap3A_114 : vector<1x16xf32> to vector<16xf32>
        %swap3A_116 = vector.shape_cast %mul3A_107 : vector<16xf32> to vector<1x16xf32>
        tpu.vector_store %arg8[%swap3A_112, %swap3A_113], %swap3A_116 {strides = array<i32>} : memref<640x16xf32, #tpu.memory_space<vmem>>, vector<1x16xf32>,
        %broadcast_in_dim3A_117 = arith.constant 1.000000e+00 : f32
        %broadcast_in_dim3A_118 = vector.broadcast %broadcast_in_dim3A_117 : f32 to vector<16xf32>
        %slice3A_119 = vector.extract_strided_slice %get3A_31 {offsets = [6], sizes = [1], strides = [1]} : vector<16xf32> to vector<1xf32>
        %squeeze3A_120 = vector.extract %slice3A_119[0] : f32 from vector<1xf32>
        %mul3A_121 = vector.broadcast %squeeze3A_120 : f32 to vector<16xf32>
        %mul3A_122 = arith.mulf %broadcast_in_dim3A_118, %mul3A_121 : vector<16xf32>
        %mul3A_123 = arith.constant 16 : i32
        %mul3A_124 = arith.muli %scan3A_27, %mul3A_123 : i32
        %add3A_125 = arith.constant 6 : i32
        %add3A_126 = arith.addi %mul3A_124, %add3A_125 : i32
        %swap3A_127 = arith.index_cast %add3A_126 : i32 to index
        %swap3A_128 = arith.constant 0 : index
        %swap3A_129 = tpu.vector_load %arg8[%swap3A_127, %swap3A_128] {strides = array<i32>} : memref<640x16xf32, #tpu.memory_space<vmem>>, vector<1x16xf32>,
        %swap3A_130 = vector.shape_cast %swap3A_129 : vector<1x16xf32> to vector<16xf32>
        %swap3A_131 = vector.shape_cast %mul3A_122 : vector<16xf32> to vector<1x16xf32>
        tpu.vector_store %arg8[%swap3A_127, %swap3A_128], %swap3A_131 {strides = array<i32>} : memref<640x16xf32, #tpu.memory_space<vmem>>, vector<1x16xf32>,
        %broadcast_in_dim3A_132 = arith.constant 1.000000e+00 : f32
        %broadcast_in_dim3A_133 = vector.broadcast %broadcast_in_dim3A_132 : f32 to vector<16xf32>
        %slice3A_134 = vector.extract_strided_slice %get3A_31 {offsets = [7], sizes = [1], strides = [1]} : vector<16xf32> to vector<1xf32>
        %squeeze3A_135 = vector.extract %slice3A_134[0] : f32 from vector<1xf32>
        %mul3A_136 = vector.broadcast %squeeze3A_135 : f32 to vector<16xf32>
        %mul3A_137 = arith.mulf %broadcast_in_dim3A_133, %mul3A_136 : vector<16xf32>
        %mul3A_138 = arith.constant 16 : i32
        %mul3A_139 = arith.muli %scan3A_27, %mul3A_138 : i32
        %add3A_140 = arith.constant 7 : i32
        %add3A_141 = arith.addi %mul3A_139, %add3A_140 : i32
        %swap3A_142 = arith.index_cast %add3A_141 : i32 to index
        %swap3A_143 = arith.constant 0 : index
        %swap3A_144 = tpu.vector_load %arg8[%swap3A_142, %swap3A_143] {strides = array<i32>} : memref<640x16xf32, #tpu.memory_space<vmem>>, vector<1x16xf32>,
        %swap3A_145 = vector.shape_cast %swap3A_144 : vector<1x16xf32> to vector<16xf32>
        %swap3A_146 = vector.shape_cast %mul3A_137 : vector<16xf32> to vector<1x16xf32>
        tpu.vector_store %arg8[%swap3A_142, %swap3A_143], %swap3A_146 {strides = array<i32>} : memref<640x16xf32, #tpu.memory_space<vmem>>, vector<1x16xf32>,
        %broadcast_in_dim3A_147 = arith.constant 1.000000e+00 : f32
        %broadcast_in_dim3A_148 = vector.broadcast %broadcast_in_dim3A_147 : f32 to vector<16xf32>
        %slice3A_149 = vector.extract_strided_slice %get3A_31 {offsets = [8], sizes = [1], strides = [1]} : vector<16xf32> to vector<1xf32>
        %squeeze3A_150 = vector.extract %slice3A_149[0] : f32 from vector<1xf32>
        %mul3A_151 = vector.broadcast %squeeze3A_150 : f32 to vector<16xf32>
        %mul3A_152 = arith.mulf %broadcast_in_dim3A_148, %mul3A_151 : vector<16xf32>
        %mul3A_153 = arith.constant 16 : i32
        %mul3A_154 = arith.muli %scan3A_27, %mul3A_153 : i32
        %add3A_155 = arith.constant 8 : i32
        %add3A_156 = arith.addi %mul3A_154, %add3A_155 : i32
        %swap3A_157 = arith.index_cast %add3A_156 : i32 to index
        %swap3A_158 = arith.constant 0 : index
        %swap3A_159 = tpu.vector_load %arg8[%swap3A_157, %swap3A_158] {strides = array<i32>} : memref<640x16xf32, #tpu.memory_space<vmem>>, vector<1x16xf32>,
        %swap3A_160 = vector.shape_cast %swap3A_159 : vector<1x16xf32> to vector<16xf32>
        %swap3A_161 = vector.shape_cast %mul3A_152 : vector<16xf32> to vector<1x16xf32>
        tpu.vector_store %arg8[%swap3A_157, %swap3A_158], %swap3A_161 {strides = array<i32>} : memref<640x16xf32, #tpu.memory_space<vmem>>, vector<1x16xf32>,
        %broadcast_in_dim3A_162 = arith.constant 1.000000e+00 : f32
        %broadcast_in_dim3A_163 = vector.broadcast %broadcast_in_dim3A_162 : f32 to vector<16xf32>
        %slice3A_164 = vector.extract_strided_slice %get3A_31 {offsets = [9], sizes = [1], strides = [1]} : vector<16xf32> to vector<1xf32>
        %squeeze3A_165 = vector.extract %slice3A_164[0] : f32 from vector<1xf32>
        %mul3A_166 = vector.broadcast %squeeze3A_165 : f32 to vector<16xf32>
        %mul3A_167 = arith.mulf %broadcast_in_dim3A_163, %mul3A_166 : vector<16xf32>
        %mul3A_168 = arith.constant 16 : i32
        %mul3A_169 = arith.muli %scan3A_27, %mul3A_168 : i32
        %add3A_170 = arith.constant 9 : i32
        %add3A_171 = arith.addi %mul3A_169, %add3A_170 : i32
        %swap3A_172 = arith.index_cast %add3A_171 : i32 to index
        %swap3A_173 = arith.constant 0 : index
        %swap3A_174 = tpu.vector_load %arg8[%swap3A_172, %swap3A_173] {strides = array<i32>} : memref<640x16xf32, #tpu.memory_space<vmem>>, vector<1x16xf32>,
        %swap3A_175 = vector.shape_cast %swap3A_174 : vector<1x16xf32> to vector<16xf32>
        %swap3A_176 = vector.shape_cast %mul3A_167 : vector<16xf32> to vector<1x16xf32>
        tpu.vector_store %arg8[%swap3A_172, %swap3A_173], %swap3A_176 {strides = array<i32>} : memref<640x16xf32, #tpu.memory_space<vmem>>, vector<1x16xf32>,
        %broadcast_in_dim3A_177 = arith.constant 1.000000e+00 : f32
        %broadcast_in_dim3A_178 = vector.broadcast %broadcast_in_dim3A_177 : f32 to vector<16xf32>
        %slice3A_179 = vector.extract_strided_slice %get3A_31 {offsets = [10], sizes = [1], strides = [1]} : vector<16xf32> to vector<1xf32>
        %squeeze3A_180 = vector.extract %slice3A_179[0] : f32 from vector<1xf32>
        %mul3A_181 = vector.broadcast %squeeze3A_180 : f32 to vector<16xf32>
        %mul3A_182 = arith.mulf %broadcast_in_dim3A_178, %mul3A_181 : vector<16xf32>
        %mul3A_183 = arith.constant 16 : i32
        %mul3A_184 = arith.muli %scan3A_27, %mul3A_183 : i32
        %add3A_185 = arith.constant 10 : i32
        %add3A_186 = arith.addi %mul3A_184, %add3A_185 : i32
        %swap3A_187 = arith.index_cast %add3A_186 : i32 to index
        %swap3A_188 = arith.constant 0 : index
        %swap3A_189 = tpu.vector_load %arg8[%swap3A_187, %swap3A_188] {strides = array<i32>} : memref<640x16xf32, #tpu.memory_space<vmem>>, vector<1x16xf32>,
        %swap3A_190 = vector.shape_cast %swap3A_189 : vector<1x16xf32> to vector<16xf32>
        %swap3A_191 = vector.shape_cast %mul3A_182 : vector<16xf32> to vector<1x16xf32>
        tpu.vector_store %arg8[%swap3A_187, %swap3A_188], %swap3A_191 {strides = array<i32>} : memref<640x16xf32, #tpu.memory_space<vmem>>, vector<1x16xf32>,
        %broadcast_in_dim3A_192 = arith.constant 1.000000e+00 : f32
        %broadcast_in_dim3A_193 = vector.broadcast %broadcast_in_dim3A_192 : f32 to vector<16xf32>
        %slice3A_194 = vector.extract_strided_slice %get3A_31 {offsets = [11], sizes = [1], strides = [1]} : vector<16xf32> to vector<1xf32>
        %squeeze3A_195 = vector.extract %slice3A_194[0] : f32 from vector<1xf32>
        %mul3A_196 = vector.broadcast %squeeze3A_195 : f32 to vector<16xf32>
        %mul3A_197 = arith.mulf %broadcast_in_dim3A_193, %mul3A_196 : vector<16xf32>
        %mul3A_198 = arith.constant 16 : i32
        %mul3A_199 = arith.muli %scan3A_27, %mul3A_198 : i32
        %add3A_200 = arith.constant 11 : i32
        %add3A_201 = arith.addi %mul3A_199, %add3A_200 : i32
        %swap3A_202 = arith.index_cast %add3A_201 : i32 to index
        %swap3A_203 = arith.constant 0 : index
        %swap3A_204 = tpu.vector_load %arg8[%swap3A_202, %swap3A_203] {strides = array<i32>} : memref<640x16xf32, #tpu.memory_space<vmem>>, vector<1x16xf32>,
        %swap3A_205 = vector.shape_cast %swap3A_204 : vector<1x16xf32> to vector<16xf32>
        %swap3A_206 = vector.shape_cast %mul3A_197 : vector<16xf32> to vector<1x16xf32>
        tpu.vector_store %arg8[%swap3A_202, %swap3A_203], %swap3A_206 {strides = array<i32>} : memref<640x16xf32, #tpu.memory_space<vmem>>, vector<1x16xf32>,
        %broadcast_in_dim3A_207 = arith.constant 1.000000e+00 : f32
        %broadcast_in_dim3A_208 = vector.broadcast %broadcast_in_dim3A_207 : f32 to vector<16xf32>
        %slice3A_209 = vector.extract_strided_slice %get3A_31 {offsets = [12], sizes = [1], strides = [1]} : vector<16xf32> to vector<1xf32>
        %squeeze3A_210 = vector.extract %slice3A_209[0] : f32 from vector<1xf32>
        %mul3A_211 = vector.broadcast %squeeze3A_210 : f32 to vector<16xf32>
        %mul3A_212 = arith.mulf %broadcast_in_dim3A_208, %mul3A_211 : vector<16xf32>
        %mul3A_213 = arith.constant 16 : i32
        %mul3A_214 = arith.muli %scan3A_27, %mul3A_213 : i32
        %add3A_215 = arith.constant 12 : i32
        %add3A_216 = arith.addi %mul3A_214, %add3A_215 : i32
        %swap3A_217 = arith.index_cast %add3A_216 : i32 to index
        %swap3A_218 = arith.constant 0 : index
        %swap3A_219 = tpu.vector_load %arg8[%swap3A_217, %swap3A_218] {strides = array<i32>} : memref<640x16xf32, #tpu.memory_space<vmem>>, vector<1x16xf32>,
        %swap3A_220 = vector.shape_cast %swap3A_219 : vector<1x16xf32> to vector<16xf32>
        %swap3A_221 = vector.shape_cast %mul3A_212 : vector<16xf32> to vector<1x16xf32>
        tpu.vector_store %arg8[%swap3A_217, %swap3A_218], %swap3A_221 {strides = array<i32>} : memref<640x16xf32, #tpu.memory_space<vmem>>, vector<1x16xf32>,
        %broadcast_in_dim3A_222 = arith.constant 1.000000e+00 : f32
        %broadcast_in_dim3A_223 = vector.broadcast %broadcast_in_dim3A_222 : f32 to vector<16xf32>
        %slice3A_224 = vector.extract_strided_slice %get3A_31 {offsets = [13], sizes = [1], strides = [1]} : vector<16xf32> to vector<1xf32>
        %squeeze3A_225 = vector.extract %slice3A_224[0] : f32 from vector<1xf32>
        %mul3A_226 = vector.broadcast %squeeze3A_225 : f32 to vector<16xf32>
        %mul3A_227 = arith.mulf %broadcast_in_dim3A_223, %mul3A_226 : vector<16xf32>
        %mul3A_228 = arith.constant 16 : i32
        %mul3A_229 = arith.muli %scan3A_27, %mul3A_228 : i32
        %add3A_230 = arith.constant 13 : i32
        %add3A_231 = arith.addi %mul3A_229, %add3A_230 : i32
        %swap3A_232 = arith.index_cast %add3A_231 : i32 to index
        %swap3A_233 = arith.constant 0 : index
        %swap3A_234 = tpu.vector_load %arg8[%swap3A_232, %swap3A_233] {strides = array<i32>} : memref<640x16xf32, #tpu.memory_space<vmem>>, vector<1x16xf32>,
        %swap3A_235 = vector.shape_cast %swap3A_234 : vector<1x16xf32> to vector<16xf32>
        %swap3A_236 = vector.shape_cast %mul3A_227 : vector<16xf32> to vector<1x16xf32>
        tpu.vector_store %arg8[%swap3A_232, %swap3A_233], %swap3A_236 {strides = array<i32>} : memref<640x16xf32, #tpu.memory_space<vmem>>, vector<1x16xf32>,
        %broadcast_in_dim3A_237 = arith.constant 1.000000e+00 : f32
        %broadcast_in_dim3A_238 = vector.broadcast %broadcast_in_dim3A_237 : f32 to vector<16xf32>
        %slice3A_239 = vector.extract_strided_slice %get3A_31 {offsets = [14], sizes = [1], strides = [1]} : vector<16xf32> to vector<1xf32>
        %squeeze3A_240 = vector.extract %slice3A_239[0] : f32 from vector<1xf32>
        %mul3A_241 = vector.broadcast %squeeze3A_240 : f32 to vector<16xf32>
        %mul3A_242 = arith.mulf %broadcast_in_dim3A_238, %mul3A_241 : vector<16xf32>
        %mul3A_243 = arith.constant 16 : i32
        %mul3A_244 = arith.muli %scan3A_27, %mul3A_243 : i32
        %add3A_245 = arith.constant 14 : i32
        %add3A_246 = arith.addi %mul3A_244, %add3A_245 : i32
        %swap3A_247 = arith.index_cast %add3A_246 : i32 to index
        %swap3A_248 = arith.constant 0 : index
        %swap3A_249 = tpu.vector_load %arg8[%swap3A_247, %swap3A_248] {strides = array<i32>} : memref<640x16xf32, #tpu.memory_space<vmem>>, vector<1x16xf32>,
        %swap3A_250 = vector.shape_cast %swap3A_249 : vector<1x16xf32> to vector<16xf32>
        %swap3A_251 = vector.shape_cast %mul3A_242 : vector<16xf32> to vector<1x16xf32>
        tpu.vector_store %arg8[%swap3A_247, %swap3A_248], %swap3A_251 {strides = array<i32>} : memref<640x16xf32, #tpu.memory_space<vmem>>, vector<1x16xf32>,
        %broadcast_in_dim3A_252 = arith.constant 1.000000e+00 : f32
        %broadcast_in_dim3A_253 = vector.broadcast %broadcast_in_dim3A_252 : f32 to vector<16xf32>
        %slice3A_254 = vector.extract_strided_slice %get3A_31 {offsets = [15], sizes = [1], strides = [1]} : vector<16xf32> to vector<1xf32>
        %squeeze3A_255 = vector.extract %slice3A_254[0] : f32 from vector<1xf32>
        %mul3A_256 = vector.broadcast %squeeze3A_255 : f32 to vector<16xf32>
        %mul3A_257 = arith.mulf %broadcast_in_dim3A_253, %mul3A_256 : vector<16xf32>
        %mul3A_258 = arith.constant 16 : i32
        %mul3A_259 = arith.muli %scan3A_27, %mul3A_258 : i32
        %add3A_260 = arith.constant 15 : i32
        %add3A_261 = arith.addi %mul3A_259, %add3A_260 : i32
        %swap3A_262 = arith.index_cast %add3A_261 : i32 to index
        %swap3A_263 = arith.constant 0 : index
        %swap3A_264 = tpu.vector_load %arg8[%swap3A_262, %swap3A_263] {strides = array<i32>} : memref<640x16xf32, #tpu.memory_space<vmem>>, vector<1x16xf32>,
        %swap3A_265 = vector.shape_cast %swap3A_264 : vector<1x16xf32> to vector<16xf32>
        %swap3A_266 = vector.shape_cast %mul3A_257 : vector<16xf32> to vector<1x16xf32>
        tpu.vector_store %arg8[%swap3A_262, %swap3A_263], %swap3A_266 {strides = array<i32>} : memref<640x16xf32, #tpu.memory_space<vmem>>, vector<1x16xf32>,
      }
      %scan3A_24 = arith.constant 40 : i32
      %mul3A_25 = arith.constant 640 : i32
      %mul3A_26 = arith.muli %arg1, %mul3A_25 : i32
      "tpu.region"() ({
        %run_scoped3A = tpu.sem_alloc : memref<!tpu.dma_semaphore, #tpu.memory_space<semaphore_mem>>
        %dma_start3A = arith.constant 0 : i32
        %dma_start3A_27 = tpu.memref_slice %arg3[%mul3A_26, %dma_start3A] : memref<10240x16xf32, #tpu.memory_space<hbm>> -> memref<640x16xf32, #tpu.memory_space<hbm>>
        %dma_start3A_28 = arith.constant 0 : i32
        %dma_start3A_29 = tpu.memref_slice %arg3[%mul3A_26, %dma_start3A_28] : memref<10240x16xf32, #tpu.memory_space<hbm>> -> memref<640x16xf32, #tpu.memory_space<hbm>>
        tpu.enqueue_dma source(%arg8 : memref<640x16xf32, #tpu.memory_space<vmem>>) target(%dma_start3A_29 : memref<640x16xf32, #tpu.memory_space<hbm>>) target_semaphore(%run_scoped3A : memref<!tpu.dma_semaphore, #tpu.memory_space<semaphore_mem>>)
        %dma_wait3A = arith.constant 0 : i32
        %dma_wait3A_30 = tpu.memref_slice %arg3[%mul3A_26, %dma_wait3A] : memref<10240x16xf32, #tpu.memory_space<hbm>> -> memref<640x16xf32, #tpu.memory_space<hbm>>
        %dma_wait3A_31 = arith.constant 0 : i32
        %dma_wait3A_32 = tpu.memref_slice %arg3[%mul3A_26, %dma_wait3A_31] : memref<10240x16xf32, #tpu.memory_space<hbm>> -> memref<640x16xf32, #tpu.memory_space<hbm>>
        tpu.wait_dma2 semaphore(%run_scoped3A : memref<!tpu.dma_semaphore, #tpu.memory_space<semaphore_mem>>) src(%arg8 : memref<640x16xf32, #tpu.memory_space<vmem>>) dst(%dma_wait3A_32 : memref<640x16xf32, #tpu.memory_space<hbm>>)
        tpu.yield
      }) : () -> ()
    } else {
    }
    return
  }
}

#map = affine_map<(d0, d1) -> (0, 0)>
#map1 = affine_map<(d0, d1) -> (0, 0, 0)>
module attributes {stable_mosaic.version = 14 : i64} {
  func.func @_sc_agg_body(%arg0: i32, %arg1: i32, %arg2: memref<20000x128xf32, #tpu.memory_space<hbm>>, %arg3: memref<2x16x10000xi32, #tpu.memory_space<hbm>>, %arg4: memref<16x10000xi32, #tpu.memory_space<hbm>>, %arg5: memref<2x10000x128xf32, #tpu.memory_space<hbm>>, %arg6: memref<10000x128xf32, #tpu.memory_space<vmem_shared>>, %arg7: memref<10000xi32, #tpu.memory_space<vmem>>, %arg8: memref<10000xi32, #tpu.memory_space<vmem>>, %arg9: memref<6x40x128xf32, #tpu.memory_space<vmem>>, %arg10: memref<!tpu.dma_semaphore, #tpu.memory_space<semaphore_mem>>, %arg11: memref<!tpu.dma_semaphore, #tpu.memory_space<semaphore_mem>>, %arg12: memref<!tpu.dma_semaphore, #tpu.memory_space<semaphore_mem>>, %arg13: memref<!tpu.dma_semaphore, #tpu.memory_space<semaphore_mem>>, %arg14: memref<!tpu.dma_semaphore, #tpu.memory_space<semaphore_mem>>, %arg15: memref<!tpu.dma_semaphore, #tpu.memory_space<semaphore_mem>>, %arg16: memref<!tpu.dma_semaphore, #tpu.memory_space<semaphore_mem>>, %arg17: memref<!tpu.dma_semaphore, #tpu.memory_space<semaphore_mem>>, %arg18: memref<!tpu.dma_semaphore, #tpu.memory_space<semaphore_mem>>, %arg19: memref<!tpu.dma_semaphore, #tpu.memory_space<semaphore_mem>>, %arg20: memref<!tpu.dma_semaphore, #tpu.memory_space<semaphore_mem>>, %arg21: memref<!tpu.dma_semaphore, #tpu.memory_space<semaphore_mem>>) attributes {dimension_semantics = [#tpu.dimension_semantics<core_parallel>, #tpu.dimension_semantics<subcore_parallel>], iteration_bounds = array<i64: 2, 16>, scalar_prefetch = 0 : i64, scratch_operands = 16 : i64, tpu.core_type = #tpu.core_type<sc_vector_subcore>, window_params = [{transform_indices = #map}, {transform_indices = #map1}, {transform_indices = #map}, {transform_indices = #map1}]} {
    "tpu.region"() ({
      %run_scoped3A = tpu.sem_alloc : memref<!tpu.dma_semaphore, #tpu.memory_space<semaphore_mem>>
      %dma_start3A_206 = arith.constant 0 : i32
      %dma_start3A_207 = tpu.memref_slice %arg3[%arg0, %arg1, %dma_start3A_206] : memref<2x16x10000xi32, #tpu.memory_space<hbm>> -> memref<1x1x10000xi32, #tpu.memory_space<hbm>>
      %dma_start3A_208 = tpu.memref_squeeze %dma_start3A_207 : memref<1x1x10000xi32, #tpu.memory_space<hbm>> -> memref<10000xi32, #tpu.memory_space<hbm>>
      %dma_start3A_209 = arith.constant 0 : i32
      %dma_start3A_210 = tpu.memref_slice %arg3[%arg0, %arg1, %dma_start3A_209] : memref<2x16x10000xi32, #tpu.memory_space<hbm>> -> memref<1x1x10000xi32, #tpu.memory_space<hbm>>
      %dma_start3A_211 = tpu.memref_squeeze %dma_start3A_210 : memref<1x1x10000xi32, #tpu.memory_space<hbm>> -> memref<10000xi32, #tpu.memory_space<hbm>>
      tpu.enqueue_dma source(%dma_start3A_211 : memref<10000xi32, #tpu.memory_space<hbm>>) target(%arg7 : memref<10000xi32, #tpu.memory_space<vmem>>) target_semaphore(%run_scoped3A : memref<!tpu.dma_semaphore, #tpu.memory_space<semaphore_mem>>)
      %dma_wait3A_212 = arith.constant 0 : i32
      %dma_wait3A_213 = tpu.memref_slice %arg3[%arg0, %arg1, %dma_wait3A_212] : memref<2x16x10000xi32, #tpu.memory_space<hbm>> -> memref<1x1x10000xi32, #tpu.memory_space<hbm>>
      %dma_wait3A_214 = tpu.memref_squeeze %dma_wait3A_213 : memref<1x1x10000xi32, #tpu.memory_space<hbm>> -> memref<10000xi32, #tpu.memory_space<hbm>>
      %dma_wait3A_215 = arith.constant 0 : i32
      %dma_wait3A_216 = tpu.memref_slice %arg3[%arg0, %arg1, %dma_wait3A_215] : memref<2x16x10000xi32, #tpu.memory_space<hbm>> -> memref<1x1x10000xi32, #tpu.memory_space<hbm>>
      %dma_wait3A_217 = tpu.memref_squeeze %dma_wait3A_216 : memref<1x1x10000xi32, #tpu.memory_space<hbm>> -> memref<10000xi32, #tpu.memory_space<hbm>>
      tpu.wait_dma2 semaphore(%run_scoped3A : memref<!tpu.dma_semaphore, #tpu.memory_space<semaphore_mem>>) src(%dma_wait3A_217 : memref<10000xi32, #tpu.memory_space<hbm>>) dst(%arg7 : memref<10000xi32, #tpu.memory_space<vmem>>)
      tpu.yield
    }) : () -> ()
    "tpu.region"() ({
      %run_scoped3A = tpu.sem_alloc : memref<!tpu.dma_semaphore, #tpu.memory_space<semaphore_mem>>
      %dma_start3A_206 = arith.constant 0 : i32
      %dma_start3A_207 = tpu.memref_slice %arg4[%arg1, %dma_start3A_206] : memref<16x10000xi32, #tpu.memory_space<hbm>> -> memref<1x10000xi32, #tpu.memory_space<hbm>>
      %dma_start3A_208 = tpu.memref_squeeze %dma_start3A_207 : memref<1x10000xi32, #tpu.memory_space<hbm>> -> memref<10000xi32, #tpu.memory_space<hbm>>
      %dma_start3A_209 = arith.constant 0 : i32
      %dma_start3A_210 = tpu.memref_slice %arg4[%arg1, %dma_start3A_209] : memref<16x10000xi32, #tpu.memory_space<hbm>> -> memref<1x10000xi32, #tpu.memory_space<hbm>>
      %dma_start3A_211 = tpu.memref_squeeze %dma_start3A_210 : memref<1x10000xi32, #tpu.memory_space<hbm>> -> memref<10000xi32, #tpu.memory_space<hbm>>
      tpu.enqueue_dma source(%dma_start3A_211 : memref<10000xi32, #tpu.memory_space<hbm>>) target(%arg8 : memref<10000xi32, #tpu.memory_space<vmem>>) target_semaphore(%run_scoped3A : memref<!tpu.dma_semaphore, #tpu.memory_space<semaphore_mem>>)
      %dma_wait3A_212 = arith.constant 0 : i32
      %dma_wait3A_213 = tpu.memref_slice %arg4[%arg1, %dma_wait3A_212] : memref<16x10000xi32, #tpu.memory_space<hbm>> -> memref<1x10000xi32, #tpu.memory_space<hbm>>
      %dma_wait3A_214 = tpu.memref_squeeze %dma_wait3A_213 : memref<1x10000xi32, #tpu.memory_space<hbm>> -> memref<10000xi32, #tpu.memory_space<hbm>>
      %dma_wait3A_215 = arith.constant 0 : i32
      %dma_wait3A_216 = tpu.memref_slice %arg4[%arg1, %dma_wait3A_215] : memref<16x10000xi32, #tpu.memory_space<hbm>> -> memref<1x10000xi32, #tpu.memory_space<hbm>>
      %dma_wait3A_217 = tpu.memref_squeeze %dma_wait3A_216 : memref<1x10000xi32, #tpu.memory_space<hbm>> -> memref<10000xi32, #tpu.memory_space<hbm>>
      tpu.wait_dma2 semaphore(%run_scoped3A : memref<!tpu.dma_semaphore, #tpu.memory_space<semaphore_mem>>) src(%dma_wait3A_217 : memref<10000xi32, #tpu.memory_space<hbm>>) dst(%arg8 : memref<10000xi32, #tpu.memory_space<vmem>>)
      tpu.yield
    }) : () -> ()
    %lt3A = arith.constant 15 : i32
    %lt3A_0 = arith.cmpi slt, %arg1, %lt3A : i32
    %convert_element_type3A = arith.extui %lt3A_0 : i1 to i32
    %cond3A = arith.constant 0 : i32
    %cond3A_1 = arith.cmpi ne, %convert_element_type3A, %cond3A : i32
    scf.if %cond3A_1 {
      %mul3A = arith.constant 10000 : i32
      %mul3A_206 = arith.muli %arg0, %mul3A : i32
      %mul3A_207 = arith.constant 632 : i32
      %mul3A_208 = arith.muli %arg1, %mul3A_207 : i32
      %add3A = arith.addi %mul3A_206, %mul3A_208 : i32
      %mul3A_209 = arith.constant 632 : i32
      %mul3A_210 = arith.muli %arg1, %mul3A_209 : i32
      "tpu.region"() ({
        %run_scoped3A = tpu.sem_alloc : memref<!tpu.dma_semaphore, #tpu.memory_space<semaphore_mem>>
        %dma_start3A_211 = arith.constant 0 : i32
        %dma_start3A_212 = tpu.memref_slice %arg6[%mul3A_210, %dma_start3A_211] : memref<10000x128xf32, #tpu.memory_space<vmem_shared>> -> memref<632x128xf32, #tpu.memory_space<vmem_shared>>
        %dma_start3A_213 = arith.constant 0 : i32
        %dma_start3A_214 = tpu.memref_slice %arg2[%add3A, %dma_start3A_213] : memref<20000x128xf32, #tpu.memory_space<hbm>> -> memref<632x128xf32, #tpu.memory_space<hbm>>
        tpu.enqueue_dma source(%dma_start3A_214 : memref<632x128xf32, #tpu.memory_space<hbm>>) target(%dma_start3A_212 : memref<632x128xf32, #tpu.memory_space<vmem_shared>>) target_semaphore(%run_scoped3A : memref<!tpu.dma_semaphore, #tpu.memory_space<semaphore_mem>>)
        %dma_wait3A_215 = arith.constant 0 : i32
        %dma_wait3A_216 = tpu.memref_slice %arg6[%mul3A_210, %dma_wait3A_215] : memref<10000x128xf32, #tpu.memory_space<vmem_shared>> -> memref<632x128xf32, #tpu.memory_space<vmem_shared>>
        %dma_wait3A_217 = arith.constant 0 : i32
        %dma_wait3A_218 = tpu.memref_slice %arg2[%add3A, %dma_wait3A_217] : memref<20000x128xf32, #tpu.memory_space<hbm>> -> memref<632x128xf32, #tpu.memory_space<hbm>>
        tpu.wait_dma2 semaphore(%run_scoped3A : memref<!tpu.dma_semaphore, #tpu.memory_space<semaphore_mem>>) src(%dma_wait3A_218 : memref<632x128xf32, #tpu.memory_space<hbm>>) dst(%dma_wait3A_216 : memref<632x128xf32, #tpu.memory_space<vmem_shared>>)
        tpu.yield
      }) : () -> ()
    } else {
    }
    %eq3A = arith.constant 15 : i32
    %eq3A_2 = arith.cmpi eq, %arg1, %eq3A : i32
    %convert_element_type3A_3 = arith.extui %eq3A_2 : i1 to i32
    %cond3A_4 = arith.constant 0 : i32
    %cond3A_5 = arith.cmpi ne, %convert_element_type3A_3, %cond3A_4 : i32
    scf.if %cond3A_5 {
      %mul3A = arith.constant 10000 : i32
      %mul3A_206 = arith.muli %arg0, %mul3A : i32
      %add3A = arith.constant 9480 : i32
      %add3A_207 = arith.addi %mul3A_206, %add3A : i32
      "tpu.region"() ({
        %run_scoped3A = tpu.sem_alloc : memref<!tpu.dma_semaphore, #tpu.memory_space<semaphore_mem>>
        %dma_start3A_208 = arith.constant 9480 : i32
        %dma_start3A_209 = arith.constant 0 : i32
        %dma_start3A_210 = tpu.memref_slice %arg6[%dma_start3A_208, %dma_start3A_209] : memref<10000x128xf32, #tpu.memory_space<vmem_shared>> -> memref<520x128xf32, #tpu.memory_space<vmem_shared>>
        %dma_start3A_211 = arith.constant 0 : i32
        %dma_start3A_212 = tpu.memref_slice %arg2[%add3A_207, %dma_start3A_211] : memref<20000x128xf32, #tpu.memory_space<hbm>> -> memref<520x128xf32, #tpu.memory_space<hbm>>
        tpu.enqueue_dma source(%dma_start3A_212 : memref<520x128xf32, #tpu.memory_space<hbm>>) target(%dma_start3A_210 : memref<520x128xf32, #tpu.memory_space<vmem_shared>>) target_semaphore(%run_scoped3A : memref<!tpu.dma_semaphore, #tpu.memory_space<semaphore_mem>>)
        %dma_wait3A_213 = arith.constant 9480 : i32
        %dma_wait3A_214 = arith.constant 0 : i32
        %dma_wait3A_215 = tpu.memref_slice %arg6[%dma_wait3A_213, %dma_wait3A_214] : memref<10000x128xf32, #tpu.memory_space<vmem_shared>> -> memref<520x128xf32, #tpu.memory_space<vmem_shared>>
        %dma_wait3A_216 = arith.constant 0 : i32
        %dma_wait3A_217 = tpu.memref_slice %arg2[%add3A_207, %dma_wait3A_216] : memref<20000x128xf32, #tpu.memory_space<hbm>> -> memref<520x128xf32, #tpu.memory_space<hbm>>
        tpu.wait_dma2 semaphore(%run_scoped3A : memref<!tpu.dma_semaphore, #tpu.memory_space<semaphore_mem>>) src(%dma_wait3A_217 : memref<520x128xf32, #tpu.memory_space<hbm>>) dst(%dma_wait3A_215 : memref<520x128xf32, #tpu.memory_space<vmem_shared>>)
        tpu.yield
      }) : () -> ()
    } else {
    }
    %barrier3A = arith.constant 0 : index
    tpu.barrier barrier_id(%barrier3A)
    %dma_start3A = arith.constant 0 : i32
    %dma_start3A_6 = arith.constant 0 : i32
    %dma_start3A_7 = arith.constant 0 : i32
    %dma_start3A_8 = tpu.memref_slice %arg9[%dma_start3A, %dma_start3A_6, %dma_start3A_7] : memref<6x40x128xf32, #tpu.memory_space<vmem>> -> memref<1x40x128xf32, #tpu.memory_space<vmem>>
    %dma_start3A_9 = tpu.memref_squeeze %dma_start3A_8 : memref<1x40x128xf32, #tpu.memory_space<vmem>> -> memref<40x128xf32, #tpu.memory_space<vmem>>
    %dma_start3A_10 = arith.constant 0 : i32
    %dma_start3A_11 = tpu.memref_slice %arg7[%dma_start3A_10] : memref<10000xi32, #tpu.memory_space<vmem>> -> memref<40xi32, #tpu.memory_space<vmem>>
    %dma_start3A_12 = arith.constant 0 : i32
    %dma_start3A_13 = arith.constant 0 : i32
    %dma_start3A_14 = tpu.memref_slice %arg2[%dma_start3A_12, %dma_start3A_13] : memref<20000x128xf32, #tpu.memory_space<hbm>> -> memref<20000x128xf32, #tpu.memory_space<hbm>>
    tpu.enqueue_indirect_dma source(%dma_start3A_14 : memref<20000x128xf32, #tpu.memory_space<hbm>>) target(%dma_start3A_9 : memref<40x128xf32, #tpu.memory_space<vmem>>) offsets(%dma_start3A_11 : memref<40xi32, #tpu.memory_space<vmem>>) semaphore(%arg10 : memref<!tpu.dma_semaphore, #tpu.memory_space<semaphore_mem>>)
    %dma_start3A_15 = arith.constant 1 : i32
    %dma_start3A_16 = arith.constant 0 : i32
    %dma_start3A_17 = arith.constant 0 : i32
    %dma_start3A_18 = tpu.memref_slice %arg9[%dma_start3A_15, %dma_start3A_16, %dma_start3A_17] : memref<6x40x128xf32, #tpu.memory_space<vmem>> -> memref<1x40x128xf32, #tpu.memory_space<vmem>>
    %dma_start3A_19 = tpu.memref_squeeze %dma_start3A_18 : memref<1x40x128xf32, #tpu.memory_space<vmem>> -> memref<40x128xf32, #tpu.memory_space<vmem>>
    %dma_start3A_20 = arith.constant 40 : i32
    %dma_start3A_21 = tpu.memref_slice %arg7[%dma_start3A_20] : memref<10000xi32, #tpu.memory_space<vmem>> -> memref<40xi32, #tpu.memory_space<vmem>>
    %dma_start3A_22 = arith.constant 0 : i32
    %dma_start3A_23 = arith.constant 0 : i32
    %dma_start3A_24 = tpu.memref_slice %arg2[%dma_start3A_22, %dma_start3A_23] : memref<20000x128xf32, #tpu.memory_space<hbm>> -> memref<20000x128xf32, #tpu.memory_space<hbm>>
    tpu.enqueue_indirect_dma source(%dma_start3A_24 : memref<20000x128xf32, #tpu.memory_space<hbm>>) target(%dma_start3A_19 : memref<40x128xf32, #tpu.memory_space<vmem>>) offsets(%dma_start3A_21 : memref<40xi32, #tpu.memory_space<vmem>>) semaphore(%arg11 : memref<!tpu.dma_semaphore, #tpu.memory_space<semaphore_mem>>)
    %dma_start3A_25 = arith.constant 2 : i32
    %dma_start3A_26 = arith.constant 0 : i32
    %dma_start3A_27 = arith.constant 0 : i32
    %dma_start3A_28 = tpu.memref_slice %arg9[%dma_start3A_25, %dma_start3A_26, %dma_start3A_27] : memref<6x40x128xf32, #tpu.memory_space<vmem>> -> memref<1x40x128xf32, #tpu.memory_space<vmem>>
    %dma_start3A_29 = tpu.memref_squeeze %dma_start3A_28 : memref<1x40x128xf32, #tpu.memory_space<vmem>> -> memref<40x128xf32, #tpu.memory_space<vmem>>
    %dma_start3A_30 = arith.constant 80 : i32
    %dma_start3A_31 = tpu.memref_slice %arg7[%dma_start3A_30] : memref<10000xi32, #tpu.memory_space<vmem>> -> memref<40xi32, #tpu.memory_space<vmem>>
    %dma_start3A_32 = arith.constant 0 : i32
    %dma_start3A_33 = arith.constant 0 : i32
    %dma_start3A_34 = tpu.memref_slice %arg2[%dma_start3A_32, %dma_start3A_33] : memref<20000x128xf32, #tpu.memory_space<hbm>> -> memref<20000x128xf32, #tpu.memory_space<hbm>>
    tpu.enqueue_indirect_dma source(%dma_start3A_34 : memref<20000x128xf32, #tpu.memory_space<hbm>>) target(%dma_start3A_29 : memref<40x128xf32, #tpu.memory_space<vmem>>) offsets(%dma_start3A_31 : memref<40xi32, #tpu.memory_space<vmem>>) semaphore(%arg12 : memref<!tpu.dma_semaphore, #tpu.memory_space<semaphore_mem>>)
    %dma_start3A_35 = arith.constant 3 : i32
    %dma_start3A_36 = arith.constant 0 : i32
    %dma_start3A_37 = arith.constant 0 : i32
    %dma_start3A_38 = tpu.memref_slice %arg9[%dma_start3A_35, %dma_start3A_36, %dma_start3A_37] : memref<6x40x128xf32, #tpu.memory_space<vmem>> -> memref<1x40x128xf32, #tpu.memory_space<vmem>>
    %dma_start3A_39 = tpu.memref_squeeze %dma_start3A_38 : memref<1x40x128xf32, #tpu.memory_space<vmem>> -> memref<40x128xf32, #tpu.memory_space<vmem>>
    %dma_start3A_40 = arith.constant 120 : i32
    %dma_start3A_41 = tpu.memref_slice %arg7[%dma_start3A_40] : memref<10000xi32, #tpu.memory_space<vmem>> -> memref<40xi32, #tpu.memory_space<vmem>>
    %dma_start3A_42 = arith.constant 0 : i32
    %dma_start3A_43 = arith.constant 0 : i32
    %dma_start3A_44 = tpu.memref_slice %arg2[%dma_start3A_42, %dma_start3A_43] : memref<20000x128xf32, #tpu.memory_space<hbm>> -> memref<20000x128xf32, #tpu.memory_space<hbm>>
    tpu.enqueue_indirect_dma source(%dma_start3A_44 : memref<20000x128xf32, #tpu.memory_space<hbm>>) target(%dma_start3A_39 : memref<40x128xf32, #tpu.memory_space<vmem>>) offsets(%dma_start3A_41 : memref<40xi32, #tpu.memory_space<vmem>>) semaphore(%arg13 : memref<!tpu.dma_semaphore, #tpu.memory_space<semaphore_mem>>)
    %scan3A = arith.constant 0 : i32
    %scan3A_45 = arith.constant 0 : i32
    %scan3A_46 = arith.constant 4 : i32
    %scan3A_47 = arith.constant 1 : i32
    %scan3A_48 = arith.constant 5 : i32
    %scan3A_49 = arith.constant 2 : i32
    %scan3A_50 = arith.constant 3 : i32
    %scan3A_51 = arith.constant 0 : i32
    %scan3A_52 = arith.constant 41 : i32
    %scan3A_53 = arith.addi %scan3A_51, %scan3A_52 : i32
    %scan3A_54 = arith.constant 1 : i32
    scf.for %scan3A_206 = %scan3A_51 to %scan3A_53 step %scan3A_54  : i32 {
      %mul3A = arith.constant 6 : i32
      %mul3A_207 = arith.muli %mul3A, %scan3A_206 : i32
      %add3A = arith.constant 0 : i32
      %add3A_208 = arith.addi %mul3A_207, %add3A : i32
      %mul3A_209 = arith.constant 40 : i32
      %mul3A_210 = arith.muli %add3A_208, %mul3A_209 : i32
      %dma_wait3A_211 = arith.constant 0 : i32
      %dma_wait3A_212 = arith.constant 0 : i32
      %dma_wait3A_213 = tpu.memref_slice %arg9[%scan3A_45, %dma_wait3A_211, %dma_wait3A_212] : memref<6x40x128xf32, #tpu.memory_space<vmem>> -> memref<1x40x128xf32, #tpu.memory_space<vmem>>
      %dma_wait3A_214 = tpu.memref_squeeze %dma_wait3A_213 : memref<1x40x128xf32, #tpu.memory_space<vmem>> -> memref<40x128xf32, #tpu.memory_space<vmem>>
      %dma_wait3A_215 = tpu.memref_slice %arg7[%mul3A_210] : memref<10000xi32, #tpu.memory_space<vmem>> -> memref<40xi32, #tpu.memory_space<vmem>>
      %dma_wait3A_216 = arith.constant 0 : i32
      %dma_wait3A_217 = arith.constant 0 : i32
      %dma_wait3A_218 = tpu.memref_slice %arg2[%dma_wait3A_216, %dma_wait3A_217] : memref<20000x128xf32, #tpu.memory_space<hbm>> -> memref<20000x128xf32, #tpu.memory_space<hbm>>
      tpu.wait_indirect_dma semaphore(%arg10 : memref<!tpu.dma_semaphore, #tpu.memory_space<semaphore_mem>>) src(%dma_wait3A_218 : memref<20000x128xf32, #tpu.memory_space<hbm>>) dst(%dma_wait3A_214 : memref<40x128xf32, #tpu.memory_space<vmem>>)
      %ge3A = arith.constant 2 : i32
      %ge3A_219 = arith.cmpi sge, %add3A_208, %ge3A : i32
      %convert_element_type3A_220 = arith.extui %ge3A_219 : i1 to i32
      %cond3A_221 = arith.constant 0 : i32
      %cond3A_222 = arith.cmpi ne, %convert_element_type3A_220, %cond3A_221 : i32
      scf.if %cond3A_222 {
        %sub3A = arith.constant 2 : i32
        %sub3A_450 = arith.subi %add3A_208, %sub3A : i32
        %mul3A_451 = arith.constant 40 : i32
        %mul3A_452 = arith.muli %sub3A_450, %mul3A_451 : i32
        %dma_wait3A_453 = arith.constant 0 : i32
        %dma_wait3A_454 = arith.constant 0 : i32
        %dma_wait3A_455 = tpu.memref_slice %arg9[%scan3A_46, %dma_wait3A_453, %dma_wait3A_454] : memref<6x40x128xf32, #tpu.memory_space<vmem>> -> memref<1x40x128xf32, #tpu.memory_space<vmem>>
        %dma_wait3A_456 = tpu.memref_squeeze %dma_wait3A_455 : memref<1x40x128xf32, #tpu.memory_space<vmem>> -> memref<40x128xf32, #tpu.memory_space<vmem>>
        %dma_wait3A_457 = tpu.memref_slice %arg8[%mul3A_452] : memref<10000xi32, #tpu.memory_space<vmem>> -> memref<40xi32, #tpu.memory_space<vmem>>
        %dma_wait3A_458 = arith.constant 0 : i32
        %dma_wait3A_459 = arith.constant 0 : i32
        %dma_wait3A_460 = tpu.memref_slice %arg6[%dma_wait3A_458, %dma_wait3A_459] : memref<10000x128xf32, #tpu.memory_space<vmem_shared>> -> memref<10000x128xf32, #tpu.memory_space<vmem_shared>>
        tpu.wait_indirect_dma semaphore(%arg20 : memref<!tpu.dma_semaphore, #tpu.memory_space<semaphore_mem>>) src(%dma_wait3A_456 : memref<40x128xf32, #tpu.memory_space<vmem>>) dst(%dma_wait3A_460 : memref<10000x128xf32, #tpu.memory_space<vmem_shared>>)
      } else {
      }
      %add3A_223 = arith.constant 4 : i32
      %add3A_224 = arith.addi %add3A_208, %add3A_223 : i32
      %mul3A_225 = arith.constant 40 : i32
      %mul3A_226 = arith.muli %add3A_224, %mul3A_225 : i32
      %dma_start3A_227 = arith.constant 0 : i32
      %dma_start3A_228 = arith.constant 0 : i32
      %dma_start3A_229 = tpu.memref_slice %arg9[%scan3A_46, %dma_start3A_227, %dma_start3A_228] : memref<6x40x128xf32, #tpu.memory_space<vmem>> -> memref<1x40x128xf32, #tpu.memory_space<vmem>>
      %dma_start3A_230 = tpu.memref_squeeze %dma_start3A_229 : memref<1x40x128xf32, #tpu.memory_space<vmem>> -> memref<40x128xf32, #tpu.memory_space<vmem>>
      %dma_start3A_231 = tpu.memref_slice %arg7[%mul3A_226] : memref<10000xi32, #tpu.memory_space<vmem>> -> memref<40xi32, #tpu.memory_space<vmem>>
      %dma_start3A_232 = arith.constant 0 : i32
      %dma_start3A_233 = arith.constant 0 : i32
      %dma_start3A_234 = tpu.memref_slice %arg2[%dma_start3A_232, %dma_start3A_233] : memref<20000x128xf32, #tpu.memory_space<hbm>> -> memref<20000x128xf32, #tpu.memory_space<hbm>>
      tpu.enqueue_indirect_dma source(%dma_start3A_234 : memref<20000x128xf32, #tpu.memory_space<hbm>>) target(%dma_start3A_230 : memref<40x128xf32, #tpu.memory_space<vmem>>) offsets(%dma_start3A_231 : memref<40xi32, #tpu.memory_space<vmem>>) semaphore(%arg14 : memref<!tpu.dma_semaphore, #tpu.memory_space<semaphore_mem>>)
      %mul3A_235 = arith.constant 40 : i32
      %mul3A_236 = arith.muli %add3A_208, %mul3A_235 : i32
      %dma_start3A_237 = arith.constant 0 : i32
      %dma_start3A_238 = arith.constant 0 : i32
      %dma_start3A_239 = tpu.memref_slice %arg9[%scan3A_45, %dma_start3A_237, %dma_start3A_238] : memref<6x40x128xf32, #tpu.memory_space<vmem>> -> memref<1x40x128xf32, #tpu.memory_space<vmem>>
      %dma_start3A_240 = tpu.memref_squeeze %dma_start3A_239 : memref<1x40x128xf32, #tpu.memory_space<vmem>> -> memref<40x128xf32, #tpu.memory_space<vmem>>
      %dma_start3A_241 = tpu.memref_slice %arg8[%mul3A_236] : memref<10000xi32, #tpu.memory_space<vmem>> -> memref<40xi32, #tpu.memory_space<vmem>>
      %dma_start3A_242 = arith.constant 0 : i32
      %dma_start3A_243 = arith.constant 0 : i32
      %dma_start3A_244 = tpu.memref_slice %arg6[%dma_start3A_242, %dma_start3A_243] : memref<10000x128xf32, #tpu.memory_space<vmem_shared>> -> memref<10000x128xf32, #tpu.memory_space<vmem_shared>>
      tpu.enqueue_indirect_dma source(%dma_start3A_240 : memref<40x128xf32, #tpu.memory_space<vmem>>) target(%dma_start3A_244 : memref<10000x128xf32, #tpu.memory_space<vmem_shared>>) offsets(%dma_start3A_241 : memref<40xi32, #tpu.memory_space<vmem>>) semaphore(%arg16 : memref<!tpu.dma_semaphore, #tpu.memory_space<semaphore_mem>>) {add = true}
      %mul3A_245 = arith.constant 6 : i32
      %mul3A_246 = arith.muli %mul3A_245, %scan3A_206 : i32
      %add3A_247 = arith.constant 1 : i32
      %add3A_248 = arith.addi %mul3A_246, %add3A_247 : i32
      %mul3A_249 = arith.constant 40 : i32
      %mul3A_250 = arith.muli %add3A_248, %mul3A_249 : i32
      %dma_wait3A_251 = arith.constant 0 : i32
      %dma_wait3A_252 = arith.constant 0 : i32
      %dma_wait3A_253 = tpu.memref_slice %arg9[%scan3A_47, %dma_wait3A_251, %dma_wait3A_252] : memref<6x40x128xf32, #tpu.memory_space<vmem>> -> memref<1x40x128xf32, #tpu.memory_space<vmem>>
      %dma_wait3A_254 = tpu.memref_squeeze %dma_wait3A_253 : memref<1x40x128xf32, #tpu.memory_space<vmem>> -> memref<40x128xf32, #tpu.memory_space<vmem>>
      %dma_wait3A_255 = tpu.memref_slice %arg7[%mul3A_250] : memref<10000xi32, #tpu.memory_space<vmem>> -> memref<40xi32, #tpu.memory_space<vmem>>
      %dma_wait3A_256 = arith.constant 0 : i32
      %dma_wait3A_257 = arith.constant 0 : i32
      %dma_wait3A_258 = tpu.memref_slice %arg2[%dma_wait3A_256, %dma_wait3A_257] : memref<20000x128xf32, #tpu.memory_space<hbm>> -> memref<20000x128xf32, #tpu.memory_space<hbm>>
      tpu.wait_indirect_dma semaphore(%arg11 : memref<!tpu.dma_semaphore, #tpu.memory_space<semaphore_mem>>) src(%dma_wait3A_258 : memref<20000x128xf32, #tpu.memory_space<hbm>>) dst(%dma_wait3A_254 : memref<40x128xf32, #tpu.memory_space<vmem>>)
      %ge3A_259 = arith.constant 2 : i32
      %ge3A_260 = arith.cmpi sge, %add3A_248, %ge3A_259 : i32
      %convert_element_type3A_261 = arith.extui %ge3A_260 : i1 to i32
      %cond3A_262 = arith.constant 0 : i32
      %cond3A_263 = arith.cmpi ne, %convert_element_type3A_261, %cond3A_262 : i32
      scf.if %cond3A_263 {
        %sub3A = arith.constant 2 : i32
        %sub3A_450 = arith.subi %add3A_248, %sub3A : i32
        %mul3A_451 = arith.constant 40 : i32
        %mul3A_452 = arith.muli %sub3A_450, %mul3A_451 : i32
        %dma_wait3A_453 = arith.constant 0 : i32
        %dma_wait3A_454 = arith.constant 0 : i32
        %dma_wait3A_455 = tpu.memref_slice %arg9[%scan3A_48, %dma_wait3A_453, %dma_wait3A_454] : memref<6x40x128xf32, #tpu.memory_space<vmem>> -> memref<1x40x128xf32, #tpu.memory_space<vmem>>
        %dma_wait3A_456 = tpu.memref_squeeze %dma_wait3A_455 : memref<1x40x128xf32, #tpu.memory_space<vmem>> -> memref<40x128xf32, #tpu.memory_space<vmem>>
        %dma_wait3A_457 = tpu.memref_slice %arg8[%mul3A_452] : memref<10000xi32, #tpu.memory_space<vmem>> -> memref<40xi32, #tpu.memory_space<vmem>>
        %dma_wait3A_458 = arith.constant 0 : i32
        %dma_wait3A_459 = arith.constant 0 : i32
        %dma_wait3A_460 = tpu.memref_slice %arg6[%dma_wait3A_458, %dma_wait3A_459] : memref<10000x128xf32, #tpu.memory_space<vmem_shared>> -> memref<10000x128xf32, #tpu.memory_space<vmem_shared>>
        tpu.wait_indirect_dma semaphore(%arg21 : memref<!tpu.dma_semaphore, #tpu.memory_space<semaphore_mem>>) src(%dma_wait3A_456 : memref<40x128xf32, #tpu.memory_space<vmem>>) dst(%dma_wait3A_460 : memref<10000x128xf32, #tpu.memory_space<vmem_shared>>)
      } else {
      }
      %add3A_264 = arith.constant 4 : i32
      %add3A_265 = arith.addi %add3A_248, %add3A_264 : i32
      %mul3A_266 = arith.constant 40 : i32
      %mul3A_267 = arith.muli %add3A_265, %mul3A_266 : i32
      %dma_start3A_268 = arith.constant 0 : i32
      %dma_start3A_269 = arith.constant 0 : i32
      %dma_start3A_270 = tpu.memref_slice %arg9[%scan3A_48, %dma_start3A_268, %dma_start3A_269] : memref<6x40x128xf32, #tpu.memory_space<vmem>> -> memref<1x40x128xf32, #tpu.memory_space<vmem>>
      %dma_start3A_271 = tpu.memref_squeeze %dma_start3A_270 : memref<1x40x128xf32, #tpu.memory_space<vmem>> -> memref<40x128xf32, #tpu.memory_space<vmem>>
      %dma_start3A_272 = tpu.memref_slice %arg7[%mul3A_267] : memref<10000xi32, #tpu.memory_space<vmem>> -> memref<40xi32, #tpu.memory_space<vmem>>
      %dma_start3A_273 = arith.constant 0 : i32
      %dma_start3A_274 = arith.constant 0 : i32
      %dma_start3A_275 = tpu.memref_slice %arg2[%dma_start3A_273, %dma_start3A_274] : memref<20000x128xf32, #tpu.memory_space<hbm>> -> memref<20000x128xf32, #tpu.memory_space<hbm>>
      tpu.enqueue_indirect_dma source(%dma_start3A_275 : memref<20000x128xf32, #tpu.memory_space<hbm>>) target(%dma_start3A_271 : memref<40x128xf32, #tpu.memory_space<vmem>>) offsets(%dma_start3A_272 : memref<40xi32, #tpu.memory_space<vmem>>) semaphore(%arg15 : memref<!tpu.dma_semaphore, #tpu.memory_space<semaphore_mem>>)
      %mul3A_276 = arith.constant 40 : i32
      %mul3A_277 = arith.muli %add3A_248, %mul3A_276 : i32
      %dma_start3A_278 = arith.constant 0 : i32
      %dma_start3A_279 = arith.constant 0 : i32
      %dma_start3A_280 = tpu.memref_slice %arg9[%scan3A_47, %dma_start3A_278, %dma_start3A_279] : memref<6x40x128xf32, #tpu.memory_space<vmem>> -> memref<1x40x128xf32, #tpu.memory_space<vmem>>
      %dma_start3A_281 = tpu.memref_squeeze %dma_start3A_280 : memref<1x40x128xf32, #tpu.memory_space<vmem>> -> memref<40x128xf32, #tpu.memory_space<vmem>>
      %dma_start3A_282 = tpu.memref_slice %arg8[%mul3A_277] : memref<10000xi32, #tpu.memory_space<vmem>> -> memref<40xi32, #tpu.memory_space<vmem>>
      %dma_start3A_283 = arith.constant 0 : i32
      %dma_start3A_284 = arith.constant 0 : i32
      %dma_start3A_285 = tpu.memref_slice %arg6[%dma_start3A_283, %dma_start3A_284] : memref<10000x128xf32, #tpu.memory_space<vmem_shared>> -> memref<10000x128xf32, #tpu.memory_space<vmem_shared>>
      tpu.enqueue_indirect_dma source(%dma_start3A_281 : memref<40x128xf32, #tpu.memory_space<vmem>>) target(%dma_start3A_285 : memref<10000x128xf32, #tpu.memory_space<vmem_shared>>) offsets(%dma_start3A_282 : memref<40xi32, #tpu.memory_space<vmem>>) semaphore(%arg17 : memref<!tpu.dma_semaphore, #tpu.memory_space<semaphore_mem>>) {add = true}
      %mul3A_286 = arith.constant 6 : i32
      %mul3A_287 = arith.muli %mul3A_286, %scan3A_206 : i32
      %add3A_288 = arith.constant 2 : i32
      %add3A_289 = arith.addi %mul3A_287, %add3A_288 : i32
      %mul3A_290 = arith.constant 40 : i32
      %mul3A_291 = arith.muli %add3A_289, %mul3A_290 : i32
      %dma_wait3A_292 = arith.constant 0 : i32
      %dma_wait3A_293 = arith.constant 0 : i32
      %dma_wait3A_294 = tpu.memref_slice %arg9[%scan3A_49, %dma_wait3A_292, %dma_wait3A_293] : memref<6x40x128xf32, #tpu.memory_space<vmem>> -> memref<1x40x128xf32, #tpu.memory_space<vmem>>
      %dma_wait3A_295 = tpu.memref_squeeze %dma_wait3A_294 : memref<1x40x128xf32, #tpu.memory_space<vmem>> -> memref<40x128xf32, #tpu.memory_space<vmem>>
      %dma_wait3A_296 = tpu.memref_slice %arg7[%mul3A_291] : memref<10000xi32, #tpu.memory_space<vmem>> -> memref<40xi32, #tpu.memory_space<vmem>>
      %dma_wait3A_297 = arith.constant 0 : i32
      %dma_wait3A_298 = arith.constant 0 : i32
      %dma_wait3A_299 = tpu.memref_slice %arg2[%dma_wait3A_297, %dma_wait3A_298] : memref<20000x128xf32, #tpu.memory_space<hbm>> -> memref<20000x128xf32, #tpu.memory_space<hbm>>
      tpu.wait_indirect_dma semaphore(%arg12 : memref<!tpu.dma_semaphore, #tpu.memory_space<semaphore_mem>>) src(%dma_wait3A_299 : memref<20000x128xf32, #tpu.memory_space<hbm>>) dst(%dma_wait3A_295 : memref<40x128xf32, #tpu.memory_space<vmem>>)
      %ge3A_300 = arith.constant 2 : i32
      %ge3A_301 = arith.cmpi sge, %add3A_289, %ge3A_300 : i32
      %convert_element_type3A_302 = arith.extui %ge3A_301 : i1 to i32
      %cond3A_303 = arith.constant 0 : i32
      %cond3A_304 = arith.cmpi ne, %convert_element_type3A_302, %cond3A_303 : i32
      scf.if %cond3A_304 {
        %sub3A = arith.constant 2 : i32
        %sub3A_450 = arith.subi %add3A_289, %sub3A : i32
        %mul3A_451 = arith.constant 40 : i32
        %mul3A_452 = arith.muli %sub3A_450, %mul3A_451 : i32
        %dma_wait3A_453 = arith.constant 0 : i32
        %dma_wait3A_454 = arith.constant 0 : i32
        %dma_wait3A_455 = tpu.memref_slice %arg9[%scan3A_45, %dma_wait3A_453, %dma_wait3A_454] : memref<6x40x128xf32, #tpu.memory_space<vmem>> -> memref<1x40x128xf32, #tpu.memory_space<vmem>>
        %dma_wait3A_456 = tpu.memref_squeeze %dma_wait3A_455 : memref<1x40x128xf32, #tpu.memory_space<vmem>> -> memref<40x128xf32, #tpu.memory_space<vmem>>
        %dma_wait3A_457 = tpu.memref_slice %arg8[%mul3A_452] : memref<10000xi32, #tpu.memory_space<vmem>> -> memref<40xi32, #tpu.memory_space<vmem>>
        %dma_wait3A_458 = arith.constant 0 : i32
        %dma_wait3A_459 = arith.constant 0 : i32
        %dma_wait3A_460 = tpu.memref_slice %arg6[%dma_wait3A_458, %dma_wait3A_459] : memref<10000x128xf32, #tpu.memory_space<vmem_shared>> -> memref<10000x128xf32, #tpu.memory_space<vmem_shared>>
        tpu.wait_indirect_dma semaphore(%arg16 : memref<!tpu.dma_semaphore, #tpu.memory_space<semaphore_mem>>) src(%dma_wait3A_456 : memref<40x128xf32, #tpu.memory_space<vmem>>) dst(%dma_wait3A_460 : memref<10000x128xf32, #tpu.memory_space<vmem_shared>>)
      } else {
      }
      %add3A_305 = arith.constant 4 : i32
      %add3A_306 = arith.addi %add3A_289, %add3A_305 : i32
      %mul3A_307 = arith.constant 40 : i32
      %mul3A_308 = arith.muli %add3A_306, %mul3A_307 : i32
      %dma_start3A_309 = arith.constant 0 : i32
      %dma_start3A_310 = arith.constant 0 : i32
      %dma_start3A_311 = tpu.memref_slice %arg9[%scan3A_45, %dma_start3A_309, %dma_start3A_310] : memref<6x40x128xf32, #tpu.memory_space<vmem>> -> memref<1x40x128xf32, #tpu.memory_space<vmem>>
      %dma_start3A_312 = tpu.memref_squeeze %dma_start3A_311 : memref<1x40x128xf32, #tpu.memory_space<vmem>> -> memref<40x128xf32, #tpu.memory_space<vmem>>
      %dma_start3A_313 = tpu.memref_slice %arg7[%mul3A_308] : memref<10000xi32, #tpu.memory_space<vmem>> -> memref<40xi32, #tpu.memory_space<vmem>>
      %dma_start3A_314 = arith.constant 0 : i32
      %dma_start3A_315 = arith.constant 0 : i32
      %dma_start3A_316 = tpu.memref_slice %arg2[%dma_start3A_314, %dma_start3A_315] : memref<20000x128xf32, #tpu.memory_space<hbm>> -> memref<20000x128xf32, #tpu.memory_space<hbm>>
      tpu.enqueue_indirect_dma source(%dma_start3A_316 : memref<20000x128xf32, #tpu.memory_space<hbm>>) target(%dma_start3A_312 : memref<40x128xf32, #tpu.memory_space<vmem>>) offsets(%dma_start3A_313 : memref<40xi32, #tpu.memory_space<vmem>>) semaphore(%arg10 : memref<!tpu.dma_semaphore, #tpu.memory_space<semaphore_mem>>)
      %mul3A_317 = arith.constant 40 : i32
      %mul3A_318 = arith.muli %add3A_289, %mul3A_317 : i32
      %dma_start3A_319 = arith.constant 0 : i32
      %dma_start3A_320 = arith.constant 0 : i32
      %dma_start3A_321 = tpu.memref_slice %arg9[%scan3A_49, %dma_start3A_319, %dma_start3A_320] : memref<6x40x128xf32, #tpu.memory_space<vmem>> -> memref<1x40x128xf32, #tpu.memory_space<vmem>>
      %dma_start3A_322 = tpu.memref_squeeze %dma_start3A_321 : memref<1x40x128xf32, #tpu.memory_space<vmem>> -> memref<40x128xf32, #tpu.memory_space<vmem>>
      %dma_start3A_323 = tpu.memref_slice %arg8[%mul3A_318] : memref<10000xi32, #tpu.memory_space<vmem>> -> memref<40xi32, #tpu.memory_space<vmem>>
      %dma_start3A_324 = arith.constant 0 : i32
      %dma_start3A_325 = arith.constant 0 : i32
      %dma_start3A_326 = tpu.memref_slice %arg6[%dma_start3A_324, %dma_start3A_325] : memref<10000x128xf32, #tpu.memory_space<vmem_shared>> -> memref<10000x128xf32, #tpu.memory_space<vmem_shared>>
      tpu.enqueue_indirect_dma source(%dma_start3A_322 : memref<40x128xf32, #tpu.memory_space<vmem>>) target(%dma_start3A_326 : memref<10000x128xf32, #tpu.memory_space<vmem_shared>>) offsets(%dma_start3A_323 : memref<40xi32, #tpu.memory_space<vmem>>) semaphore(%arg18 : memref<!tpu.dma_semaphore, #tpu.memory_space<semaphore_mem>>) {add = true}
      %mul3A_327 = arith.constant 6 : i32
      %mul3A_328 = arith.muli %mul3A_327, %scan3A_206 : i32
      %add3A_329 = arith.constant 3 : i32
      %add3A_330 = arith.addi %mul3A_328, %add3A_329 : i32
      %mul3A_331 = arith.constant 40 : i32
      %mul3A_332 = arith.muli %add3A_330, %mul3A_331 : i32
      %dma_wait3A_333 = arith.constant 0 : i32
      %dma_wait3A_334 = arith.constant 0 : i32
      %dma_wait3A_335 = tpu.memref_slice %arg9[%scan3A_50, %dma_wait3A_333, %dma_wait3A_334] : memref<6x40x128xf32, #tpu.memory_space<vmem>> -> memref<1x40x128xf32, #tpu.memory_space<vmem>>
      %dma_wait3A_336 = tpu.memref_squeeze %dma_wait3A_335 : memref<1x40x128xf32, #tpu.memory_space<vmem>> -> memref<40x128xf32, #tpu.memory_space<vmem>>
      %dma_wait3A_337 = tpu.memref_slice %arg7[%mul3A_332] : memref<10000xi32, #tpu.memory_space<vmem>> -> memref<40xi32, #tpu.memory_space<vmem>>
      %dma_wait3A_338 = arith.constant 0 : i32
      %dma_wait3A_339 = arith.constant 0 : i32
      %dma_wait3A_340 = tpu.memref_slice %arg2[%dma_wait3A_338, %dma_wait3A_339] : memref<20000x128xf32, #tpu.memory_space<hbm>> -> memref<20000x128xf32, #tpu.memory_space<hbm>>
      tpu.wait_indirect_dma semaphore(%arg13 : memref<!tpu.dma_semaphore, #tpu.memory_space<semaphore_mem>>) src(%dma_wait3A_340 : memref<20000x128xf32, #tpu.memory_space<hbm>>) dst(%dma_wait3A_336 : memref<40x128xf32, #tpu.memory_space<vmem>>)
      %ge3A_341 = arith.constant 2 : i32
      %ge3A_342 = arith.cmpi sge, %add3A_330, %ge3A_341 : i32
      %convert_element_type3A_343 = arith.extui %ge3A_342 : i1 to i32
      %cond3A_344 = arith.constant 0 : i32
      %cond3A_345 = arith.cmpi ne, %convert_element_type3A_343, %cond3A_344 : i32
      scf.if %cond3A_345 {
        %sub3A = arith.constant 2 : i32
        %sub3A_450 = arith.subi %add3A_330, %sub3A : i32
        %mul3A_451 = arith.constant 40 : i32
        %mul3A_452 = arith.muli %sub3A_450, %mul3A_451 : i32
        %dma_wait3A_453 = arith.constant 0 : i32
        %dma_wait3A_454 = arith.constant 0 : i32
        %dma_wait3A_455 = tpu.memref_slice %arg9[%scan3A_47, %dma_wait3A_453, %dma_wait3A_454] : memref<6x40x128xf32, #tpu.memory_space<vmem>> -> memref<1x40x128xf32, #tpu.memory_space<vmem>>
        %dma_wait3A_456 = tpu.memref_squeeze %dma_wait3A_455 : memref<1x40x128xf32, #tpu.memory_space<vmem>> -> memref<40x128xf32, #tpu.memory_space<vmem>>
        %dma_wait3A_457 = tpu.memref_slice %arg8[%mul3A_452] : memref<10000xi32, #tpu.memory_space<vmem>> -> memref<40xi32, #tpu.memory_space<vmem>>
        %dma_wait3A_458 = arith.constant 0 : i32
        %dma_wait3A_459 = arith.constant 0 : i32
        %dma_wait3A_460 = tpu.memref_slice %arg6[%dma_wait3A_458, %dma_wait3A_459] : memref<10000x128xf32, #tpu.memory_space<vmem_shared>> -> memref<10000x128xf32, #tpu.memory_space<vmem_shared>>
        tpu.wait_indirect_dma semaphore(%arg17 : memref<!tpu.dma_semaphore, #tpu.memory_space<semaphore_mem>>) src(%dma_wait3A_456 : memref<40x128xf32, #tpu.memory_space<vmem>>) dst(%dma_wait3A_460 : memref<10000x128xf32, #tpu.memory_space<vmem_shared>>)
      } else {
      }
      %add3A_346 = arith.constant 4 : i32
      %add3A_347 = arith.addi %add3A_330, %add3A_346 : i32
      %mul3A_348 = arith.constant 40 : i32
      %mul3A_349 = arith.muli %add3A_347, %mul3A_348 : i32
      %dma_start3A_350 = arith.constant 0 : i32
      %dma_start3A_351 = arith.constant 0 : i32
      %dma_start3A_352 = tpu.memref_slice %arg9[%scan3A_47, %dma_start3A_350, %dma_start3A_351] : memref<6x40x128xf32, #tpu.memory_space<vmem>> -> memref<1x40x128xf32, #tpu.memory_space<vmem>>
      %dma_start3A_353 = tpu.memref_squeeze %dma_start3A_352 : memref<1x40x128xf32, #tpu.memory_space<vmem>> -> memref<40x128xf32, #tpu.memory_space<vmem>>
      %dma_start3A_354 = tpu.memref_slice %arg7[%mul3A_349] : memref<10000xi32, #tpu.memory_space<vmem>> -> memref<40xi32, #tpu.memory_space<vmem>>
      %dma_start3A_355 = arith.constant 0 : i32
      %dma_start3A_356 = arith.constant 0 : i32
      %dma_start3A_357 = tpu.memref_slice %arg2[%dma_start3A_355, %dma_start3A_356] : memref<20000x128xf32, #tpu.memory_space<hbm>> -> memref<20000x128xf32, #tpu.memory_space<hbm>>
      tpu.enqueue_indirect_dma source(%dma_start3A_357 : memref<20000x128xf32, #tpu.memory_space<hbm>>) target(%dma_start3A_353 : memref<40x128xf32, #tpu.memory_space<vmem>>) offsets(%dma_start3A_354 : memref<40xi32, #tpu.memory_space<vmem>>) semaphore(%arg11 : memref<!tpu.dma_semaphore, #tpu.memory_space<semaphore_mem>>)
      %mul3A_358 = arith.constant 40 : i32
      %mul3A_359 = arith.muli %add3A_330, %mul3A_358 : i32
      %dma_start3A_360 = arith.constant 0 : i32
      %dma_start3A_361 = arith.constant 0 : i32
      %dma_start3A_362 = tpu.memref_slice %arg9[%scan3A_50, %dma_start3A_360, %dma_start3A_361] : memref<6x40x128xf32, #tpu.memory_space<vmem>> -> memref<1x40x128xf32, #tpu.memory_space<vmem>>
      %dma_start3A_363 = tpu.memref_squeeze %dma_start3A_362 : memref<1x40x128xf32, #tpu.memory_space<vmem>> -> memref<40x128xf32, #tpu.memory_space<vmem>>
      %dma_start3A_364 = tpu.memref_slice %arg8[%mul3A_359] : memref<10000xi32, #tpu.memory_space<vmem>> -> memref<40xi32, #tpu.memory_space<vmem>>
      %dma_start3A_365 = arith.constant 0 : i32
      %dma_start3A_366 = arith.constant 0 : i32
      %dma_start3A_367 = tpu.memref_slice %arg6[%dma_start3A_365, %dma_start3A_366] : memref<10000x128xf32, #tpu.memory_space<vmem_shared>> -> memref<10000x128xf32, #tpu.memory_space<vmem_shared>>
      tpu.enqueue_indirect_dma source(%dma_start3A_363 : memref<40x128xf32, #tpu.memory_space<vmem>>) target(%dma_start3A_367 : memref<10000x128xf32, #tpu.memory_space<vmem_shared>>) offsets(%dma_start3A_364 : memref<40xi32, #tpu.memory_space<vmem>>) semaphore(%arg19 : memref<!tpu.dma_semaphore, #tpu.memory_space<semaphore_mem>>) {add = true}
      %mul3A_368 = arith.constant 6 : i32
      %mul3A_369 = arith.muli %mul3A_368, %scan3A_206 : i32
      %add3A_370 = arith.constant 4 : i32
      %add3A_371 = arith.addi %mul3A_369, %add3A_370 : i32
      %mul3A_372 = arith.constant 40 : i32
      %mul3A_373 = arith.muli %add3A_371, %mul3A_372 : i32
      %dma_wait3A_374 = arith.constant 0 : i32
      %dma_wait3A_375 = arith.constant 0 : i32
      %dma_wait3A_376 = tpu.memref_slice %arg9[%scan3A_46, %dma_wait3A_374, %dma_wait3A_375] : memref<6x40x128xf32, #tpu.memory_space<vmem>> -> memref<1x40x128xf32, #tpu.memory_space<vmem>>
      %dma_wait3A_377 = tpu.memref_squeeze %dma_wait3A_376 : memref<1x40x128xf32, #tpu.memory_space<vmem>> -> memref<40x128xf32, #tpu.memory_space<vmem>>
      %dma_wait3A_378 = tpu.memref_slice %arg7[%mul3A_373] : memref<10000xi32, #tpu.memory_space<vmem>> -> memref<40xi32, #tpu.memory_space<vmem>>
      %dma_wait3A_379 = arith.constant 0 : i32
      %dma_wait3A_380 = arith.constant 0 : i32
      %dma_wait3A_381 = tpu.memref_slice %arg2[%dma_wait3A_379, %dma_wait3A_380] : memref<20000x128xf32, #tpu.memory_space<hbm>> -> memref<20000x128xf32, #tpu.memory_space<hbm>>
      tpu.wait_indirect_dma semaphore(%arg14 : memref<!tpu.dma_semaphore, #tpu.memory_space<semaphore_mem>>) src(%dma_wait3A_381 : memref<20000x128xf32, #tpu.memory_space<hbm>>) dst(%dma_wait3A_377 : memref<40x128xf32, #tpu.memory_space<vmem>>)
      %ge3A_382 = arith.constant 2 : i32
      %ge3A_383 = arith.cmpi sge, %add3A_371, %ge3A_382 : i32
      %convert_element_type3A_384 = arith.extui %ge3A_383 : i1 to i32
      %cond3A_385 = arith.constant 0 : i32
      %cond3A_386 = arith.cmpi ne, %convert_element_type3A_384, %cond3A_385 : i32
      scf.if %cond3A_386 {
        %sub3A = arith.constant 2 : i32
        %sub3A_450 = arith.subi %add3A_371, %sub3A : i32
        %mul3A_451 = arith.constant 40 : i32
        %mul3A_452 = arith.muli %sub3A_450, %mul3A_451 : i32
        %dma_wait3A_453 = arith.constant 0 : i32
        %dma_wait3A_454 = arith.constant 0 : i32
        %dma_wait3A_455 = tpu.memref_slice %arg9[%scan3A_49, %dma_wait3A_453, %dma_wait3A_454] : memref<6x40x128xf32, #tpu.memory_space<vmem>> -> memref<1x40x128xf32, #tpu.memory_space<vmem>>
        %dma_wait3A_456 = tpu.memref_squeeze %dma_wait3A_455 : memref<1x40x128xf32, #tpu.memory_space<vmem>> -> memref<40x128xf32, #tpu.memory_space<vmem>>
        %dma_wait3A_457 = tpu.memref_slice %arg8[%mul3A_452] : memref<10000xi32, #tpu.memory_space<vmem>> -> memref<40xi32, #tpu.memory_space<vmem>>
        %dma_wait3A_458 = arith.constant 0 : i32
        %dma_wait3A_459 = arith.constant 0 : i32
        %dma_wait3A_460 = tpu.memref_slice %arg6[%dma_wait3A_458, %dma_wait3A_459] : memref<10000x128xf32, #tpu.memory_space<vmem_shared>> -> memref<10000x128xf32, #tpu.memory_space<vmem_shared>>
        tpu.wait_indirect_dma semaphore(%arg18 : memref<!tpu.dma_semaphore, #tpu.memory_space<semaphore_mem>>) src(%dma_wait3A_456 : memref<40x128xf32, #tpu.memory_space<vmem>>) dst(%dma_wait3A_460 : memref<10000x128xf32, #tpu.memory_space<vmem_shared>>)
      } else {
      }
      %add3A_387 = arith.constant 4 : i32
      %add3A_388 = arith.addi %add3A_371, %add3A_387 : i32
      %mul3A_389 = arith.constant 40 : i32
      %mul3A_390 = arith.muli %add3A_388, %mul3A_389 : i32
      %dma_start3A_391 = arith.constant 0 : i32
      %dma_start3A_392 = arith.constant 0 : i32
      %dma_start3A_393 = tpu.memref_slice %arg9[%scan3A_49, %dma_start3A_391, %dma_start3A_392] : memref<6x40x128xf32, #tpu.memory_space<vmem>> -> memref<1x40x128xf32, #tpu.memory_space<vmem>>
      %dma_start3A_394 = tpu.memref_squeeze %dma_start3A_393 : memref<1x40x128xf32, #tpu.memory_space<vmem>> -> memref<40x128xf32, #tpu.memory_space<vmem>>
      %dma_start3A_395 = tpu.memref_slice %arg7[%mul3A_390] : memref<10000xi32, #tpu.memory_space<vmem>> -> memref<40xi32, #tpu.memory_space<vmem>>
      %dma_start3A_396 = arith.constant 0 : i32
      %dma_start3A_397 = arith.constant 0 : i32
      %dma_start3A_398 = tpu.memref_slice %arg2[%dma_start3A_396, %dma_start3A_397] : memref<20000x128xf32, #tpu.memory_space<hbm>> -> memref<20000x128xf32, #tpu.memory_space<hbm>>
      tpu.enqueue_indirect_dma source(%dma_start3A_398 : memref<20000x128xf32, #tpu.memory_space<hbm>>) target(%dma_start3A_394 : memref<40x128xf32, #tpu.memory_space<vmem>>) offsets(%dma_start3A_395 : memref<40xi32, #tpu.memory_space<vmem>>) semaphore(%arg12 : memref<!tpu.dma_semaphore, #tpu.memory_space<semaphore_mem>>)
      %mul3A_399 = arith.constant 40 : i32
      %mul3A_400 = arith.muli %add3A_371, %mul3A_399 : i32
      %dma_start3A_401 = arith.constant 0 : i32
      %dma_start3A_402 = arith.constant 0 : i32
      %dma_start3A_403 = tpu.memref_slice %arg9[%scan3A_46, %dma_start3A_401, %dma_start3A_402] : memref<6x40x128xf32, #tpu.memory_space<vmem>> -> memref<1x40x128xf32, #tpu.memory_space<vmem>>
      %dma_start3A_404 = tpu.memref_squeeze %dma_start3A_403 : memref<1x40x128xf32, #tpu.memory_space<vmem>> -> memref<40x128xf32, #tpu.memory_space<vmem>>
      %dma_start3A_405 = tpu.memref_slice %arg8[%mul3A_400] : memref<10000xi32, #tpu.memory_space<vmem>> -> memref<40xi32, #tpu.memory_space<vmem>>
      %dma_start3A_406 = arith.constant 0 : i32
      %dma_start3A_407 = arith.constant 0 : i32
      %dma_start3A_408 = tpu.memref_slice %arg6[%dma_start3A_406, %dma_start3A_407] : memref<10000x128xf32, #tpu.memory_space<vmem_shared>> -> memref<10000x128xf32, #tpu.memory_space<vmem_shared>>
      tpu.enqueue_indirect_dma source(%dma_start3A_404 : memref<40x128xf32, #tpu.memory_space<vmem>>) target(%dma_start3A_408 : memref<10000x128xf32, #tpu.memory_space<vmem_shared>>) offsets(%dma_start3A_405 : memref<40xi32, #tpu.memory_space<vmem>>) semaphore(%arg20 : memref<!tpu.dma_semaphore, #tpu.memory_space<semaphore_mem>>) {add = true}
      %mul3A_409 = arith.constant 6 : i32
      %mul3A_410 = arith.muli %mul3A_409, %scan3A_206 : i32
      %add3A_411 = arith.constant 5 : i32
      %add3A_412 = arith.addi %mul3A_410, %add3A_411 : i32
      %mul3A_413 = arith.constant 40 : i32
      %mul3A_414 = arith.muli %add3A_412, %mul3A_413 : i32
      %dma_wait3A_415 = arith.constant 0 : i32
      %dma_wait3A_416 = arith.constant 0 : i32
      %dma_wait3A_417 = tpu.memref_slice %arg9[%scan3A_48, %dma_wait3A_415, %dma_wait3A_416] : memref<6x40x128xf32, #tpu.memory_space<vmem>> -> memref<1x40x128xf32, #tpu.memory_space<vmem>>
      %dma_wait3A_418 = tpu.memref_squeeze %dma_wait3A_417 : memref<1x40x128xf32, #tpu.memory_space<vmem>> -> memref<40x128xf32, #tpu.memory_space<vmem>>
      %dma_wait3A_419 = tpu.memref_slice %arg7[%mul3A_414] : memref<10000xi32, #tpu.memory_space<vmem>> -> memref<40xi32, #tpu.memory_space<vmem>>
      %dma_wait3A_420 = arith.constant 0 : i32
      %dma_wait3A_421 = arith.constant 0 : i32
      %dma_wait3A_422 = tpu.memref_slice %arg2[%dma_wait3A_420, %dma_wait3A_421] : memref<20000x128xf32, #tpu.memory_space<hbm>> -> memref<20000x128xf32, #tpu.memory_space<hbm>>
      tpu.wait_indirect_dma semaphore(%arg15 : memref<!tpu.dma_semaphore, #tpu.memory_space<semaphore_mem>>) src(%dma_wait3A_422 : memref<20000x128xf32, #tpu.memory_space<hbm>>) dst(%dma_wait3A_418 : memref<40x128xf32, #tpu.memory_space<vmem>>)
      %ge3A_423 = arith.constant 2 : i32
      %ge3A_424 = arith.cmpi sge, %add3A_412, %ge3A_423 : i32
      %convert_element_type3A_425 = arith.extui %ge3A_424 : i1 to i32
      %cond3A_426 = arith.constant 0 : i32
      %cond3A_427 = arith.cmpi ne, %convert_element_type3A_425, %cond3A_426 : i32
      scf.if %cond3A_427 {
        %sub3A = arith.constant 2 : i32
        %sub3A_450 = arith.subi %add3A_412, %sub3A : i32
        %mul3A_451 = arith.constant 40 : i32
        %mul3A_452 = arith.muli %sub3A_450, %mul3A_451 : i32
        %dma_wait3A_453 = arith.constant 0 : i32
        %dma_wait3A_454 = arith.constant 0 : i32
        %dma_wait3A_455 = tpu.memref_slice %arg9[%scan3A_50, %dma_wait3A_453, %dma_wait3A_454] : memref<6x40x128xf32, #tpu.memory_space<vmem>> -> memref<1x40x128xf32, #tpu.memory_space<vmem>>
        %dma_wait3A_456 = tpu.memref_squeeze %dma_wait3A_455 : memref<1x40x128xf32, #tpu.memory_space<vmem>> -> memref<40x128xf32, #tpu.memory_space<vmem>>
        %dma_wait3A_457 = tpu.memref_slice %arg8[%mul3A_452] : memref<10000xi32, #tpu.memory_space<vmem>> -> memref<40xi32, #tpu.memory_space<vmem>>
        %dma_wait3A_458 = arith.constant 0 : i32
        %dma_wait3A_459 = arith.constant 0 : i32
        %dma_wait3A_460 = tpu.memref_slice %arg6[%dma_wait3A_458, %dma_wait3A_459] : memref<10000x128xf32, #tpu.memory_space<vmem_shared>> -> memref<10000x128xf32, #tpu.memory_space<vmem_shared>>
        tpu.wait_indirect_dma semaphore(%arg19 : memref<!tpu.dma_semaphore, #tpu.memory_space<semaphore_mem>>) src(%dma_wait3A_456 : memref<40x128xf32, #tpu.memory_space<vmem>>) dst(%dma_wait3A_460 : memref<10000x128xf32, #tpu.memory_space<vmem_shared>>)
      } else {
      }
      %add3A_428 = arith.constant 4 : i32
      %add3A_429 = arith.addi %add3A_412, %add3A_428 : i32
      %mul3A_430 = arith.constant 40 : i32
      %mul3A_431 = arith.muli %add3A_429, %mul3A_430 : i32
      %dma_start3A_432 = arith.constant 0 : i32
      %dma_start3A_433 = arith.constant 0 : i32
      %dma_start3A_434 = tpu.memref_slice %arg9[%scan3A_50, %dma_start3A_432, %dma_start3A_433] : memref<6x40x128xf32, #tpu.memory_space<vmem>> -> memref<1x40x128xf32, #tpu.memory_space<vmem>>
      %dma_start3A_435 = tpu.memref_squeeze %dma_start3A_434 : memref<1x40x128xf32, #tpu.memory_space<vmem>> -> memref<40x128xf32, #tpu.memory_space<vmem>>
      %dma_start3A_436 = tpu.memref_slice %arg7[%mul3A_431] : memref<10000xi32, #tpu.memory_space<vmem>> -> memref<40xi32, #tpu.memory_space<vmem>>
      %dma_start3A_437 = arith.constant 0 : i32
      %dma_start3A_438 = arith.constant 0 : i32
      %dma_start3A_439 = tpu.memref_slice %arg2[%dma_start3A_437, %dma_start3A_438] : memref<20000x128xf32, #tpu.memory_space<hbm>> -> memref<20000x128xf32, #tpu.memory_space<hbm>>
      tpu.enqueue_indirect_dma source(%dma_start3A_439 : memref<20000x128xf32, #tpu.memory_space<hbm>>) target(%dma_start3A_435 : memref<40x128xf32, #tpu.memory_space<vmem>>) offsets(%dma_start3A_436 : memref<40xi32, #tpu.memory_space<vmem>>) semaphore(%arg13 : memref<!tpu.dma_semaphore, #tpu.memory_space<semaphore_mem>>)
      %mul3A_440 = arith.constant 40 : i32
      %mul3A_441 = arith.muli %add3A_412, %mul3A_440 : i32
      %dma_start3A_442 = arith.constant 0 : i32
      %dma_start3A_443 = arith.constant 0 : i32
      %dma_start3A_444 = tpu.memref_slice %arg9[%scan3A_48, %dma_start3A_442, %dma_start3A_443] : memref<6x40x128xf32, #tpu.memory_space<vmem>> -> memref<1x40x128xf32, #tpu.memory_space<vmem>>
      %dma_start3A_445 = tpu.memref_squeeze %dma_start3A_444 : memref<1x40x128xf32, #tpu.memory_space<vmem>> -> memref<40x128xf32, #tpu.memory_space<vmem>>
      %dma_start3A_446 = tpu.memref_slice %arg8[%mul3A_441] : memref<10000xi32, #tpu.memory_space<vmem>> -> memref<40xi32, #tpu.memory_space<vmem>>
      %dma_start3A_447 = arith.constant 0 : i32
      %dma_start3A_448 = arith.constant 0 : i32
      %dma_start3A_449 = tpu.memref_slice %arg6[%dma_start3A_447, %dma_start3A_448] : memref<10000x128xf32, #tpu.memory_space<vmem_shared>> -> memref<10000x128xf32, #tpu.memory_space<vmem_shared>>
      tpu.enqueue_indirect_dma source(%dma_start3A_445 : memref<40x128xf32, #tpu.memory_space<vmem>>) target(%dma_start3A_449 : memref<10000x128xf32, #tpu.memory_space<vmem_shared>>) offsets(%dma_start3A_446 : memref<40xi32, #tpu.memory_space<vmem>>) semaphore(%arg21 : memref<!tpu.dma_semaphore, #tpu.memory_space<semaphore_mem>>) {add = true}
    }
    %scan3A_55 = arith.constant 41 : i32
    %dma_wait3A = arith.constant 0 : i32
    %dma_wait3A_56 = arith.constant 0 : i32
    %dma_wait3A_57 = arith.constant 0 : i32
    %dma_wait3A_58 = tpu.memref_slice %arg9[%dma_wait3A, %dma_wait3A_56, %dma_wait3A_57] : memref<6x40x128xf32, #tpu.memory_space<vmem>> -> memref<1x40x128xf32, #tpu.memory_space<vmem>>
    %dma_wait3A_59 = tpu.memref_squeeze %dma_wait3A_58 : memref<1x40x128xf32, #tpu.memory_space<vmem>> -> memref<40x128xf32, #tpu.memory_space<vmem>>
    %dma_wait3A_60 = arith.constant 9840 : i32
    %dma_wait3A_61 = tpu.memref_slice %arg7[%dma_wait3A_60] : memref<10000xi32, #tpu.memory_space<vmem>> -> memref<40xi32, #tpu.memory_space<vmem>>
    %dma_wait3A_62 = arith.constant 0 : i32
    %dma_wait3A_63 = arith.constant 0 : i32
    %dma_wait3A_64 = tpu.memref_slice %arg2[%dma_wait3A_62, %dma_wait3A_63] : memref<20000x128xf32, #tpu.memory_space<hbm>> -> memref<20000x128xf32, #tpu.memory_space<hbm>>
    tpu.wait_indirect_dma semaphore(%arg10 : memref<!tpu.dma_semaphore, #tpu.memory_space<semaphore_mem>>) src(%dma_wait3A_64 : memref<20000x128xf32, #tpu.memory_space<hbm>>) dst(%dma_wait3A_59 : memref<40x128xf32, #tpu.memory_space<vmem>>)
    %dma_wait3A_65 = arith.constant 4 : i32
    %dma_wait3A_66 = arith.constant 0 : i32
    %dma_wait3A_67 = arith.constant 0 : i32
    %dma_wait3A_68 = tpu.memref_slice %arg9[%dma_wait3A_65, %dma_wait3A_66, %dma_wait3A_67] : memref<6x40x128xf32, #tpu.memory_space<vmem>> -> memref<1x40x128xf32, #tpu.memory_space<vmem>>
    %dma_wait3A_69 = tpu.memref_squeeze %dma_wait3A_68 : memref<1x40x128xf32, #tpu.memory_space<vmem>> -> memref<40x128xf32, #tpu.memory_space<vmem>>
    %dma_wait3A_70 = arith.constant 9760 : i32
    %dma_wait3A_71 = tpu.memref_slice %arg8[%dma_wait3A_70] : memref<10000xi32, #tpu.memory_space<vmem>> -> memref<40xi32, #tpu.memory_space<vmem>>
    %dma_wait3A_72 = arith.constant 0 : i32
    %dma_wait3A_73 = arith.constant 0 : i32
    %dma_wait3A_74 = tpu.memref_slice %arg6[%dma_wait3A_72, %dma_wait3A_73] : memref<10000x128xf32, #tpu.memory_space<vmem_shared>> -> memref<10000x128xf32, #tpu.memory_space<vmem_shared>>
    tpu.wait_indirect_dma semaphore(%arg20 : memref<!tpu.dma_semaphore, #tpu.memory_space<semaphore_mem>>) src(%dma_wait3A_69 : memref<40x128xf32, #tpu.memory_space<vmem>>) dst(%dma_wait3A_74 : memref<10000x128xf32, #tpu.memory_space<vmem_shared>>)
    %dma_start3A_75 = arith.constant 0 : i32
    %dma_start3A_76 = arith.constant 0 : i32
    %dma_start3A_77 = arith.constant 0 : i32
    %dma_start3A_78 = tpu.memref_slice %arg9[%dma_start3A_75, %dma_start3A_76, %dma_start3A_77] : memref<6x40x128xf32, #tpu.memory_space<vmem>> -> memref<1x40x128xf32, #tpu.memory_space<vmem>>
    %dma_start3A_79 = tpu.memref_squeeze %dma_start3A_78 : memref<1x40x128xf32, #tpu.memory_space<vmem>> -> memref<40x128xf32, #tpu.memory_space<vmem>>
    %dma_start3A_80 = arith.constant 9840 : i32
    %dma_start3A_81 = tpu.memref_slice %arg8[%dma_start3A_80] : memref<10000xi32, #tpu.memory_space<vmem>> -> memref<40xi32, #tpu.memory_space<vmem>>
    %dma_start3A_82 = arith.constant 0 : i32
    %dma_start3A_83 = arith.constant 0 : i32
    %dma_start3A_84 = tpu.memref_slice %arg6[%dma_start3A_82, %dma_start3A_83] : memref<10000x128xf32, #tpu.memory_space<vmem_shared>> -> memref<10000x128xf32, #tpu.memory_space<vmem_shared>>
    tpu.enqueue_indirect_dma source(%dma_start3A_79 : memref<40x128xf32, #tpu.memory_space<vmem>>) target(%dma_start3A_84 : memref<10000x128xf32, #tpu.memory_space<vmem_shared>>) offsets(%dma_start3A_81 : memref<40xi32, #tpu.memory_space<vmem>>) semaphore(%arg16 : memref<!tpu.dma_semaphore, #tpu.memory_space<semaphore_mem>>) {add = true}
    %dma_wait3A_85 = arith.constant 1 : i32
    %dma_wait3A_86 = arith.constant 0 : i32
    %dma_wait3A_87 = arith.constant 0 : i32
    %dma_wait3A_88 = tpu.memref_slice %arg9[%dma_wait3A_85, %dma_wait3A_86, %dma_wait3A_87] : memref<6x40x128xf32, #tpu.memory_space<vmem>> -> memref<1x40x128xf32, #tpu.memory_space<vmem>>
    %dma_wait3A_89 = tpu.memref_squeeze %dma_wait3A_88 : memref<1x40x128xf32, #tpu.memory_space<vmem>> -> memref<40x128xf32, #tpu.memory_space<vmem>>
    %dma_wait3A_90 = arith.constant 9880 : i32
    %dma_wait3A_91 = tpu.memref_slice %arg7[%dma_wait3A_90] : memref<10000xi32, #tpu.memory_space<vmem>> -> memref<40xi32, #tpu.memory_space<vmem>>
    %dma_wait3A_92 = arith.constant 0 : i32
    %dma_wait3A_93 = arith.constant 0 : i32
    %dma_wait3A_94 = tpu.memref_slice %arg2[%dma_wait3A_92, %dma_wait3A_93] : memref<20000x128xf32, #tpu.memory_space<hbm>> -> memref<20000x128xf32, #tpu.memory_space<hbm>>
    tpu.wait_indirect_dma semaphore(%arg11 : memref<!tpu.dma_semaphore, #tpu.memory_space<semaphore_mem>>) src(%dma_wait3A_94 : memref<20000x128xf32, #tpu.memory_space<hbm>>) dst(%dma_wait3A_89 : memref<40x128xf32, #tpu.memory_space<vmem>>)
    %dma_wait3A_95 = arith.constant 5 : i32
    %dma_wait3A_96 = arith.constant 0 : i32
    %dma_wait3A_97 = arith.constant 0 : i32
    %dma_wait3A_98 = tpu.memref_slice %arg9[%dma_wait3A_95, %dma_wait3A_96, %dma_wait3A_97] : memref<6x40x128xf32, #tpu.memory_space<vmem>> -> memref<1x40x128xf32, #tpu.memory_space<vmem>>
    %dma_wait3A_99 = tpu.memref_squeeze %dma_wait3A_98 : memref<1x40x128xf32, #tpu.memory_space<vmem>> -> memref<40x128xf32, #tpu.memory_space<vmem>>
    %dma_wait3A_100 = arith.constant 9800 : i32
    %dma_wait3A_101 = tpu.memref_slice %arg8[%dma_wait3A_100] : memref<10000xi32, #tpu.memory_space<vmem>> -> memref<40xi32, #tpu.memory_space<vmem>>
    %dma_wait3A_102 = arith.constant 0 : i32
    %dma_wait3A_103 = arith.constant 0 : i32
    %dma_wait3A_104 = tpu.memref_slice %arg6[%dma_wait3A_102, %dma_wait3A_103] : memref<10000x128xf32, #tpu.memory_space<vmem_shared>> -> memref<10000x128xf32, #tpu.memory_space<vmem_shared>>
    tpu.wait_indirect_dma semaphore(%arg21 : memref<!tpu.dma_semaphore, #tpu.memory_space<semaphore_mem>>) src(%dma_wait3A_99 : memref<40x128xf32, #tpu.memory_space<vmem>>) dst(%dma_wait3A_104 : memref<10000x128xf32, #tpu.memory_space<vmem_shared>>)
    %dma_start3A_105 = arith.constant 1 : i32
    %dma_start3A_106 = arith.constant 0 : i32
    %dma_start3A_107 = arith.constant 0 : i32
    %dma_start3A_108 = tpu.memref_slice %arg9[%dma_start3A_105, %dma_start3A_106, %dma_start3A_107] : memref<6x40x128xf32, #tpu.memory_space<vmem>> -> memref<1x40x128xf32, #tpu.memory_space<vmem>>
    %dma_start3A_109 = tpu.memref_squeeze %dma_start3A_108 : memref<1x40x128xf32, #tpu.memory_space<vmem>> -> memref<40x128xf32, #tpu.memory_space<vmem>>
    %dma_start3A_110 = arith.constant 9880 : i32
    %dma_start3A_111 = tpu.memref_slice %arg8[%dma_start3A_110] : memref<10000xi32, #tpu.memory_space<vmem>> -> memref<40xi32, #tpu.memory_space<vmem>>
    %dma_start3A_112 = arith.constant 0 : i32
    %dma_start3A_113 = arith.constant 0 : i32
    %dma_start3A_114 = tpu.memref_slice %arg6[%dma_start3A_112, %dma_start3A_113] : memref<10000x128xf32, #tpu.memory_space<vmem_shared>> -> memref<10000x128xf32, #tpu.memory_space<vmem_shared>>
    tpu.enqueue_indirect_dma source(%dma_start3A_109 : memref<40x128xf32, #tpu.memory_space<vmem>>) target(%dma_start3A_114 : memref<10000x128xf32, #tpu.memory_space<vmem_shared>>) offsets(%dma_start3A_111 : memref<40xi32, #tpu.memory_space<vmem>>) semaphore(%arg17 : memref<!tpu.dma_semaphore, #tpu.memory_space<semaphore_mem>>) {add = true}
    %dma_wait3A_115 = arith.constant 2 : i32
    %dma_wait3A_116 = arith.constant 0 : i32
    %dma_wait3A_117 = arith.constant 0 : i32
    %dma_wait3A_118 = tpu.memref_slice %arg9[%dma_wait3A_115, %dma_wait3A_116, %dma_wait3A_117] : memref<6x40x128xf32, #tpu.memory_space<vmem>> -> memref<1x40x128xf32, #tpu.memory_space<vmem>>
    %dma_wait3A_119 = tpu.memref_squeeze %dma_wait3A_118 : memref<1x40x128xf32, #tpu.memory_space<vmem>> -> memref<40x128xf32, #tpu.memory_space<vmem>>
    %dma_wait3A_120 = arith.constant 9920 : i32
    %dma_wait3A_121 = tpu.memref_slice %arg7[%dma_wait3A_120] : memref<10000xi32, #tpu.memory_space<vmem>> -> memref<40xi32, #tpu.memory_space<vmem>>
    %dma_wait3A_122 = arith.constant 0 : i32
    %dma_wait3A_123 = arith.constant 0 : i32
    %dma_wait3A_124 = tpu.memref_slice %arg2[%dma_wait3A_122, %dma_wait3A_123] : memref<20000x128xf32, #tpu.memory_space<hbm>> -> memref<20000x128xf32, #tpu.memory_space<hbm>>
    tpu.wait_indirect_dma semaphore(%arg12 : memref<!tpu.dma_semaphore, #tpu.memory_space<semaphore_mem>>) src(%dma_wait3A_124 : memref<20000x128xf32, #tpu.memory_space<hbm>>) dst(%dma_wait3A_119 : memref<40x128xf32, #tpu.memory_space<vmem>>)
    %dma_wait3A_125 = arith.constant 0 : i32
    %dma_wait3A_126 = arith.constant 0 : i32
    %dma_wait3A_127 = arith.constant 0 : i32
    %dma_wait3A_128 = tpu.memref_slice %arg9[%dma_wait3A_125, %dma_wait3A_126, %dma_wait3A_127] : memref<6x40x128xf32, #tpu.memory_space<vmem>> -> memref<1x40x128xf32, #tpu.memory_space<vmem>>
    %dma_wait3A_129 = tpu.memref_squeeze %dma_wait3A_128 : memref<1x40x128xf32, #tpu.memory_space<vmem>> -> memref<40x128xf32, #tpu.memory_space<vmem>>
    %dma_wait3A_130 = arith.constant 9840 : i32
    %dma_wait3A_131 = tpu.memref_slice %arg8[%dma_wait3A_130] : memref<10000xi32, #tpu.memory_space<vmem>> -> memref<40xi32, #tpu.memory_space<vmem>>
    %dma_wait3A_132 = arith.constant 0 : i32
    %dma_wait3A_133 = arith.constant 0 : i32
    %dma_wait3A_134 = tpu.memref_slice %arg6[%dma_wait3A_132, %dma_wait3A_133] : memref<10000x128xf32, #tpu.memory_space<vmem_shared>> -> memref<10000x128xf32, #tpu.memory_space<vmem_shared>>
    tpu.wait_indirect_dma semaphore(%arg16 : memref<!tpu.dma_semaphore, #tpu.memory_space<semaphore_mem>>) src(%dma_wait3A_129 : memref<40x128xf32, #tpu.memory_space<vmem>>) dst(%dma_wait3A_134 : memref<10000x128xf32, #tpu.memory_space<vmem_shared>>)
    %dma_start3A_135 = arith.constant 2 : i32
    %dma_start3A_136 = arith.constant 0 : i32
    %dma_start3A_137 = arith.constant 0 : i32
    %dma_start3A_138 = tpu.memref_slice %arg9[%dma_start3A_135, %dma_start3A_136, %dma_start3A_137] : memref<6x40x128xf32, #tpu.memory_space<vmem>> -> memref<1x40x128xf32, #tpu.memory_space<vmem>>
    %dma_start3A_139 = tpu.memref_squeeze %dma_start3A_138 : memref<1x40x128xf32, #tpu.memory_space<vmem>> -> memref<40x128xf32, #tpu.memory_space<vmem>>
    %dma_start3A_140 = arith.constant 9920 : i32
    %dma_start3A_141 = tpu.memref_slice %arg8[%dma_start3A_140] : memref<10000xi32, #tpu.memory_space<vmem>> -> memref<40xi32, #tpu.memory_space<vmem>>
    %dma_start3A_142 = arith.constant 0 : i32
    %dma_start3A_143 = arith.constant 0 : i32
    %dma_start3A_144 = tpu.memref_slice %arg6[%dma_start3A_142, %dma_start3A_143] : memref<10000x128xf32, #tpu.memory_space<vmem_shared>> -> memref<10000x128xf32, #tpu.memory_space<vmem_shared>>
    tpu.enqueue_indirect_dma source(%dma_start3A_139 : memref<40x128xf32, #tpu.memory_space<vmem>>) target(%dma_start3A_144 : memref<10000x128xf32, #tpu.memory_space<vmem_shared>>) offsets(%dma_start3A_141 : memref<40xi32, #tpu.memory_space<vmem>>) semaphore(%arg18 : memref<!tpu.dma_semaphore, #tpu.memory_space<semaphore_mem>>) {add = true}
    %dma_wait3A_145 = arith.constant 3 : i32
    %dma_wait3A_146 = arith.constant 0 : i32
    %dma_wait3A_147 = arith.constant 0 : i32
    %dma_wait3A_148 = tpu.memref_slice %arg9[%dma_wait3A_145, %dma_wait3A_146, %dma_wait3A_147] : memref<6x40x128xf32, #tpu.memory_space<vmem>> -> memref<1x40x128xf32, #tpu.memory_space<vmem>>
    %dma_wait3A_149 = tpu.memref_squeeze %dma_wait3A_148 : memref<1x40x128xf32, #tpu.memory_space<vmem>> -> memref<40x128xf32, #tpu.memory_space<vmem>>
    %dma_wait3A_150 = arith.constant 9960 : i32
    %dma_wait3A_151 = tpu.memref_slice %arg7[%dma_wait3A_150] : memref<10000xi32, #tpu.memory_space<vmem>> -> memref<40xi32, #tpu.memory_space<vmem>>
    %dma_wait3A_152 = arith.constant 0 : i32
    %dma_wait3A_153 = arith.constant 0 : i32
    %dma_wait3A_154 = tpu.memref_slice %arg2[%dma_wait3A_152, %dma_wait3A_153] : memref<20000x128xf32, #tpu.memory_space<hbm>> -> memref<20000x128xf32, #tpu.memory_space<hbm>>
    tpu.wait_indirect_dma semaphore(%arg13 : memref<!tpu.dma_semaphore, #tpu.memory_space<semaphore_mem>>) src(%dma_wait3A_154 : memref<20000x128xf32, #tpu.memory_space<hbm>>) dst(%dma_wait3A_149 : memref<40x128xf32, #tpu.memory_space<vmem>>)
    %dma_wait3A_155 = arith.constant 1 : i32
    %dma_wait3A_156 = arith.constant 0 : i32
    %dma_wait3A_157 = arith.constant 0 : i32
    %dma_wait3A_158 = tpu.memref_slice %arg9[%dma_wait3A_155, %dma_wait3A_156, %dma_wait3A_157] : memref<6x40x128xf32, #tpu.memory_space<vmem>> -> memref<1x40x128xf32, #tpu.memory_space<vmem>>
    %dma_wait3A_159 = tpu.memref_squeeze %dma_wait3A_158 : memref<1x40x128xf32, #tpu.memory_space<vmem>> -> memref<40x128xf32, #tpu.memory_space<vmem>>
    %dma_wait3A_160 = arith.constant 9880 : i32
    %dma_wait3A_161 = tpu.memref_slice %arg8[%dma_wait3A_160] : memref<10000xi32, #tpu.memory_space<vmem>> -> memref<40xi32, #tpu.memory_space<vmem>>
    %dma_wait3A_162 = arith.constant 0 : i32
    %dma_wait3A_163 = arith.constant 0 : i32
    %dma_wait3A_164 = tpu.memref_slice %arg6[%dma_wait3A_162, %dma_wait3A_163] : memref<10000x128xf32, #tpu.memory_space<vmem_shared>> -> memref<10000x128xf32, #tpu.memory_space<vmem_shared>>
    tpu.wait_indirect_dma semaphore(%arg17 : memref<!tpu.dma_semaphore, #tpu.memory_space<semaphore_mem>>) src(%dma_wait3A_159 : memref<40x128xf32, #tpu.memory_space<vmem>>) dst(%dma_wait3A_164 : memref<10000x128xf32, #tpu.memory_space<vmem_shared>>)
    %dma_start3A_165 = arith.constant 3 : i32
    %dma_start3A_166 = arith.constant 0 : i32
    %dma_start3A_167 = arith.constant 0 : i32
    %dma_start3A_168 = tpu.memref_slice %arg9[%dma_start3A_165, %dma_start3A_166, %dma_start3A_167] : memref<6x40x128xf32, #tpu.memory_space<vmem>> -> memref<1x40x128xf32, #tpu.memory_space<vmem>>
    %dma_start3A_169 = tpu.memref_squeeze %dma_start3A_168 : memref<1x40x128xf32, #tpu.memory_space<vmem>> -> memref<40x128xf32, #tpu.memory_space<vmem>>
    %dma_start3A_170 = arith.constant 9960 : i32
    %dma_start3A_171 = tpu.memref_slice %arg8[%dma_start3A_170] : memref<10000xi32, #tpu.memory_space<vmem>> -> memref<40xi32, #tpu.memory_space<vmem>>
    %dma_start3A_172 = arith.constant 0 : i32
    %dma_start3A_173 = arith.constant 0 : i32
    %dma_start3A_174 = tpu.memref_slice %arg6[%dma_start3A_172, %dma_start3A_173] : memref<10000x128xf32, #tpu.memory_space<vmem_shared>> -> memref<10000x128xf32, #tpu.memory_space<vmem_shared>>
    tpu.enqueue_indirect_dma source(%dma_start3A_169 : memref<40x128xf32, #tpu.memory_space<vmem>>) target(%dma_start3A_174 : memref<10000x128xf32, #tpu.memory_space<vmem_shared>>) offsets(%dma_start3A_171 : memref<40xi32, #tpu.memory_space<vmem>>) semaphore(%arg19 : memref<!tpu.dma_semaphore, #tpu.memory_space<semaphore_mem>>) {add = true}
    %dma_wait3A_175 = arith.constant 2 : i32
    %dma_wait3A_176 = arith.constant 0 : i32
    %dma_wait3A_177 = arith.constant 0 : i32
    %dma_wait3A_178 = tpu.memref_slice %arg9[%dma_wait3A_175, %dma_wait3A_176, %dma_wait3A_177] : memref<6x40x128xf32, #tpu.memory_space<vmem>> -> memref<1x40x128xf32, #tpu.memory_space<vmem>>
    %dma_wait3A_179 = tpu.memref_squeeze %dma_wait3A_178 : memref<1x40x128xf32, #tpu.memory_space<vmem>> -> memref<40x128xf32, #tpu.memory_space<vmem>>
    %dma_wait3A_180 = arith.constant 9920 : i32
    %dma_wait3A_181 = tpu.memref_slice %arg8[%dma_wait3A_180] : memref<10000xi32, #tpu.memory_space<vmem>> -> memref<40xi32, #tpu.memory_space<vmem>>
    %dma_wait3A_182 = arith.constant 0 : i32
    %dma_wait3A_183 = arith.constant 0 : i32
    %dma_wait3A_184 = tpu.memref_slice %arg6[%dma_wait3A_182, %dma_wait3A_183] : memref<10000x128xf32, #tpu.memory_space<vmem_shared>> -> memref<10000x128xf32, #tpu.memory_space<vmem_shared>>
    tpu.wait_indirect_dma semaphore(%arg18 : memref<!tpu.dma_semaphore, #tpu.memory_space<semaphore_mem>>) src(%dma_wait3A_179 : memref<40x128xf32, #tpu.memory_space<vmem>>) dst(%dma_wait3A_184 : memref<10000x128xf32, #tpu.memory_space<vmem_shared>>)
    %dma_wait3A_185 = arith.constant 3 : i32
    %dma_wait3A_186 = arith.constant 0 : i32
    %dma_wait3A_187 = arith.constant 0 : i32
    %dma_wait3A_188 = tpu.memref_slice %arg9[%dma_wait3A_185, %dma_wait3A_186, %dma_wait3A_187] : memref<6x40x128xf32, #tpu.memory_space<vmem>> -> memref<1x40x128xf32, #tpu.memory_space<vmem>>
    %dma_wait3A_189 = tpu.memref_squeeze %dma_wait3A_188 : memref<1x40x128xf32, #tpu.memory_space<vmem>> -> memref<40x128xf32, #tpu.memory_space<vmem>>
    %dma_wait3A_190 = arith.constant 9960 : i32
    %dma_wait3A_191 = tpu.memref_slice %arg8[%dma_wait3A_190] : memref<10000xi32, #tpu.memory_space<vmem>> -> memref<40xi32, #tpu.memory_space<vmem>>
    %dma_wait3A_192 = arith.constant 0 : i32
    %dma_wait3A_193 = arith.constant 0 : i32
    %dma_wait3A_194 = tpu.memref_slice %arg6[%dma_wait3A_192, %dma_wait3A_193] : memref<10000x128xf32, #tpu.memory_space<vmem_shared>> -> memref<10000x128xf32, #tpu.memory_space<vmem_shared>>
    tpu.wait_indirect_dma semaphore(%arg19 : memref<!tpu.dma_semaphore, #tpu.memory_space<semaphore_mem>>) src(%dma_wait3A_189 : memref<40x128xf32, #tpu.memory_space<vmem>>) dst(%dma_wait3A_194 : memref<10000x128xf32, #tpu.memory_space<vmem_shared>>)
    %barrier3A_195 = arith.constant 0 : index
    tpu.barrier barrier_id(%barrier3A_195)
    %lt3A_196 = arith.constant 15 : i32
    %lt3A_197 = arith.cmpi slt, %arg1, %lt3A_196 : i32
    %convert_element_type3A_198 = arith.extui %lt3A_197 : i1 to i32
    %cond3A_199 = arith.constant 0 : i32
    %cond3A_200 = arith.cmpi ne, %convert_element_type3A_198, %cond3A_199 : i32
    scf.if %cond3A_200 {
      %mul3A = arith.constant 632 : i32
      %mul3A_206 = arith.muli %arg1, %mul3A : i32
      %mul3A_207 = arith.constant 632 : i32
      %mul3A_208 = arith.muli %arg1, %mul3A_207 : i32
      "tpu.region"() ({
        %run_scoped3A = tpu.sem_alloc : memref<!tpu.dma_semaphore, #tpu.memory_space<semaphore_mem>>
        %dma_start3A_209 = arith.constant 0 : i32
        %dma_start3A_210 = tpu.memref_slice %arg5[%arg0, %mul3A_208, %dma_start3A_209] : memref<2x10000x128xf32, #tpu.memory_space<hbm>> -> memref<1x632x128xf32, #tpu.memory_space<hbm>>
        %dma_start3A_211 = tpu.memref_squeeze %dma_start3A_210 : memref<1x632x128xf32, #tpu.memory_space<hbm>> -> memref<632x128xf32, #tpu.memory_space<hbm>>
        %dma_start3A_212 = arith.constant 0 : i32
        %dma_start3A_213 = tpu.memref_slice %arg6[%mul3A_206, %dma_start3A_212] : memref<10000x128xf32, #tpu.memory_space<vmem_shared>> -> memref<632x128xf32, #tpu.memory_space<vmem_shared>>
        tpu.enqueue_dma source(%dma_start3A_213 : memref<632x128xf32, #tpu.memory_space<vmem_shared>>) target(%dma_start3A_211 : memref<632x128xf32, #tpu.memory_space<hbm>>) target_semaphore(%run_scoped3A : memref<!tpu.dma_semaphore, #tpu.memory_space<semaphore_mem>>)
        %dma_wait3A_214 = arith.constant 0 : i32
        %dma_wait3A_215 = tpu.memref_slice %arg5[%arg0, %mul3A_208, %dma_wait3A_214] : memref<2x10000x128xf32, #tpu.memory_space<hbm>> -> memref<1x632x128xf32, #tpu.memory_space<hbm>>
        %dma_wait3A_216 = tpu.memref_squeeze %dma_wait3A_215 : memref<1x632x128xf32, #tpu.memory_space<hbm>> -> memref<632x128xf32, #tpu.memory_space<hbm>>
        %dma_wait3A_217 = arith.constant 0 : i32
        %dma_wait3A_218 = tpu.memref_slice %arg6[%mul3A_206, %dma_wait3A_217] : memref<10000x128xf32, #tpu.memory_space<vmem_shared>> -> memref<632x128xf32, #tpu.memory_space<vmem_shared>>
        tpu.wait_dma2 semaphore(%run_scoped3A : memref<!tpu.dma_semaphore, #tpu.memory_space<semaphore_mem>>) src(%dma_wait3A_218 : memref<632x128xf32, #tpu.memory_space<vmem_shared>>) dst(%dma_wait3A_216 : memref<632x128xf32, #tpu.memory_space<hbm>>)
        tpu.yield
      }) : () -> ()
    } else {
    }
    %eq3A_201 = arith.constant 15 : i32
    %eq3A_202 = arith.cmpi eq, %arg1, %eq3A_201 : i32
    %convert_element_type3A_203 = arith.extui %eq3A_202 : i1 to i32
    %cond3A_204 = arith.constant 0 : i32
    %cond3A_205 = arith.cmpi ne, %convert_element_type3A_203, %cond3A_204 : i32
    scf.if %cond3A_205 {
      "tpu.region"() ({
        %run_scoped3A = tpu.sem_alloc : memref<!tpu.dma_semaphore, #tpu.memory_space<semaphore_mem>>
        %dma_start3A_206 = arith.constant 9480 : i32
        %dma_start3A_207 = arith.constant 0 : i32
        %dma_start3A_208 = tpu.memref_slice %arg5[%arg0, %dma_start3A_206, %dma_start3A_207] : memref<2x10000x128xf32, #tpu.memory_space<hbm>> -> memref<1x520x128xf32, #tpu.memory_space<hbm>>
        %dma_start3A_209 = tpu.memref_squeeze %dma_start3A_208 : memref<1x520x128xf32, #tpu.memory_space<hbm>> -> memref<520x128xf32, #tpu.memory_space<hbm>>
        %dma_start3A_210 = arith.constant 9480 : i32
        %dma_start3A_211 = arith.constant 0 : i32
        %dma_start3A_212 = tpu.memref_slice %arg6[%dma_start3A_210, %dma_start3A_211] : memref<10000x128xf32, #tpu.memory_space<vmem_shared>> -> memref<520x128xf32, #tpu.memory_space<vmem_shared>>
        tpu.enqueue_dma source(%dma_start3A_212 : memref<520x128xf32, #tpu.memory_space<vmem_shared>>) target(%dma_start3A_209 : memref<520x128xf32, #tpu.memory_space<hbm>>) target_semaphore(%run_scoped3A : memref<!tpu.dma_semaphore, #tpu.memory_space<semaphore_mem>>)
        %dma_wait3A_213 = arith.constant 9480 : i32
        %dma_wait3A_214 = arith.constant 0 : i32
        %dma_wait3A_215 = tpu.memref_slice %arg5[%arg0, %dma_wait3A_213, %dma_wait3A_214] : memref<2x10000x128xf32, #tpu.memory_space<hbm>> -> memref<1x520x128xf32, #tpu.memory_space<hbm>>
        %dma_wait3A_216 = tpu.memref_squeeze %dma_wait3A_215 : memref<1x520x128xf32, #tpu.memory_space<hbm>> -> memref<520x128xf32, #tpu.memory_space<hbm>>
        %dma_wait3A_217 = arith.constant 9480 : i32
        %dma_wait3A_218 = arith.constant 0 : i32
        %dma_wait3A_219 = tpu.memref_slice %arg6[%dma_wait3A_217, %dma_wait3A_218] : memref<10000x128xf32, #tpu.memory_space<vmem_shared>> -> memref<520x128xf32, #tpu.memory_space<vmem_shared>>
        tpu.wait_dma2 semaphore(%run_scoped3A : memref<!tpu.dma_semaphore, #tpu.memory_space<semaphore_mem>>) src(%dma_wait3A_219 : memref<520x128xf32, #tpu.memory_space<vmem_shared>>) dst(%dma_wait3A_216 : memref<520x128xf32, #tpu.memory_space<hbm>>)
        tpu.yield
      }) : () -> ()
    } else {
    }
    return
  }
}

#map = affine_map<(d0, d1) -> (0, 0)>
#map1 = affine_map<(d0, d1) -> (0, 0, 0)>
module attributes {stable_mosaic.version = 14 : i64} {
  func.func @_sc_agg_body(%arg0: i32, %arg1: i32, %arg2: memref<20000x128xf32, #tpu.memory_space<hbm>>, %arg3: memref<2x16x10000xi32, #tpu.memory_space<hbm>>, %arg4: memref<16x10000xi32, #tpu.memory_space<hbm>>, %arg5: memref<2x10000x128xf32, #tpu.memory_space<hbm>>, %arg6: memref<10000x128xf32, #tpu.memory_space<vmem_shared>>, %arg7: memref<10000xi32, #tpu.memory_space<vmem>>, %arg8: memref<10000xi32, #tpu.memory_space<vmem>>, %arg9: memref<6x40x128xf32, #tpu.memory_space<vmem>>, %arg10: memref<!tpu.dma_semaphore, #tpu.memory_space<semaphore_mem>>, %arg11: memref<!tpu.dma_semaphore, #tpu.memory_space<semaphore_mem>>, %arg12: memref<!tpu.dma_semaphore, #tpu.memory_space<semaphore_mem>>, %arg13: memref<!tpu.dma_semaphore, #tpu.memory_space<semaphore_mem>>, %arg14: memref<!tpu.dma_semaphore, #tpu.memory_space<semaphore_mem>>, %arg15: memref<!tpu.dma_semaphore, #tpu.memory_space<semaphore_mem>>, %arg16: memref<!tpu.dma_semaphore, #tpu.memory_space<semaphore_mem>>, %arg17: memref<!tpu.dma_semaphore, #tpu.memory_space<semaphore_mem>>, %arg18: memref<!tpu.dma_semaphore, #tpu.memory_space<semaphore_mem>>, %arg19: memref<!tpu.dma_semaphore, #tpu.memory_space<semaphore_mem>>, %arg20: memref<!tpu.dma_semaphore, #tpu.memory_space<semaphore_mem>>, %arg21: memref<!tpu.dma_semaphore, #tpu.memory_space<semaphore_mem>>) attributes {dimension_semantics = [#tpu.dimension_semantics<core_parallel>, #tpu.dimension_semantics<subcore_parallel>], iteration_bounds = array<i64: 2, 16>, scalar_prefetch = 0 : i64, scratch_operands = 16 : i64, tpu.core_type = #tpu.core_type<sc_vector_subcore>, window_params = [{transform_indices = #map}, {transform_indices = #map1}, {transform_indices = #map}, {transform_indices = #map1}]} {
    "tpu.region"() ({
      %run_scoped3A = tpu.sem_alloc : memref<!tpu.dma_semaphore, #tpu.memory_space<semaphore_mem>>
      %dma_start3A_206 = arith.constant 0 : i32
      %dma_start3A_207 = tpu.memref_slice %arg3[%arg0, %arg1, %dma_start3A_206] : memref<2x16x10000xi32, #tpu.memory_space<hbm>> -> memref<1x1x10000xi32, #tpu.memory_space<hbm>>
      %dma_start3A_208 = tpu.memref_squeeze %dma_start3A_207 : memref<1x1x10000xi32, #tpu.memory_space<hbm>> -> memref<10000xi32, #tpu.memory_space<hbm>>
      %dma_start3A_209 = arith.constant 0 : i32
      %dma_start3A_210 = tpu.memref_slice %arg3[%arg0, %arg1, %dma_start3A_209] : memref<2x16x10000xi32, #tpu.memory_space<hbm>> -> memref<1x1x10000xi32, #tpu.memory_space<hbm>>
      %dma_start3A_211 = tpu.memref_squeeze %dma_start3A_210 : memref<1x1x10000xi32, #tpu.memory_space<hbm>> -> memref<10000xi32, #tpu.memory_space<hbm>>
      tpu.enqueue_dma source(%dma_start3A_211 : memref<10000xi32, #tpu.memory_space<hbm>>) target(%arg7 : memref<10000xi32, #tpu.memory_space<vmem>>) target_semaphore(%run_scoped3A : memref<!tpu.dma_semaphore, #tpu.memory_space<semaphore_mem>>)
      %dma_wait3A_212 = arith.constant 0 : i32
      %dma_wait3A_213 = tpu.memref_slice %arg3[%arg0, %arg1, %dma_wait3A_212] : memref<2x16x10000xi32, #tpu.memory_space<hbm>> -> memref<1x1x10000xi32, #tpu.memory_space<hbm>>
      %dma_wait3A_214 = tpu.memref_squeeze %dma_wait3A_213 : memref<1x1x10000xi32, #tpu.memory_space<hbm>> -> memref<10000xi32, #tpu.memory_space<hbm>>
      %dma_wait3A_215 = arith.constant 0 : i32
      %dma_wait3A_216 = tpu.memref_slice %arg3[%arg0, %arg1, %dma_wait3A_215] : memref<2x16x10000xi32, #tpu.memory_space<hbm>> -> memref<1x1x10000xi32, #tpu.memory_space<hbm>>
      %dma_wait3A_217 = tpu.memref_squeeze %dma_wait3A_216 : memref<1x1x10000xi32, #tpu.memory_space<hbm>> -> memref<10000xi32, #tpu.memory_space<hbm>>
      tpu.wait_dma2 semaphore(%run_scoped3A : memref<!tpu.dma_semaphore, #tpu.memory_space<semaphore_mem>>) src(%dma_wait3A_217 : memref<10000xi32, #tpu.memory_space<hbm>>) dst(%arg7 : memref<10000xi32, #tpu.memory_space<vmem>>)
      tpu.yield
    }) : () -> ()
    "tpu.region"() ({
      %run_scoped3A = tpu.sem_alloc : memref<!tpu.dma_semaphore, #tpu.memory_space<semaphore_mem>>
      %dma_start3A_206 = arith.constant 0 : i32
      %dma_start3A_207 = tpu.memref_slice %arg4[%arg1, %dma_start3A_206] : memref<16x10000xi32, #tpu.memory_space<hbm>> -> memref<1x10000xi32, #tpu.memory_space<hbm>>
      %dma_start3A_208 = tpu.memref_squeeze %dma_start3A_207 : memref<1x10000xi32, #tpu.memory_space<hbm>> -> memref<10000xi32, #tpu.memory_space<hbm>>
      %dma_start3A_209 = arith.constant 0 : i32
      %dma_start3A_210 = tpu.memref_slice %arg4[%arg1, %dma_start3A_209] : memref<16x10000xi32, #tpu.memory_space<hbm>> -> memref<1x10000xi32, #tpu.memory_space<hbm>>
      %dma_start3A_211 = tpu.memref_squeeze %dma_start3A_210 : memref<1x10000xi32, #tpu.memory_space<hbm>> -> memref<10000xi32, #tpu.memory_space<hbm>>
      tpu.enqueue_dma source(%dma_start3A_211 : memref<10000xi32, #tpu.memory_space<hbm>>) target(%arg8 : memref<10000xi32, #tpu.memory_space<vmem>>) target_semaphore(%run_scoped3A : memref<!tpu.dma_semaphore, #tpu.memory_space<semaphore_mem>>)
      %dma_wait3A_212 = arith.constant 0 : i32
      %dma_wait3A_213 = tpu.memref_slice %arg4[%arg1, %dma_wait3A_212] : memref<16x10000xi32, #tpu.memory_space<hbm>> -> memref<1x10000xi32, #tpu.memory_space<hbm>>
      %dma_wait3A_214 = tpu.memref_squeeze %dma_wait3A_213 : memref<1x10000xi32, #tpu.memory_space<hbm>> -> memref<10000xi32, #tpu.memory_space<hbm>>
      %dma_wait3A_215 = arith.constant 0 : i32
      %dma_wait3A_216 = tpu.memref_slice %arg4[%arg1, %dma_wait3A_215] : memref<16x10000xi32, #tpu.memory_space<hbm>> -> memref<1x10000xi32, #tpu.memory_space<hbm>>
      %dma_wait3A_217 = tpu.memref_squeeze %dma_wait3A_216 : memref<1x10000xi32, #tpu.memory_space<hbm>> -> memref<10000xi32, #tpu.memory_space<hbm>>
      tpu.wait_dma2 semaphore(%run_scoped3A : memref<!tpu.dma_semaphore, #tpu.memory_space<semaphore_mem>>) src(%dma_wait3A_217 : memref<10000xi32, #tpu.memory_space<hbm>>) dst(%arg8 : memref<10000xi32, #tpu.memory_space<vmem>>)
      tpu.yield
    }) : () -> ()
    %lt3A = arith.constant 15 : i32
    %lt3A_0 = arith.cmpi slt, %arg1, %lt3A : i32
    %convert_element_type3A = arith.extui %lt3A_0 : i1 to i32
    %cond3A = arith.constant 0 : i32
    %cond3A_1 = arith.cmpi ne, %convert_element_type3A, %cond3A : i32
    scf.if %cond3A_1 {
      %mul3A = arith.constant 10000 : i32
      %mul3A_206 = arith.muli %arg0, %mul3A : i32
      %mul3A_207 = arith.constant 632 : i32
      %mul3A_208 = arith.muli %arg1, %mul3A_207 : i32
      %add3A = arith.addi %mul3A_206, %mul3A_208 : i32
      %mul3A_209 = arith.constant 632 : i32
      %mul3A_210 = arith.muli %arg1, %mul3A_209 : i32
      "tpu.region"() ({
        %run_scoped3A = tpu.sem_alloc : memref<!tpu.dma_semaphore, #tpu.memory_space<semaphore_mem>>
        %dma_start3A_211 = arith.constant 0 : i32
        %dma_start3A_212 = tpu.memref_slice %arg6[%mul3A_210, %dma_start3A_211] : memref<10000x128xf32, #tpu.memory_space<vmem_shared>> -> memref<632x128xf32, #tpu.memory_space<vmem_shared>>
        %dma_start3A_213 = arith.constant 0 : i32
        %dma_start3A_214 = tpu.memref_slice %arg2[%add3A, %dma_start3A_213] : memref<20000x128xf32, #tpu.memory_space<hbm>> -> memref<632x128xf32, #tpu.memory_space<hbm>>
        tpu.enqueue_dma source(%dma_start3A_214 : memref<632x128xf32, #tpu.memory_space<hbm>>) target(%dma_start3A_212 : memref<632x128xf32, #tpu.memory_space<vmem_shared>>) target_semaphore(%run_scoped3A : memref<!tpu.dma_semaphore, #tpu.memory_space<semaphore_mem>>)
        %dma_wait3A_215 = arith.constant 0 : i32
        %dma_wait3A_216 = tpu.memref_slice %arg6[%mul3A_210, %dma_wait3A_215] : memref<10000x128xf32, #tpu.memory_space<vmem_shared>> -> memref<632x128xf32, #tpu.memory_space<vmem_shared>>
        %dma_wait3A_217 = arith.constant 0 : i32
        %dma_wait3A_218 = tpu.memref_slice %arg2[%add3A, %dma_wait3A_217] : memref<20000x128xf32, #tpu.memory_space<hbm>> -> memref<632x128xf32, #tpu.memory_space<hbm>>
        tpu.wait_dma2 semaphore(%run_scoped3A : memref<!tpu.dma_semaphore, #tpu.memory_space<semaphore_mem>>) src(%dma_wait3A_218 : memref<632x128xf32, #tpu.memory_space<hbm>>) dst(%dma_wait3A_216 : memref<632x128xf32, #tpu.memory_space<vmem_shared>>)
        tpu.yield
      }) : () -> ()
    } else {
    }
    %eq3A = arith.constant 15 : i32
    %eq3A_2 = arith.cmpi eq, %arg1, %eq3A : i32
    %convert_element_type3A_3 = arith.extui %eq3A_2 : i1 to i32
    %cond3A_4 = arith.constant 0 : i32
    %cond3A_5 = arith.cmpi ne, %convert_element_type3A_3, %cond3A_4 : i32
    scf.if %cond3A_5 {
      %mul3A = arith.constant 10000 : i32
      %mul3A_206 = arith.muli %arg0, %mul3A : i32
      %add3A = arith.constant 9480 : i32
      %add3A_207 = arith.addi %mul3A_206, %add3A : i32
      "tpu.region"() ({
        %run_scoped3A = tpu.sem_alloc : memref<!tpu.dma_semaphore, #tpu.memory_space<semaphore_mem>>
        %dma_start3A_208 = arith.constant 9480 : i32
        %dma_start3A_209 = arith.constant 0 : i32
        %dma_start3A_210 = tpu.memref_slice %arg6[%dma_start3A_208, %dma_start3A_209] : memref<10000x128xf32, #tpu.memory_space<vmem_shared>> -> memref<520x128xf32, #tpu.memory_space<vmem_shared>>
        %dma_start3A_211 = arith.constant 0 : i32
        %dma_start3A_212 = tpu.memref_slice %arg2[%add3A_207, %dma_start3A_211] : memref<20000x128xf32, #tpu.memory_space<hbm>> -> memref<520x128xf32, #tpu.memory_space<hbm>>
        tpu.enqueue_dma source(%dma_start3A_212 : memref<520x128xf32, #tpu.memory_space<hbm>>) target(%dma_start3A_210 : memref<520x128xf32, #tpu.memory_space<vmem_shared>>) target_semaphore(%run_scoped3A : memref<!tpu.dma_semaphore, #tpu.memory_space<semaphore_mem>>)
        %dma_wait3A_213 = arith.constant 9480 : i32
        %dma_wait3A_214 = arith.constant 0 : i32
        %dma_wait3A_215 = tpu.memref_slice %arg6[%dma_wait3A_213, %dma_wait3A_214] : memref<10000x128xf32, #tpu.memory_space<vmem_shared>> -> memref<520x128xf32, #tpu.memory_space<vmem_shared>>
        %dma_wait3A_216 = arith.constant 0 : i32
        %dma_wait3A_217 = tpu.memref_slice %arg2[%add3A_207, %dma_wait3A_216] : memref<20000x128xf32, #tpu.memory_space<hbm>> -> memref<520x128xf32, #tpu.memory_space<hbm>>
        tpu.wait_dma2 semaphore(%run_scoped3A : memref<!tpu.dma_semaphore, #tpu.memory_space<semaphore_mem>>) src(%dma_wait3A_217 : memref<520x128xf32, #tpu.memory_space<hbm>>) dst(%dma_wait3A_215 : memref<520x128xf32, #tpu.memory_space<vmem_shared>>)
        tpu.yield
      }) : () -> ()
    } else {
    }
    %barrier3A = arith.constant 0 : index
    tpu.barrier barrier_id(%barrier3A)
    %dma_start3A = arith.constant 0 : i32
    %dma_start3A_6 = arith.constant 0 : i32
    %dma_start3A_7 = arith.constant 0 : i32
    %dma_start3A_8 = tpu.memref_slice %arg9[%dma_start3A, %dma_start3A_6, %dma_start3A_7] : memref<6x40x128xf32, #tpu.memory_space<vmem>> -> memref<1x40x128xf32, #tpu.memory_space<vmem>>
    %dma_start3A_9 = tpu.memref_squeeze %dma_start3A_8 : memref<1x40x128xf32, #tpu.memory_space<vmem>> -> memref<40x128xf32, #tpu.memory_space<vmem>>
    %dma_start3A_10 = arith.constant 0 : i32
    %dma_start3A_11 = tpu.memref_slice %arg7[%dma_start3A_10] : memref<10000xi32, #tpu.memory_space<vmem>> -> memref<40xi32, #tpu.memory_space<vmem>>
    %dma_start3A_12 = arith.constant 0 : i32
    %dma_start3A_13 = arith.constant 0 : i32
    %dma_start3A_14 = tpu.memref_slice %arg2[%dma_start3A_12, %dma_start3A_13] : memref<20000x128xf32, #tpu.memory_space<hbm>> -> memref<20000x128xf32, #tpu.memory_space<hbm>>
    tpu.enqueue_indirect_dma source(%dma_start3A_14 : memref<20000x128xf32, #tpu.memory_space<hbm>>) target(%dma_start3A_9 : memref<40x128xf32, #tpu.memory_space<vmem>>) offsets(%dma_start3A_11 : memref<40xi32, #tpu.memory_space<vmem>>) semaphore(%arg10 : memref<!tpu.dma_semaphore, #tpu.memory_space<semaphore_mem>>)
    %dma_start3A_15 = arith.constant 1 : i32
    %dma_start3A_16 = arith.constant 0 : i32
    %dma_start3A_17 = arith.constant 0 : i32
    %dma_start3A_18 = tpu.memref_slice %arg9[%dma_start3A_15, %dma_start3A_16, %dma_start3A_17] : memref<6x40x128xf32, #tpu.memory_space<vmem>> -> memref<1x40x128xf32, #tpu.memory_space<vmem>>
    %dma_start3A_19 = tpu.memref_squeeze %dma_start3A_18 : memref<1x40x128xf32, #tpu.memory_space<vmem>> -> memref<40x128xf32, #tpu.memory_space<vmem>>
    %dma_start3A_20 = arith.constant 40 : i32
    %dma_start3A_21 = tpu.memref_slice %arg7[%dma_start3A_20] : memref<10000xi32, #tpu.memory_space<vmem>> -> memref<40xi32, #tpu.memory_space<vmem>>
    %dma_start3A_22 = arith.constant 0 : i32
    %dma_start3A_23 = arith.constant 0 : i32
    %dma_start3A_24 = tpu.memref_slice %arg2[%dma_start3A_22, %dma_start3A_23] : memref<20000x128xf32, #tpu.memory_space<hbm>> -> memref<20000x128xf32, #tpu.memory_space<hbm>>
    tpu.enqueue_indirect_dma source(%dma_start3A_24 : memref<20000x128xf32, #tpu.memory_space<hbm>>) target(%dma_start3A_19 : memref<40x128xf32, #tpu.memory_space<vmem>>) offsets(%dma_start3A_21 : memref<40xi32, #tpu.memory_space<vmem>>) semaphore(%arg11 : memref<!tpu.dma_semaphore, #tpu.memory_space<semaphore_mem>>)
    %dma_start3A_25 = arith.constant 2 : i32
    %dma_start3A_26 = arith.constant 0 : i32
    %dma_start3A_27 = arith.constant 0 : i32
    %dma_start3A_28 = tpu.memref_slice %arg9[%dma_start3A_25, %dma_start3A_26, %dma_start3A_27] : memref<6x40x128xf32, #tpu.memory_space<vmem>> -> memref<1x40x128xf32, #tpu.memory_space<vmem>>
    %dma_start3A_29 = tpu.memref_squeeze %dma_start3A_28 : memref<1x40x128xf32, #tpu.memory_space<vmem>> -> memref<40x128xf32, #tpu.memory_space<vmem>>
    %dma_start3A_30 = arith.constant 80 : i32
    %dma_start3A_31 = tpu.memref_slice %arg7[%dma_start3A_30] : memref<10000xi32, #tpu.memory_space<vmem>> -> memref<40xi32, #tpu.memory_space<vmem>>
    %dma_start3A_32 = arith.constant 0 : i32
    %dma_start3A_33 = arith.constant 0 : i32
    %dma_start3A_34 = tpu.memref_slice %arg2[%dma_start3A_32, %dma_start3A_33] : memref<20000x128xf32, #tpu.memory_space<hbm>> -> memref<20000x128xf32, #tpu.memory_space<hbm>>
    tpu.enqueue_indirect_dma source(%dma_start3A_34 : memref<20000x128xf32, #tpu.memory_space<hbm>>) target(%dma_start3A_29 : memref<40x128xf32, #tpu.memory_space<vmem>>) offsets(%dma_start3A_31 : memref<40xi32, #tpu.memory_space<vmem>>) semaphore(%arg12 : memref<!tpu.dma_semaphore, #tpu.memory_space<semaphore_mem>>)
    %dma_start3A_35 = arith.constant 3 : i32
    %dma_start3A_36 = arith.constant 0 : i32
    %dma_start3A_37 = arith.constant 0 : i32
    %dma_start3A_38 = tpu.memref_slice %arg9[%dma_start3A_35, %dma_start3A_36, %dma_start3A_37] : memref<6x40x128xf32, #tpu.memory_space<vmem>> -> memref<1x40x128xf32, #tpu.memory_space<vmem>>
    %dma_start3A_39 = tpu.memref_squeeze %dma_start3A_38 : memref<1x40x128xf32, #tpu.memory_space<vmem>> -> memref<40x128xf32, #tpu.memory_space<vmem>>
    %dma_start3A_40 = arith.constant 120 : i32
    %dma_start3A_41 = tpu.memref_slice %arg7[%dma_start3A_40] : memref<10000xi32, #tpu.memory_space<vmem>> -> memref<40xi32, #tpu.memory_space<vmem>>
    %dma_start3A_42 = arith.constant 0 : i32
    %dma_start3A_43 = arith.constant 0 : i32
    %dma_start3A_44 = tpu.memref_slice %arg2[%dma_start3A_42, %dma_start3A_43] : memref<20000x128xf32, #tpu.memory_space<hbm>> -> memref<20000x128xf32, #tpu.memory_space<hbm>>
    tpu.enqueue_indirect_dma source(%dma_start3A_44 : memref<20000x128xf32, #tpu.memory_space<hbm>>) target(%dma_start3A_39 : memref<40x128xf32, #tpu.memory_space<vmem>>) offsets(%dma_start3A_41 : memref<40xi32, #tpu.memory_space<vmem>>) semaphore(%arg13 : memref<!tpu.dma_semaphore, #tpu.memory_space<semaphore_mem>>)
    %scan3A = arith.constant 0 : i32
    %scan3A_45 = arith.constant 0 : i32
    %scan3A_46 = arith.constant 4 : i32
    %scan3A_47 = arith.constant 1 : i32
    %scan3A_48 = arith.constant 5 : i32
    %scan3A_49 = arith.constant 2 : i32
    %scan3A_50 = arith.constant 3 : i32
    %scan3A_51 = arith.constant 0 : i32
    %scan3A_52 = arith.constant 41 : i32
    %scan3A_53 = arith.addi %scan3A_51, %scan3A_52 : i32
    %scan3A_54 = arith.constant 1 : i32
    scf.for %scan3A_206 = %scan3A_51 to %scan3A_53 step %scan3A_54  : i32 {
      %mul3A = arith.constant 6 : i32
      %mul3A_207 = arith.muli %mul3A, %scan3A_206 : i32
      %add3A = arith.constant 0 : i32
      %add3A_208 = arith.addi %mul3A_207, %add3A : i32
      %mul3A_209 = arith.constant 40 : i32
      %mul3A_210 = arith.muli %add3A_208, %mul3A_209 : i32
      %dma_wait3A_211 = arith.constant 0 : i32
      %dma_wait3A_212 = arith.constant 0 : i32
      %dma_wait3A_213 = tpu.memref_slice %arg9[%scan3A_45, %dma_wait3A_211, %dma_wait3A_212] : memref<6x40x128xf32, #tpu.memory_space<vmem>> -> memref<1x40x128xf32, #tpu.memory_space<vmem>>
      %dma_wait3A_214 = tpu.memref_squeeze %dma_wait3A_213 : memref<1x40x128xf32, #tpu.memory_space<vmem>> -> memref<40x128xf32, #tpu.memory_space<vmem>>
      %dma_wait3A_215 = tpu.memref_slice %arg7[%mul3A_210] : memref<10000xi32, #tpu.memory_space<vmem>> -> memref<40xi32, #tpu.memory_space<vmem>>
      %dma_wait3A_216 = arith.constant 0 : i32
      %dma_wait3A_217 = arith.constant 0 : i32
      %dma_wait3A_218 = tpu.memref_slice %arg2[%dma_wait3A_216, %dma_wait3A_217] : memref<20000x128xf32, #tpu.memory_space<hbm>> -> memref<20000x128xf32, #tpu.memory_space<hbm>>
      tpu.wait_indirect_dma semaphore(%arg10 : memref<!tpu.dma_semaphore, #tpu.memory_space<semaphore_mem>>) src(%dma_wait3A_218 : memref<20000x128xf32, #tpu.memory_space<hbm>>) dst(%dma_wait3A_214 : memref<40x128xf32, #tpu.memory_space<vmem>>)
      %ge3A = arith.constant 2 : i32
      %ge3A_219 = arith.cmpi sge, %add3A_208, %ge3A : i32
      %convert_element_type3A_220 = arith.extui %ge3A_219 : i1 to i32
      %cond3A_221 = arith.constant 0 : i32
      %cond3A_222 = arith.cmpi ne, %convert_element_type3A_220, %cond3A_221 : i32
      scf.if %cond3A_222 {
        %sub3A = arith.constant 2 : i32
        %sub3A_450 = arith.subi %add3A_208, %sub3A : i32
        %mul3A_451 = arith.constant 40 : i32
        %mul3A_452 = arith.muli %sub3A_450, %mul3A_451 : i32
        %dma_wait3A_453 = arith.constant 0 : i32
        %dma_wait3A_454 = arith.constant 0 : i32
        %dma_wait3A_455 = tpu.memref_slice %arg9[%scan3A_46, %dma_wait3A_453, %dma_wait3A_454] : memref<6x40x128xf32, #tpu.memory_space<vmem>> -> memref<1x40x128xf32, #tpu.memory_space<vmem>>
        %dma_wait3A_456 = tpu.memref_squeeze %dma_wait3A_455 : memref<1x40x128xf32, #tpu.memory_space<vmem>> -> memref<40x128xf32, #tpu.memory_space<vmem>>
        %dma_wait3A_457 = tpu.memref_slice %arg8[%mul3A_452] : memref<10000xi32, #tpu.memory_space<vmem>> -> memref<40xi32, #tpu.memory_space<vmem>>
        %dma_wait3A_458 = arith.constant 0 : i32
        %dma_wait3A_459 = arith.constant 0 : i32
        %dma_wait3A_460 = tpu.memref_slice %arg6[%dma_wait3A_458, %dma_wait3A_459] : memref<10000x128xf32, #tpu.memory_space<vmem_shared>> -> memref<10000x128xf32, #tpu.memory_space<vmem_shared>>
        tpu.wait_indirect_dma semaphore(%arg20 : memref<!tpu.dma_semaphore, #tpu.memory_space<semaphore_mem>>) src(%dma_wait3A_456 : memref<40x128xf32, #tpu.memory_space<vmem>>) dst(%dma_wait3A_460 : memref<10000x128xf32, #tpu.memory_space<vmem_shared>>)
      } else {
      }
      %add3A_223 = arith.constant 4 : i32
      %add3A_224 = arith.addi %add3A_208, %add3A_223 : i32
      %mul3A_225 = arith.constant 40 : i32
      %mul3A_226 = arith.muli %add3A_224, %mul3A_225 : i32
      %dma_start3A_227 = arith.constant 0 : i32
      %dma_start3A_228 = arith.constant 0 : i32
      %dma_start3A_229 = tpu.memref_slice %arg9[%scan3A_46, %dma_start3A_227, %dma_start3A_228] : memref<6x40x128xf32, #tpu.memory_space<vmem>> -> memref<1x40x128xf32, #tpu.memory_space<vmem>>
      %dma_start3A_230 = tpu.memref_squeeze %dma_start3A_229 : memref<1x40x128xf32, #tpu.memory_space<vmem>> -> memref<40x128xf32, #tpu.memory_space<vmem>>
      %dma_start3A_231 = tpu.memref_slice %arg7[%mul3A_226] : memref<10000xi32, #tpu.memory_space<vmem>> -> memref<40xi32, #tpu.memory_space<vmem>>
      %dma_start3A_232 = arith.constant 0 : i32
      %dma_start3A_233 = arith.constant 0 : i32
      %dma_start3A_234 = tpu.memref_slice %arg2[%dma_start3A_232, %dma_start3A_233] : memref<20000x128xf32, #tpu.memory_space<hbm>> -> memref<20000x128xf32, #tpu.memory_space<hbm>>
      tpu.enqueue_indirect_dma source(%dma_start3A_234 : memref<20000x128xf32, #tpu.memory_space<hbm>>) target(%dma_start3A_230 : memref<40x128xf32, #tpu.memory_space<vmem>>) offsets(%dma_start3A_231 : memref<40xi32, #tpu.memory_space<vmem>>) semaphore(%arg14 : memref<!tpu.dma_semaphore, #tpu.memory_space<semaphore_mem>>)
      %mul3A_235 = arith.constant 40 : i32
      %mul3A_236 = arith.muli %add3A_208, %mul3A_235 : i32
      %dma_start3A_237 = arith.constant 0 : i32
      %dma_start3A_238 = arith.constant 0 : i32
      %dma_start3A_239 = tpu.memref_slice %arg9[%scan3A_45, %dma_start3A_237, %dma_start3A_238] : memref<6x40x128xf32, #tpu.memory_space<vmem>> -> memref<1x40x128xf32, #tpu.memory_space<vmem>>
      %dma_start3A_240 = tpu.memref_squeeze %dma_start3A_239 : memref<1x40x128xf32, #tpu.memory_space<vmem>> -> memref<40x128xf32, #tpu.memory_space<vmem>>
      %dma_start3A_241 = tpu.memref_slice %arg8[%mul3A_236] : memref<10000xi32, #tpu.memory_space<vmem>> -> memref<40xi32, #tpu.memory_space<vmem>>
      %dma_start3A_242 = arith.constant 0 : i32
      %dma_start3A_243 = arith.constant 0 : i32
      %dma_start3A_244 = tpu.memref_slice %arg6[%dma_start3A_242, %dma_start3A_243] : memref<10000x128xf32, #tpu.memory_space<vmem_shared>> -> memref<10000x128xf32, #tpu.memory_space<vmem_shared>>
      tpu.enqueue_indirect_dma source(%dma_start3A_240 : memref<40x128xf32, #tpu.memory_space<vmem>>) target(%dma_start3A_244 : memref<10000x128xf32, #tpu.memory_space<vmem_shared>>) offsets(%dma_start3A_241 : memref<40xi32, #tpu.memory_space<vmem>>) semaphore(%arg16 : memref<!tpu.dma_semaphore, #tpu.memory_space<semaphore_mem>>) {add = true}
      %mul3A_245 = arith.constant 6 : i32
      %mul3A_246 = arith.muli %mul3A_245, %scan3A_206 : i32
      %add3A_247 = arith.constant 1 : i32
      %add3A_248 = arith.addi %mul3A_246, %add3A_247 : i32
      %mul3A_249 = arith.constant 40 : i32
      %mul3A_250 = arith.muli %add3A_248, %mul3A_249 : i32
      %dma_wait3A_251 = arith.constant 0 : i32
      %dma_wait3A_252 = arith.constant 0 : i32
      %dma_wait3A_253 = tpu.memref_slice %arg9[%scan3A_47, %dma_wait3A_251, %dma_wait3A_252] : memref<6x40x128xf32, #tpu.memory_space<vmem>> -> memref<1x40x128xf32, #tpu.memory_space<vmem>>
      %dma_wait3A_254 = tpu.memref_squeeze %dma_wait3A_253 : memref<1x40x128xf32, #tpu.memory_space<vmem>> -> memref<40x128xf32, #tpu.memory_space<vmem>>
      %dma_wait3A_255 = tpu.memref_slice %arg7[%mul3A_250] : memref<10000xi32, #tpu.memory_space<vmem>> -> memref<40xi32, #tpu.memory_space<vmem>>
      %dma_wait3A_256 = arith.constant 0 : i32
      %dma_wait3A_257 = arith.constant 0 : i32
      %dma_wait3A_258 = tpu.memref_slice %arg2[%dma_wait3A_256, %dma_wait3A_257] : memref<20000x128xf32, #tpu.memory_space<hbm>> -> memref<20000x128xf32, #tpu.memory_space<hbm>>
      tpu.wait_indirect_dma semaphore(%arg11 : memref<!tpu.dma_semaphore, #tpu.memory_space<semaphore_mem>>) src(%dma_wait3A_258 : memref<20000x128xf32, #tpu.memory_space<hbm>>) dst(%dma_wait3A_254 : memref<40x128xf32, #tpu.memory_space<vmem>>)
      %ge3A_259 = arith.constant 2 : i32
      %ge3A_260 = arith.cmpi sge, %add3A_248, %ge3A_259 : i32
      %convert_element_type3A_261 = arith.extui %ge3A_260 : i1 to i32
      %cond3A_262 = arith.constant 0 : i32
      %cond3A_263 = arith.cmpi ne, %convert_element_type3A_261, %cond3A_262 : i32
      scf.if %cond3A_263 {
        %sub3A = arith.constant 2 : i32
        %sub3A_450 = arith.subi %add3A_248, %sub3A : i32
        %mul3A_451 = arith.constant 40 : i32
        %mul3A_452 = arith.muli %sub3A_450, %mul3A_451 : i32
        %dma_wait3A_453 = arith.constant 0 : i32
        %dma_wait3A_454 = arith.constant 0 : i32
        %dma_wait3A_455 = tpu.memref_slice %arg9[%scan3A_48, %dma_wait3A_453, %dma_wait3A_454] : memref<6x40x128xf32, #tpu.memory_space<vmem>> -> memref<1x40x128xf32, #tpu.memory_space<vmem>>
        %dma_wait3A_456 = tpu.memref_squeeze %dma_wait3A_455 : memref<1x40x128xf32, #tpu.memory_space<vmem>> -> memref<40x128xf32, #tpu.memory_space<vmem>>
        %dma_wait3A_457 = tpu.memref_slice %arg8[%mul3A_452] : memref<10000xi32, #tpu.memory_space<vmem>> -> memref<40xi32, #tpu.memory_space<vmem>>
        %dma_wait3A_458 = arith.constant 0 : i32
        %dma_wait3A_459 = arith.constant 0 : i32
        %dma_wait3A_460 = tpu.memref_slice %arg6[%dma_wait3A_458, %dma_wait3A_459] : memref<10000x128xf32, #tpu.memory_space<vmem_shared>> -> memref<10000x128xf32, #tpu.memory_space<vmem_shared>>
        tpu.wait_indirect_dma semaphore(%arg21 : memref<!tpu.dma_semaphore, #tpu.memory_space<semaphore_mem>>) src(%dma_wait3A_456 : memref<40x128xf32, #tpu.memory_space<vmem>>) dst(%dma_wait3A_460 : memref<10000x128xf32, #tpu.memory_space<vmem_shared>>)
      } else {
      }
      %add3A_264 = arith.constant 4 : i32
      %add3A_265 = arith.addi %add3A_248, %add3A_264 : i32
      %mul3A_266 = arith.constant 40 : i32
      %mul3A_267 = arith.muli %add3A_265, %mul3A_266 : i32
      %dma_start3A_268 = arith.constant 0 : i32
      %dma_start3A_269 = arith.constant 0 : i32
      %dma_start3A_270 = tpu.memref_slice %arg9[%scan3A_48, %dma_start3A_268, %dma_start3A_269] : memref<6x40x128xf32, #tpu.memory_space<vmem>> -> memref<1x40x128xf32, #tpu.memory_space<vmem>>
      %dma_start3A_271 = tpu.memref_squeeze %dma_start3A_270 : memref<1x40x128xf32, #tpu.memory_space<vmem>> -> memref<40x128xf32, #tpu.memory_space<vmem>>
      %dma_start3A_272 = tpu.memref_slice %arg7[%mul3A_267] : memref<10000xi32, #tpu.memory_space<vmem>> -> memref<40xi32, #tpu.memory_space<vmem>>
      %dma_start3A_273 = arith.constant 0 : i32
      %dma_start3A_274 = arith.constant 0 : i32
      %dma_start3A_275 = tpu.memref_slice %arg2[%dma_start3A_273, %dma_start3A_274] : memref<20000x128xf32, #tpu.memory_space<hbm>> -> memref<20000x128xf32, #tpu.memory_space<hbm>>
      tpu.enqueue_indirect_dma source(%dma_start3A_275 : memref<20000x128xf32, #tpu.memory_space<hbm>>) target(%dma_start3A_271 : memref<40x128xf32, #tpu.memory_space<vmem>>) offsets(%dma_start3A_272 : memref<40xi32, #tpu.memory_space<vmem>>) semaphore(%arg15 : memref<!tpu.dma_semaphore, #tpu.memory_space<semaphore_mem>>)
      %mul3A_276 = arith.constant 40 : i32
      %mul3A_277 = arith.muli %add3A_248, %mul3A_276 : i32
      %dma_start3A_278 = arith.constant 0 : i32
      %dma_start3A_279 = arith.constant 0 : i32
      %dma_start3A_280 = tpu.memref_slice %arg9[%scan3A_47, %dma_start3A_278, %dma_start3A_279] : memref<6x40x128xf32, #tpu.memory_space<vmem>> -> memref<1x40x128xf32, #tpu.memory_space<vmem>>
      %dma_start3A_281 = tpu.memref_squeeze %dma_start3A_280 : memref<1x40x128xf32, #tpu.memory_space<vmem>> -> memref<40x128xf32, #tpu.memory_space<vmem>>
      %dma_start3A_282 = tpu.memref_slice %arg8[%mul3A_277] : memref<10000xi32, #tpu.memory_space<vmem>> -> memref<40xi32, #tpu.memory_space<vmem>>
      %dma_start3A_283 = arith.constant 0 : i32
      %dma_start3A_284 = arith.constant 0 : i32
      %dma_start3A_285 = tpu.memref_slice %arg6[%dma_start3A_283, %dma_start3A_284] : memref<10000x128xf32, #tpu.memory_space<vmem_shared>> -> memref<10000x128xf32, #tpu.memory_space<vmem_shared>>
      tpu.enqueue_indirect_dma source(%dma_start3A_281 : memref<40x128xf32, #tpu.memory_space<vmem>>) target(%dma_start3A_285 : memref<10000x128xf32, #tpu.memory_space<vmem_shared>>) offsets(%dma_start3A_282 : memref<40xi32, #tpu.memory_space<vmem>>) semaphore(%arg17 : memref<!tpu.dma_semaphore, #tpu.memory_space<semaphore_mem>>) {add = true}
      %mul3A_286 = arith.constant 6 : i32
      %mul3A_287 = arith.muli %mul3A_286, %scan3A_206 : i32
      %add3A_288 = arith.constant 2 : i32
      %add3A_289 = arith.addi %mul3A_287, %add3A_288 : i32
      %mul3A_290 = arith.constant 40 : i32
      %mul3A_291 = arith.muli %add3A_289, %mul3A_290 : i32
      %dma_wait3A_292 = arith.constant 0 : i32
      %dma_wait3A_293 = arith.constant 0 : i32
      %dma_wait3A_294 = tpu.memref_slice %arg9[%scan3A_49, %dma_wait3A_292, %dma_wait3A_293] : memref<6x40x128xf32, #tpu.memory_space<vmem>> -> memref<1x40x128xf32, #tpu.memory_space<vmem>>
      %dma_wait3A_295 = tpu.memref_squeeze %dma_wait3A_294 : memref<1x40x128xf32, #tpu.memory_space<vmem>> -> memref<40x128xf32, #tpu.memory_space<vmem>>
      %dma_wait3A_296 = tpu.memref_slice %arg7[%mul3A_291] : memref<10000xi32, #tpu.memory_space<vmem>> -> memref<40xi32, #tpu.memory_space<vmem>>
      %dma_wait3A_297 = arith.constant 0 : i32
      %dma_wait3A_298 = arith.constant 0 : i32
      %dma_wait3A_299 = tpu.memref_slice %arg2[%dma_wait3A_297, %dma_wait3A_298] : memref<20000x128xf32, #tpu.memory_space<hbm>> -> memref<20000x128xf32, #tpu.memory_space<hbm>>
      tpu.wait_indirect_dma semaphore(%arg12 : memref<!tpu.dma_semaphore, #tpu.memory_space<semaphore_mem>>) src(%dma_wait3A_299 : memref<20000x128xf32, #tpu.memory_space<hbm>>) dst(%dma_wait3A_295 : memref<40x128xf32, #tpu.memory_space<vmem>>)
      %ge3A_300 = arith.constant 2 : i32
      %ge3A_301 = arith.cmpi sge, %add3A_289, %ge3A_300 : i32
      %convert_element_type3A_302 = arith.extui %ge3A_301 : i1 to i32
      %cond3A_303 = arith.constant 0 : i32
      %cond3A_304 = arith.cmpi ne, %convert_element_type3A_302, %cond3A_303 : i32
      scf.if %cond3A_304 {
        %sub3A = arith.constant 2 : i32
        %sub3A_450 = arith.subi %add3A_289, %sub3A : i32
        %mul3A_451 = arith.constant 40 : i32
        %mul3A_452 = arith.muli %sub3A_450, %mul3A_451 : i32
        %dma_wait3A_453 = arith.constant 0 : i32
        %dma_wait3A_454 = arith.constant 0 : i32
        %dma_wait3A_455 = tpu.memref_slice %arg9[%scan3A_45, %dma_wait3A_453, %dma_wait3A_454] : memref<6x40x128xf32, #tpu.memory_space<vmem>> -> memref<1x40x128xf32, #tpu.memory_space<vmem>>
        %dma_wait3A_456 = tpu.memref_squeeze %dma_wait3A_455 : memref<1x40x128xf32, #tpu.memory_space<vmem>> -> memref<40x128xf32, #tpu.memory_space<vmem>>
        %dma_wait3A_457 = tpu.memref_slice %arg8[%mul3A_452] : memref<10000xi32, #tpu.memory_space<vmem>> -> memref<40xi32, #tpu.memory_space<vmem>>
        %dma_wait3A_458 = arith.constant 0 : i32
        %dma_wait3A_459 = arith.constant 0 : i32
        %dma_wait3A_460 = tpu.memref_slice %arg6[%dma_wait3A_458, %dma_wait3A_459] : memref<10000x128xf32, #tpu.memory_space<vmem_shared>> -> memref<10000x128xf32, #tpu.memory_space<vmem_shared>>
        tpu.wait_indirect_dma semaphore(%arg16 : memref<!tpu.dma_semaphore, #tpu.memory_space<semaphore_mem>>) src(%dma_wait3A_456 : memref<40x128xf32, #tpu.memory_space<vmem>>) dst(%dma_wait3A_460 : memref<10000x128xf32, #tpu.memory_space<vmem_shared>>)
      } else {
      }
      %add3A_305 = arith.constant 4 : i32
      %add3A_306 = arith.addi %add3A_289, %add3A_305 : i32
      %mul3A_307 = arith.constant 40 : i32
      %mul3A_308 = arith.muli %add3A_306, %mul3A_307 : i32
      %dma_start3A_309 = arith.constant 0 : i32
      %dma_start3A_310 = arith.constant 0 : i32
      %dma_start3A_311 = tpu.memref_slice %arg9[%scan3A_45, %dma_start3A_309, %dma_start3A_310] : memref<6x40x128xf32, #tpu.memory_space<vmem>> -> memref<1x40x128xf32, #tpu.memory_space<vmem>>
      %dma_start3A_312 = tpu.memref_squeeze %dma_start3A_311 : memref<1x40x128xf32, #tpu.memory_space<vmem>> -> memref<40x128xf32, #tpu.memory_space<vmem>>
      %dma_start3A_313 = tpu.memref_slice %arg7[%mul3A_308] : memref<10000xi32, #tpu.memory_space<vmem>> -> memref<40xi32, #tpu.memory_space<vmem>>
      %dma_start3A_314 = arith.constant 0 : i32
      %dma_start3A_315 = arith.constant 0 : i32
      %dma_start3A_316 = tpu.memref_slice %arg2[%dma_start3A_314, %dma_start3A_315] : memref<20000x128xf32, #tpu.memory_space<hbm>> -> memref<20000x128xf32, #tpu.memory_space<hbm>>
      tpu.enqueue_indirect_dma source(%dma_start3A_316 : memref<20000x128xf32, #tpu.memory_space<hbm>>) target(%dma_start3A_312 : memref<40x128xf32, #tpu.memory_space<vmem>>) offsets(%dma_start3A_313 : memref<40xi32, #tpu.memory_space<vmem>>) semaphore(%arg10 : memref<!tpu.dma_semaphore, #tpu.memory_space<semaphore_mem>>)
      %mul3A_317 = arith.constant 40 : i32
      %mul3A_318 = arith.muli %add3A_289, %mul3A_317 : i32
      %dma_start3A_319 = arith.constant 0 : i32
      %dma_start3A_320 = arith.constant 0 : i32
      %dma_start3A_321 = tpu.memref_slice %arg9[%scan3A_49, %dma_start3A_319, %dma_start3A_320] : memref<6x40x128xf32, #tpu.memory_space<vmem>> -> memref<1x40x128xf32, #tpu.memory_space<vmem>>
      %dma_start3A_322 = tpu.memref_squeeze %dma_start3A_321 : memref<1x40x128xf32, #tpu.memory_space<vmem>> -> memref<40x128xf32, #tpu.memory_space<vmem>>
      %dma_start3A_323 = tpu.memref_slice %arg8[%mul3A_318] : memref<10000xi32, #tpu.memory_space<vmem>> -> memref<40xi32, #tpu.memory_space<vmem>>
      %dma_start3A_324 = arith.constant 0 : i32
      %dma_start3A_325 = arith.constant 0 : i32
      %dma_start3A_326 = tpu.memref_slice %arg6[%dma_start3A_324, %dma_start3A_325] : memref<10000x128xf32, #tpu.memory_space<vmem_shared>> -> memref<10000x128xf32, #tpu.memory_space<vmem_shared>>
      tpu.enqueue_indirect_dma source(%dma_start3A_322 : memref<40x128xf32, #tpu.memory_space<vmem>>) target(%dma_start3A_326 : memref<10000x128xf32, #tpu.memory_space<vmem_shared>>) offsets(%dma_start3A_323 : memref<40xi32, #tpu.memory_space<vmem>>) semaphore(%arg18 : memref<!tpu.dma_semaphore, #tpu.memory_space<semaphore_mem>>) {add = true}
      %mul3A_327 = arith.constant 6 : i32
      %mul3A_328 = arith.muli %mul3A_327, %scan3A_206 : i32
      %add3A_329 = arith.constant 3 : i32
      %add3A_330 = arith.addi %mul3A_328, %add3A_329 : i32
      %mul3A_331 = arith.constant 40 : i32
      %mul3A_332 = arith.muli %add3A_330, %mul3A_331 : i32
      %dma_wait3A_333 = arith.constant 0 : i32
      %dma_wait3A_334 = arith.constant 0 : i32
      %dma_wait3A_335 = tpu.memref_slice %arg9[%scan3A_50, %dma_wait3A_333, %dma_wait3A_334] : memref<6x40x128xf32, #tpu.memory_space<vmem>> -> memref<1x40x128xf32, #tpu.memory_space<vmem>>
      %dma_wait3A_336 = tpu.memref_squeeze %dma_wait3A_335 : memref<1x40x128xf32, #tpu.memory_space<vmem>> -> memref<40x128xf32, #tpu.memory_space<vmem>>
      %dma_wait3A_337 = tpu.memref_slice %arg7[%mul3A_332] : memref<10000xi32, #tpu.memory_space<vmem>> -> memref<40xi32, #tpu.memory_space<vmem>>
      %dma_wait3A_338 = arith.constant 0 : i32
      %dma_wait3A_339 = arith.constant 0 : i32
      %dma_wait3A_340 = tpu.memref_slice %arg2[%dma_wait3A_338, %dma_wait3A_339] : memref<20000x128xf32, #tpu.memory_space<hbm>> -> memref<20000x128xf32, #tpu.memory_space<hbm>>
      tpu.wait_indirect_dma semaphore(%arg13 : memref<!tpu.dma_semaphore, #tpu.memory_space<semaphore_mem>>) src(%dma_wait3A_340 : memref<20000x128xf32, #tpu.memory_space<hbm>>) dst(%dma_wait3A_336 : memref<40x128xf32, #tpu.memory_space<vmem>>)
      %ge3A_341 = arith.constant 2 : i32
      %ge3A_342 = arith.cmpi sge, %add3A_330, %ge3A_341 : i32
      %convert_element_type3A_343 = arith.extui %ge3A_342 : i1 to i32
      %cond3A_344 = arith.constant 0 : i32
      %cond3A_345 = arith.cmpi ne, %convert_element_type3A_343, %cond3A_344 : i32
      scf.if %cond3A_345 {
        %sub3A = arith.constant 2 : i32
        %sub3A_450 = arith.subi %add3A_330, %sub3A : i32
        %mul3A_451 = arith.constant 40 : i32
        %mul3A_452 = arith.muli %sub3A_450, %mul3A_451 : i32
        %dma_wait3A_453 = arith.constant 0 : i32
        %dma_wait3A_454 = arith.constant 0 : i32
        %dma_wait3A_455 = tpu.memref_slice %arg9[%scan3A_47, %dma_wait3A_453, %dma_wait3A_454] : memref<6x40x128xf32, #tpu.memory_space<vmem>> -> memref<1x40x128xf32, #tpu.memory_space<vmem>>
        %dma_wait3A_456 = tpu.memref_squeeze %dma_wait3A_455 : memref<1x40x128xf32, #tpu.memory_space<vmem>> -> memref<40x128xf32, #tpu.memory_space<vmem>>
        %dma_wait3A_457 = tpu.memref_slice %arg8[%mul3A_452] : memref<10000xi32, #tpu.memory_space<vmem>> -> memref<40xi32, #tpu.memory_space<vmem>>
        %dma_wait3A_458 = arith.constant 0 : i32
        %dma_wait3A_459 = arith.constant 0 : i32
        %dma_wait3A_460 = tpu.memref_slice %arg6[%dma_wait3A_458, %dma_wait3A_459] : memref<10000x128xf32, #tpu.memory_space<vmem_shared>> -> memref<10000x128xf32, #tpu.memory_space<vmem_shared>>
        tpu.wait_indirect_dma semaphore(%arg17 : memref<!tpu.dma_semaphore, #tpu.memory_space<semaphore_mem>>) src(%dma_wait3A_456 : memref<40x128xf32, #tpu.memory_space<vmem>>) dst(%dma_wait3A_460 : memref<10000x128xf32, #tpu.memory_space<vmem_shared>>)
      } else {
      }
      %add3A_346 = arith.constant 4 : i32
      %add3A_347 = arith.addi %add3A_330, %add3A_346 : i32
      %mul3A_348 = arith.constant 40 : i32
      %mul3A_349 = arith.muli %add3A_347, %mul3A_348 : i32
      %dma_start3A_350 = arith.constant 0 : i32
      %dma_start3A_351 = arith.constant 0 : i32
      %dma_start3A_352 = tpu.memref_slice %arg9[%scan3A_47, %dma_start3A_350, %dma_start3A_351] : memref<6x40x128xf32, #tpu.memory_space<vmem>> -> memref<1x40x128xf32, #tpu.memory_space<vmem>>
      %dma_start3A_353 = tpu.memref_squeeze %dma_start3A_352 : memref<1x40x128xf32, #tpu.memory_space<vmem>> -> memref<40x128xf32, #tpu.memory_space<vmem>>
      %dma_start3A_354 = tpu.memref_slice %arg7[%mul3A_349] : memref<10000xi32, #tpu.memory_space<vmem>> -> memref<40xi32, #tpu.memory_space<vmem>>
      %dma_start3A_355 = arith.constant 0 : i32
      %dma_start3A_356 = arith.constant 0 : i32
      %dma_start3A_357 = tpu.memref_slice %arg2[%dma_start3A_355, %dma_start3A_356] : memref<20000x128xf32, #tpu.memory_space<hbm>> -> memref<20000x128xf32, #tpu.memory_space<hbm>>
      tpu.enqueue_indirect_dma source(%dma_start3A_357 : memref<20000x128xf32, #tpu.memory_space<hbm>>) target(%dma_start3A_353 : memref<40x128xf32, #tpu.memory_space<vmem>>) offsets(%dma_start3A_354 : memref<40xi32, #tpu.memory_space<vmem>>) semaphore(%arg11 : memref<!tpu.dma_semaphore, #tpu.memory_space<semaphore_mem>>)
      %mul3A_358 = arith.constant 40 : i32
      %mul3A_359 = arith.muli %add3A_330, %mul3A_358 : i32
      %dma_start3A_360 = arith.constant 0 : i32
      %dma_start3A_361 = arith.constant 0 : i32
      %dma_start3A_362 = tpu.memref_slice %arg9[%scan3A_50, %dma_start3A_360, %dma_start3A_361] : memref<6x40x128xf32, #tpu.memory_space<vmem>> -> memref<1x40x128xf32, #tpu.memory_space<vmem>>
      %dma_start3A_363 = tpu.memref_squeeze %dma_start3A_362 : memref<1x40x128xf32, #tpu.memory_space<vmem>> -> memref<40x128xf32, #tpu.memory_space<vmem>>
      %dma_start3A_364 = tpu.memref_slice %arg8[%mul3A_359] : memref<10000xi32, #tpu.memory_space<vmem>> -> memref<40xi32, #tpu.memory_space<vmem>>
      %dma_start3A_365 = arith.constant 0 : i32
      %dma_start3A_366 = arith.constant 0 : i32
      %dma_start3A_367 = tpu.memref_slice %arg6[%dma_start3A_365, %dma_start3A_366] : memref<10000x128xf32, #tpu.memory_space<vmem_shared>> -> memref<10000x128xf32, #tpu.memory_space<vmem_shared>>
      tpu.enqueue_indirect_dma source(%dma_start3A_363 : memref<40x128xf32, #tpu.memory_space<vmem>>) target(%dma_start3A_367 : memref<10000x128xf32, #tpu.memory_space<vmem_shared>>) offsets(%dma_start3A_364 : memref<40xi32, #tpu.memory_space<vmem>>) semaphore(%arg19 : memref<!tpu.dma_semaphore, #tpu.memory_space<semaphore_mem>>) {add = true}
      %mul3A_368 = arith.constant 6 : i32
      %mul3A_369 = arith.muli %mul3A_368, %scan3A_206 : i32
      %add3A_370 = arith.constant 4 : i32
      %add3A_371 = arith.addi %mul3A_369, %add3A_370 : i32
      %mul3A_372 = arith.constant 40 : i32
      %mul3A_373 = arith.muli %add3A_371, %mul3A_372 : i32
      %dma_wait3A_374 = arith.constant 0 : i32
      %dma_wait3A_375 = arith.constant 0 : i32
      %dma_wait3A_376 = tpu.memref_slice %arg9[%scan3A_46, %dma_wait3A_374, %dma_wait3A_375] : memref<6x40x128xf32, #tpu.memory_space<vmem>> -> memref<1x40x128xf32, #tpu.memory_space<vmem>>
      %dma_wait3A_377 = tpu.memref_squeeze %dma_wait3A_376 : memref<1x40x128xf32, #tpu.memory_space<vmem>> -> memref<40x128xf32, #tpu.memory_space<vmem>>
      %dma_wait3A_378 = tpu.memref_slice %arg7[%mul3A_373] : memref<10000xi32, #tpu.memory_space<vmem>> -> memref<40xi32, #tpu.memory_space<vmem>>
      %dma_wait3A_379 = arith.constant 0 : i32
      %dma_wait3A_380 = arith.constant 0 : i32
      %dma_wait3A_381 = tpu.memref_slice %arg2[%dma_wait3A_379, %dma_wait3A_380] : memref<20000x128xf32, #tpu.memory_space<hbm>> -> memref<20000x128xf32, #tpu.memory_space<hbm>>
      tpu.wait_indirect_dma semaphore(%arg14 : memref<!tpu.dma_semaphore, #tpu.memory_space<semaphore_mem>>) src(%dma_wait3A_381 : memref<20000x128xf32, #tpu.memory_space<hbm>>) dst(%dma_wait3A_377 : memref<40x128xf32, #tpu.memory_space<vmem>>)
      %ge3A_382 = arith.constant 2 : i32
      %ge3A_383 = arith.cmpi sge, %add3A_371, %ge3A_382 : i32
      %convert_element_type3A_384 = arith.extui %ge3A_383 : i1 to i32
      %cond3A_385 = arith.constant 0 : i32
      %cond3A_386 = arith.cmpi ne, %convert_element_type3A_384, %cond3A_385 : i32
      scf.if %cond3A_386 {
        %sub3A = arith.constant 2 : i32
        %sub3A_450 = arith.subi %add3A_371, %sub3A : i32
        %mul3A_451 = arith.constant 40 : i32
        %mul3A_452 = arith.muli %sub3A_450, %mul3A_451 : i32
        %dma_wait3A_453 = arith.constant 0 : i32
        %dma_wait3A_454 = arith.constant 0 : i32
        %dma_wait3A_455 = tpu.memref_slice %arg9[%scan3A_49, %dma_wait3A_453, %dma_wait3A_454] : memref<6x40x128xf32, #tpu.memory_space<vmem>> -> memref<1x40x128xf32, #tpu.memory_space<vmem>>
        %dma_wait3A_456 = tpu.memref_squeeze %dma_wait3A_455 : memref<1x40x128xf32, #tpu.memory_space<vmem>> -> memref<40x128xf32, #tpu.memory_space<vmem>>
        %dma_wait3A_457 = tpu.memref_slice %arg8[%mul3A_452] : memref<10000xi32, #tpu.memory_space<vmem>> -> memref<40xi32, #tpu.memory_space<vmem>>
        %dma_wait3A_458 = arith.constant 0 : i32
        %dma_wait3A_459 = arith.constant 0 : i32
        %dma_wait3A_460 = tpu.memref_slice %arg6[%dma_wait3A_458, %dma_wait3A_459] : memref<10000x128xf32, #tpu.memory_space<vmem_shared>> -> memref<10000x128xf32, #tpu.memory_space<vmem_shared>>
        tpu.wait_indirect_dma semaphore(%arg18 : memref<!tpu.dma_semaphore, #tpu.memory_space<semaphore_mem>>) src(%dma_wait3A_456 : memref<40x128xf32, #tpu.memory_space<vmem>>) dst(%dma_wait3A_460 : memref<10000x128xf32, #tpu.memory_space<vmem_shared>>)
      } else {
      }
      %add3A_387 = arith.constant 4 : i32
      %add3A_388 = arith.addi %add3A_371, %add3A_387 : i32
      %mul3A_389 = arith.constant 40 : i32
      %mul3A_390 = arith.muli %add3A_388, %mul3A_389 : i32
      %dma_start3A_391 = arith.constant 0 : i32
      %dma_start3A_392 = arith.constant 0 : i32
      %dma_start3A_393 = tpu.memref_slice %arg9[%scan3A_49, %dma_start3A_391, %dma_start3A_392] : memref<6x40x128xf32, #tpu.memory_space<vmem>> -> memref<1x40x128xf32, #tpu.memory_space<vmem>>
      %dma_start3A_394 = tpu.memref_squeeze %dma_start3A_393 : memref<1x40x128xf32, #tpu.memory_space<vmem>> -> memref<40x128xf32, #tpu.memory_space<vmem>>
      %dma_start3A_395 = tpu.memref_slice %arg7[%mul3A_390] : memref<10000xi32, #tpu.memory_space<vmem>> -> memref<40xi32, #tpu.memory_space<vmem>>
      %dma_start3A_396 = arith.constant 0 : i32
      %dma_start3A_397 = arith.constant 0 : i32
      %dma_start3A_398 = tpu.memref_slice %arg2[%dma_start3A_396, %dma_start3A_397] : memref<20000x128xf32, #tpu.memory_space<hbm>> -> memref<20000x128xf32, #tpu.memory_space<hbm>>
      tpu.enqueue_indirect_dma source(%dma_start3A_398 : memref<20000x128xf32, #tpu.memory_space<hbm>>) target(%dma_start3A_394 : memref<40x128xf32, #tpu.memory_space<vmem>>) offsets(%dma_start3A_395 : memref<40xi32, #tpu.memory_space<vmem>>) semaphore(%arg12 : memref<!tpu.dma_semaphore, #tpu.memory_space<semaphore_mem>>)
      %mul3A_399 = arith.constant 40 : i32
      %mul3A_400 = arith.muli %add3A_371, %mul3A_399 : i32
      %dma_start3A_401 = arith.constant 0 : i32
      %dma_start3A_402 = arith.constant 0 : i32
      %dma_start3A_403 = tpu.memref_slice %arg9[%scan3A_46, %dma_start3A_401, %dma_start3A_402] : memref<6x40x128xf32, #tpu.memory_space<vmem>> -> memref<1x40x128xf32, #tpu.memory_space<vmem>>
      %dma_start3A_404 = tpu.memref_squeeze %dma_start3A_403 : memref<1x40x128xf32, #tpu.memory_space<vmem>> -> memref<40x128xf32, #tpu.memory_space<vmem>>
      %dma_start3A_405 = tpu.memref_slice %arg8[%mul3A_400] : memref<10000xi32, #tpu.memory_space<vmem>> -> memref<40xi32, #tpu.memory_space<vmem>>
      %dma_start3A_406 = arith.constant 0 : i32
      %dma_start3A_407 = arith.constant 0 : i32
      %dma_start3A_408 = tpu.memref_slice %arg6[%dma_start3A_406, %dma_start3A_407] : memref<10000x128xf32, #tpu.memory_space<vmem_shared>> -> memref<10000x128xf32, #tpu.memory_space<vmem_shared>>
      tpu.enqueue_indirect_dma source(%dma_start3A_404 : memref<40x128xf32, #tpu.memory_space<vmem>>) target(%dma_start3A_408 : memref<10000x128xf32, #tpu.memory_space<vmem_shared>>) offsets(%dma_start3A_405 : memref<40xi32, #tpu.memory_space<vmem>>) semaphore(%arg20 : memref<!tpu.dma_semaphore, #tpu.memory_space<semaphore_mem>>) {add = true}
      %mul3A_409 = arith.constant 6 : i32
      %mul3A_410 = arith.muli %mul3A_409, %scan3A_206 : i32
      %add3A_411 = arith.constant 5 : i32
      %add3A_412 = arith.addi %mul3A_410, %add3A_411 : i32
      %mul3A_413 = arith.constant 40 : i32
      %mul3A_414 = arith.muli %add3A_412, %mul3A_413 : i32
      %dma_wait3A_415 = arith.constant 0 : i32
      %dma_wait3A_416 = arith.constant 0 : i32
      %dma_wait3A_417 = tpu.memref_slice %arg9[%scan3A_48, %dma_wait3A_415, %dma_wait3A_416] : memref<6x40x128xf32, #tpu.memory_space<vmem>> -> memref<1x40x128xf32, #tpu.memory_space<vmem>>
      %dma_wait3A_418 = tpu.memref_squeeze %dma_wait3A_417 : memref<1x40x128xf32, #tpu.memory_space<vmem>> -> memref<40x128xf32, #tpu.memory_space<vmem>>
      %dma_wait3A_419 = tpu.memref_slice %arg7[%mul3A_414] : memref<10000xi32, #tpu.memory_space<vmem>> -> memref<40xi32, #tpu.memory_space<vmem>>
      %dma_wait3A_420 = arith.constant 0 : i32
      %dma_wait3A_421 = arith.constant 0 : i32
      %dma_wait3A_422 = tpu.memref_slice %arg2[%dma_wait3A_420, %dma_wait3A_421] : memref<20000x128xf32, #tpu.memory_space<hbm>> -> memref<20000x128xf32, #tpu.memory_space<hbm>>
      tpu.wait_indirect_dma semaphore(%arg15 : memref<!tpu.dma_semaphore, #tpu.memory_space<semaphore_mem>>) src(%dma_wait3A_422 : memref<20000x128xf32, #tpu.memory_space<hbm>>) dst(%dma_wait3A_418 : memref<40x128xf32, #tpu.memory_space<vmem>>)
      %ge3A_423 = arith.constant 2 : i32
      %ge3A_424 = arith.cmpi sge, %add3A_412, %ge3A_423 : i32
      %convert_element_type3A_425 = arith.extui %ge3A_424 : i1 to i32
      %cond3A_426 = arith.constant 0 : i32
      %cond3A_427 = arith.cmpi ne, %convert_element_type3A_425, %cond3A_426 : i32
      scf.if %cond3A_427 {
        %sub3A = arith.constant 2 : i32
        %sub3A_450 = arith.subi %add3A_412, %sub3A : i32
        %mul3A_451 = arith.constant 40 : i32
        %mul3A_452 = arith.muli %sub3A_450, %mul3A_451 : i32
        %dma_wait3A_453 = arith.constant 0 : i32
        %dma_wait3A_454 = arith.constant 0 : i32
        %dma_wait3A_455 = tpu.memref_slice %arg9[%scan3A_50, %dma_wait3A_453, %dma_wait3A_454] : memref<6x40x128xf32, #tpu.memory_space<vmem>> -> memref<1x40x128xf32, #tpu.memory_space<vmem>>
        %dma_wait3A_456 = tpu.memref_squeeze %dma_wait3A_455 : memref<1x40x128xf32, #tpu.memory_space<vmem>> -> memref<40x128xf32, #tpu.memory_space<vmem>>
        %dma_wait3A_457 = tpu.memref_slice %arg8[%mul3A_452] : memref<10000xi32, #tpu.memory_space<vmem>> -> memref<40xi32, #tpu.memory_space<vmem>>
        %dma_wait3A_458 = arith.constant 0 : i32
        %dma_wait3A_459 = arith.constant 0 : i32
        %dma_wait3A_460 = tpu.memref_slice %arg6[%dma_wait3A_458, %dma_wait3A_459] : memref<10000x128xf32, #tpu.memory_space<vmem_shared>> -> memref<10000x128xf32, #tpu.memory_space<vmem_shared>>
        tpu.wait_indirect_dma semaphore(%arg19 : memref<!tpu.dma_semaphore, #tpu.memory_space<semaphore_mem>>) src(%dma_wait3A_456 : memref<40x128xf32, #tpu.memory_space<vmem>>) dst(%dma_wait3A_460 : memref<10000x128xf32, #tpu.memory_space<vmem_shared>>)
      } else {
      }
      %add3A_428 = arith.constant 4 : i32
      %add3A_429 = arith.addi %add3A_412, %add3A_428 : i32
      %mul3A_430 = arith.constant 40 : i32
      %mul3A_431 = arith.muli %add3A_429, %mul3A_430 : i32
      %dma_start3A_432 = arith.constant 0 : i32
      %dma_start3A_433 = arith.constant 0 : i32
      %dma_start3A_434 = tpu.memref_slice %arg9[%scan3A_50, %dma_start3A_432, %dma_start3A_433] : memref<6x40x128xf32, #tpu.memory_space<vmem>> -> memref<1x40x128xf32, #tpu.memory_space<vmem>>
      %dma_start3A_435 = tpu.memref_squeeze %dma_start3A_434 : memref<1x40x128xf32, #tpu.memory_space<vmem>> -> memref<40x128xf32, #tpu.memory_space<vmem>>
      %dma_start3A_436 = tpu.memref_slice %arg7[%mul3A_431] : memref<10000xi32, #tpu.memory_space<vmem>> -> memref<40xi32, #tpu.memory_space<vmem>>
      %dma_start3A_437 = arith.constant 0 : i32
      %dma_start3A_438 = arith.constant 0 : i32
      %dma_start3A_439 = tpu.memref_slice %arg2[%dma_start3A_437, %dma_start3A_438] : memref<20000x128xf32, #tpu.memory_space<hbm>> -> memref<20000x128xf32, #tpu.memory_space<hbm>>
      tpu.enqueue_indirect_dma source(%dma_start3A_439 : memref<20000x128xf32, #tpu.memory_space<hbm>>) target(%dma_start3A_435 : memref<40x128xf32, #tpu.memory_space<vmem>>) offsets(%dma_start3A_436 : memref<40xi32, #tpu.memory_space<vmem>>) semaphore(%arg13 : memref<!tpu.dma_semaphore, #tpu.memory_space<semaphore_mem>>)
      %mul3A_440 = arith.constant 40 : i32
      %mul3A_441 = arith.muli %add3A_412, %mul3A_440 : i32
      %dma_start3A_442 = arith.constant 0 : i32
      %dma_start3A_443 = arith.constant 0 : i32
      %dma_start3A_444 = tpu.memref_slice %arg9[%scan3A_48, %dma_start3A_442, %dma_start3A_443] : memref<6x40x128xf32, #tpu.memory_space<vmem>> -> memref<1x40x128xf32, #tpu.memory_space<vmem>>
      %dma_start3A_445 = tpu.memref_squeeze %dma_start3A_444 : memref<1x40x128xf32, #tpu.memory_space<vmem>> -> memref<40x128xf32, #tpu.memory_space<vmem>>
      %dma_start3A_446 = tpu.memref_slice %arg8[%mul3A_441] : memref<10000xi32, #tpu.memory_space<vmem>> -> memref<40xi32, #tpu.memory_space<vmem>>
      %dma_start3A_447 = arith.constant 0 : i32
      %dma_start3A_448 = arith.constant 0 : i32
      %dma_start3A_449 = tpu.memref_slice %arg6[%dma_start3A_447, %dma_start3A_448] : memref<10000x128xf32, #tpu.memory_space<vmem_shared>> -> memref<10000x128xf32, #tpu.memory_space<vmem_shared>>
      tpu.enqueue_indirect_dma source(%dma_start3A_445 : memref<40x128xf32, #tpu.memory_space<vmem>>) target(%dma_start3A_449 : memref<10000x128xf32, #tpu.memory_space<vmem_shared>>) offsets(%dma_start3A_446 : memref<40xi32, #tpu.memory_space<vmem>>) semaphore(%arg21 : memref<!tpu.dma_semaphore, #tpu.memory_space<semaphore_mem>>) {add = true}
    }
    %scan3A_55 = arith.constant 41 : i32
    %dma_wait3A = arith.constant 0 : i32
    %dma_wait3A_56 = arith.constant 0 : i32
    %dma_wait3A_57 = arith.constant 0 : i32
    %dma_wait3A_58 = tpu.memref_slice %arg9[%dma_wait3A, %dma_wait3A_56, %dma_wait3A_57] : memref<6x40x128xf32, #tpu.memory_space<vmem>> -> memref<1x40x128xf32, #tpu.memory_space<vmem>>
    %dma_wait3A_59 = tpu.memref_squeeze %dma_wait3A_58 : memref<1x40x128xf32, #tpu.memory_space<vmem>> -> memref<40x128xf32, #tpu.memory_space<vmem>>
    %dma_wait3A_60 = arith.constant 9840 : i32
    %dma_wait3A_61 = tpu.memref_slice %arg7[%dma_wait3A_60] : memref<10000xi32, #tpu.memory_space<vmem>> -> memref<40xi32, #tpu.memory_space<vmem>>
    %dma_wait3A_62 = arith.constant 0 : i32
    %dma_wait3A_63 = arith.constant 0 : i32
    %dma_wait3A_64 = tpu.memref_slice %arg2[%dma_wait3A_62, %dma_wait3A_63] : memref<20000x128xf32, #tpu.memory_space<hbm>> -> memref<20000x128xf32, #tpu.memory_space<hbm>>
    tpu.wait_indirect_dma semaphore(%arg10 : memref<!tpu.dma_semaphore, #tpu.memory_space<semaphore_mem>>) src(%dma_wait3A_64 : memref<20000x128xf32, #tpu.memory_space<hbm>>) dst(%dma_wait3A_59 : memref<40x128xf32, #tpu.memory_space<vmem>>)
    %dma_wait3A_65 = arith.constant 4 : i32
    %dma_wait3A_66 = arith.constant 0 : i32
    %dma_wait3A_67 = arith.constant 0 : i32
    %dma_wait3A_68 = tpu.memref_slice %arg9[%dma_wait3A_65, %dma_wait3A_66, %dma_wait3A_67] : memref<6x40x128xf32, #tpu.memory_space<vmem>> -> memref<1x40x128xf32, #tpu.memory_space<vmem>>
    %dma_wait3A_69 = tpu.memref_squeeze %dma_wait3A_68 : memref<1x40x128xf32, #tpu.memory_space<vmem>> -> memref<40x128xf32, #tpu.memory_space<vmem>>
    %dma_wait3A_70 = arith.constant 9760 : i32
    %dma_wait3A_71 = tpu.memref_slice %arg8[%dma_wait3A_70] : memref<10000xi32, #tpu.memory_space<vmem>> -> memref<40xi32, #tpu.memory_space<vmem>>
    %dma_wait3A_72 = arith.constant 0 : i32
    %dma_wait3A_73 = arith.constant 0 : i32
    %dma_wait3A_74 = tpu.memref_slice %arg6[%dma_wait3A_72, %dma_wait3A_73] : memref<10000x128xf32, #tpu.memory_space<vmem_shared>> -> memref<10000x128xf32, #tpu.memory_space<vmem_shared>>
    tpu.wait_indirect_dma semaphore(%arg20 : memref<!tpu.dma_semaphore, #tpu.memory_space<semaphore_mem>>) src(%dma_wait3A_69 : memref<40x128xf32, #tpu.memory_space<vmem>>) dst(%dma_wait3A_74 : memref<10000x128xf32, #tpu.memory_space<vmem_shared>>)
    %dma_start3A_75 = arith.constant 0 : i32
    %dma_start3A_76 = arith.constant 0 : i32
    %dma_start3A_77 = arith.constant 0 : i32
    %dma_start3A_78 = tpu.memref_slice %arg9[%dma_start3A_75, %dma_start3A_76, %dma_start3A_77] : memref<6x40x128xf32, #tpu.memory_space<vmem>> -> memref<1x40x128xf32, #tpu.memory_space<vmem>>
    %dma_start3A_79 = tpu.memref_squeeze %dma_start3A_78 : memref<1x40x128xf32, #tpu.memory_space<vmem>> -> memref<40x128xf32, #tpu.memory_space<vmem>>
    %dma_start3A_80 = arith.constant 9840 : i32
    %dma_start3A_81 = tpu.memref_slice %arg8[%dma_start3A_80] : memref<10000xi32, #tpu.memory_space<vmem>> -> memref<40xi32, #tpu.memory_space<vmem>>
    %dma_start3A_82 = arith.constant 0 : i32
    %dma_start3A_83 = arith.constant 0 : i32
    %dma_start3A_84 = tpu.memref_slice %arg6[%dma_start3A_82, %dma_start3A_83] : memref<10000x128xf32, #tpu.memory_space<vmem_shared>> -> memref<10000x128xf32, #tpu.memory_space<vmem_shared>>
    tpu.enqueue_indirect_dma source(%dma_start3A_79 : memref<40x128xf32, #tpu.memory_space<vmem>>) target(%dma_start3A_84 : memref<10000x128xf32, #tpu.memory_space<vmem_shared>>) offsets(%dma_start3A_81 : memref<40xi32, #tpu.memory_space<vmem>>) semaphore(%arg16 : memref<!tpu.dma_semaphore, #tpu.memory_space<semaphore_mem>>) {add = true}
    %dma_wait3A_85 = arith.constant 1 : i32
    %dma_wait3A_86 = arith.constant 0 : i32
    %dma_wait3A_87 = arith.constant 0 : i32
    %dma_wait3A_88 = tpu.memref_slice %arg9[%dma_wait3A_85, %dma_wait3A_86, %dma_wait3A_87] : memref<6x40x128xf32, #tpu.memory_space<vmem>> -> memref<1x40x128xf32, #tpu.memory_space<vmem>>
    %dma_wait3A_89 = tpu.memref_squeeze %dma_wait3A_88 : memref<1x40x128xf32, #tpu.memory_space<vmem>> -> memref<40x128xf32, #tpu.memory_space<vmem>>
    %dma_wait3A_90 = arith.constant 9880 : i32
    %dma_wait3A_91 = tpu.memref_slice %arg7[%dma_wait3A_90] : memref<10000xi32, #tpu.memory_space<vmem>> -> memref<40xi32, #tpu.memory_space<vmem>>
    %dma_wait3A_92 = arith.constant 0 : i32
    %dma_wait3A_93 = arith.constant 0 : i32
    %dma_wait3A_94 = tpu.memref_slice %arg2[%dma_wait3A_92, %dma_wait3A_93] : memref<20000x128xf32, #tpu.memory_space<hbm>> -> memref<20000x128xf32, #tpu.memory_space<hbm>>
    tpu.wait_indirect_dma semaphore(%arg11 : memref<!tpu.dma_semaphore, #tpu.memory_space<semaphore_mem>>) src(%dma_wait3A_94 : memref<20000x128xf32, #tpu.memory_space<hbm>>) dst(%dma_wait3A_89 : memref<40x128xf32, #tpu.memory_space<vmem>>)
    %dma_wait3A_95 = arith.constant 5 : i32
    %dma_wait3A_96 = arith.constant 0 : i32
    %dma_wait3A_97 = arith.constant 0 : i32
    %dma_wait3A_98 = tpu.memref_slice %arg9[%dma_wait3A_95, %dma_wait3A_96, %dma_wait3A_97] : memref<6x40x128xf32, #tpu.memory_space<vmem>> -> memref<1x40x128xf32, #tpu.memory_space<vmem>>
    %dma_wait3A_99 = tpu.memref_squeeze %dma_wait3A_98 : memref<1x40x128xf32, #tpu.memory_space<vmem>> -> memref<40x128xf32, #tpu.memory_space<vmem>>
    %dma_wait3A_100 = arith.constant 9800 : i32
    %dma_wait3A_101 = tpu.memref_slice %arg8[%dma_wait3A_100] : memref<10000xi32, #tpu.memory_space<vmem>> -> memref<40xi32, #tpu.memory_space<vmem>>
    %dma_wait3A_102 = arith.constant 0 : i32
    %dma_wait3A_103 = arith.constant 0 : i32
    %dma_wait3A_104 = tpu.memref_slice %arg6[%dma_wait3A_102, %dma_wait3A_103] : memref<10000x128xf32, #tpu.memory_space<vmem_shared>> -> memref<10000x128xf32, #tpu.memory_space<vmem_shared>>
    tpu.wait_indirect_dma semaphore(%arg21 : memref<!tpu.dma_semaphore, #tpu.memory_space<semaphore_mem>>) src(%dma_wait3A_99 : memref<40x128xf32, #tpu.memory_space<vmem>>) dst(%dma_wait3A_104 : memref<10000x128xf32, #tpu.memory_space<vmem_shared>>)
    %dma_start3A_105 = arith.constant 1 : i32
    %dma_start3A_106 = arith.constant 0 : i32
    %dma_start3A_107 = arith.constant 0 : i32
    %dma_start3A_108 = tpu.memref_slice %arg9[%dma_start3A_105, %dma_start3A_106, %dma_start3A_107] : memref<6x40x128xf32, #tpu.memory_space<vmem>> -> memref<1x40x128xf32, #tpu.memory_space<vmem>>
    %dma_start3A_109 = tpu.memref_squeeze %dma_start3A_108 : memref<1x40x128xf32, #tpu.memory_space<vmem>> -> memref<40x128xf32, #tpu.memory_space<vmem>>
    %dma_start3A_110 = arith.constant 9880 : i32
    %dma_start3A_111 = tpu.memref_slice %arg8[%dma_start3A_110] : memref<10000xi32, #tpu.memory_space<vmem>> -> memref<40xi32, #tpu.memory_space<vmem>>
    %dma_start3A_112 = arith.constant 0 : i32
    %dma_start3A_113 = arith.constant 0 : i32
    %dma_start3A_114 = tpu.memref_slice %arg6[%dma_start3A_112, %dma_start3A_113] : memref<10000x128xf32, #tpu.memory_space<vmem_shared>> -> memref<10000x128xf32, #tpu.memory_space<vmem_shared>>
    tpu.enqueue_indirect_dma source(%dma_start3A_109 : memref<40x128xf32, #tpu.memory_space<vmem>>) target(%dma_start3A_114 : memref<10000x128xf32, #tpu.memory_space<vmem_shared>>) offsets(%dma_start3A_111 : memref<40xi32, #tpu.memory_space<vmem>>) semaphore(%arg17 : memref<!tpu.dma_semaphore, #tpu.memory_space<semaphore_mem>>) {add = true}
    %dma_wait3A_115 = arith.constant 2 : i32
    %dma_wait3A_116 = arith.constant 0 : i32
    %dma_wait3A_117 = arith.constant 0 : i32
    %dma_wait3A_118 = tpu.memref_slice %arg9[%dma_wait3A_115, %dma_wait3A_116, %dma_wait3A_117] : memref<6x40x128xf32, #tpu.memory_space<vmem>> -> memref<1x40x128xf32, #tpu.memory_space<vmem>>
    %dma_wait3A_119 = tpu.memref_squeeze %dma_wait3A_118 : memref<1x40x128xf32, #tpu.memory_space<vmem>> -> memref<40x128xf32, #tpu.memory_space<vmem>>
    %dma_wait3A_120 = arith.constant 9920 : i32
    %dma_wait3A_121 = tpu.memref_slice %arg7[%dma_wait3A_120] : memref<10000xi32, #tpu.memory_space<vmem>> -> memref<40xi32, #tpu.memory_space<vmem>>
    %dma_wait3A_122 = arith.constant 0 : i32
    %dma_wait3A_123 = arith.constant 0 : i32
    %dma_wait3A_124 = tpu.memref_slice %arg2[%dma_wait3A_122, %dma_wait3A_123] : memref<20000x128xf32, #tpu.memory_space<hbm>> -> memref<20000x128xf32, #tpu.memory_space<hbm>>
    tpu.wait_indirect_dma semaphore(%arg12 : memref<!tpu.dma_semaphore, #tpu.memory_space<semaphore_mem>>) src(%dma_wait3A_124 : memref<20000x128xf32, #tpu.memory_space<hbm>>) dst(%dma_wait3A_119 : memref<40x128xf32, #tpu.memory_space<vmem>>)
    %dma_wait3A_125 = arith.constant 0 : i32
    %dma_wait3A_126 = arith.constant 0 : i32
    %dma_wait3A_127 = arith.constant 0 : i32
    %dma_wait3A_128 = tpu.memref_slice %arg9[%dma_wait3A_125, %dma_wait3A_126, %dma_wait3A_127] : memref<6x40x128xf32, #tpu.memory_space<vmem>> -> memref<1x40x128xf32, #tpu.memory_space<vmem>>
    %dma_wait3A_129 = tpu.memref_squeeze %dma_wait3A_128 : memref<1x40x128xf32, #tpu.memory_space<vmem>> -> memref<40x128xf32, #tpu.memory_space<vmem>>
    %dma_wait3A_130 = arith.constant 9840 : i32
    %dma_wait3A_131 = tpu.memref_slice %arg8[%dma_wait3A_130] : memref<10000xi32, #tpu.memory_space<vmem>> -> memref<40xi32, #tpu.memory_space<vmem>>
    %dma_wait3A_132 = arith.constant 0 : i32
    %dma_wait3A_133 = arith.constant 0 : i32
    %dma_wait3A_134 = tpu.memref_slice %arg6[%dma_wait3A_132, %dma_wait3A_133] : memref<10000x128xf32, #tpu.memory_space<vmem_shared>> -> memref<10000x128xf32, #tpu.memory_space<vmem_shared>>
    tpu.wait_indirect_dma semaphore(%arg16 : memref<!tpu.dma_semaphore, #tpu.memory_space<semaphore_mem>>) src(%dma_wait3A_129 : memref<40x128xf32, #tpu.memory_space<vmem>>) dst(%dma_wait3A_134 : memref<10000x128xf32, #tpu.memory_space<vmem_shared>>)
    %dma_start3A_135 = arith.constant 2 : i32
    %dma_start3A_136 = arith.constant 0 : i32
    %dma_start3A_137 = arith.constant 0 : i32
    %dma_start3A_138 = tpu.memref_slice %arg9[%dma_start3A_135, %dma_start3A_136, %dma_start3A_137] : memref<6x40x128xf32, #tpu.memory_space<vmem>> -> memref<1x40x128xf32, #tpu.memory_space<vmem>>
    %dma_start3A_139 = tpu.memref_squeeze %dma_start3A_138 : memref<1x40x128xf32, #tpu.memory_space<vmem>> -> memref<40x128xf32, #tpu.memory_space<vmem>>
    %dma_start3A_140 = arith.constant 9920 : i32
    %dma_start3A_141 = tpu.memref_slice %arg8[%dma_start3A_140] : memref<10000xi32, #tpu.memory_space<vmem>> -> memref<40xi32, #tpu.memory_space<vmem>>
    %dma_start3A_142 = arith.constant 0 : i32
    %dma_start3A_143 = arith.constant 0 : i32
    %dma_start3A_144 = tpu.memref_slice %arg6[%dma_start3A_142, %dma_start3A_143] : memref<10000x128xf32, #tpu.memory_space<vmem_shared>> -> memref<10000x128xf32, #tpu.memory_space<vmem_shared>>
    tpu.enqueue_indirect_dma source(%dma_start3A_139 : memref<40x128xf32, #tpu.memory_space<vmem>>) target(%dma_start3A_144 : memref<10000x128xf32, #tpu.memory_space<vmem_shared>>) offsets(%dma_start3A_141 : memref<40xi32, #tpu.memory_space<vmem>>) semaphore(%arg18 : memref<!tpu.dma_semaphore, #tpu.memory_space<semaphore_mem>>) {add = true}
    %dma_wait3A_145 = arith.constant 3 : i32
    %dma_wait3A_146 = arith.constant 0 : i32
    %dma_wait3A_147 = arith.constant 0 : i32
    %dma_wait3A_148 = tpu.memref_slice %arg9[%dma_wait3A_145, %dma_wait3A_146, %dma_wait3A_147] : memref<6x40x128xf32, #tpu.memory_space<vmem>> -> memref<1x40x128xf32, #tpu.memory_space<vmem>>
    %dma_wait3A_149 = tpu.memref_squeeze %dma_wait3A_148 : memref<1x40x128xf32, #tpu.memory_space<vmem>> -> memref<40x128xf32, #tpu.memory_space<vmem>>
    %dma_wait3A_150 = arith.constant 9960 : i32
    %dma_wait3A_151 = tpu.memref_slice %arg7[%dma_wait3A_150] : memref<10000xi32, #tpu.memory_space<vmem>> -> memref<40xi32, #tpu.memory_space<vmem>>
    %dma_wait3A_152 = arith.constant 0 : i32
    %dma_wait3A_153 = arith.constant 0 : i32
    %dma_wait3A_154 = tpu.memref_slice %arg2[%dma_wait3A_152, %dma_wait3A_153] : memref<20000x128xf32, #tpu.memory_space<hbm>> -> memref<20000x128xf32, #tpu.memory_space<hbm>>
    tpu.wait_indirect_dma semaphore(%arg13 : memref<!tpu.dma_semaphore, #tpu.memory_space<semaphore_mem>>) src(%dma_wait3A_154 : memref<20000x128xf32, #tpu.memory_space<hbm>>) dst(%dma_wait3A_149 : memref<40x128xf32, #tpu.memory_space<vmem>>)
    %dma_wait3A_155 = arith.constant 1 : i32
    %dma_wait3A_156 = arith.constant 0 : i32
    %dma_wait3A_157 = arith.constant 0 : i32
    %dma_wait3A_158 = tpu.memref_slice %arg9[%dma_wait3A_155, %dma_wait3A_156, %dma_wait3A_157] : memref<6x40x128xf32, #tpu.memory_space<vmem>> -> memref<1x40x128xf32, #tpu.memory_space<vmem>>
    %dma_wait3A_159 = tpu.memref_squeeze %dma_wait3A_158 : memref<1x40x128xf32, #tpu.memory_space<vmem>> -> memref<40x128xf32, #tpu.memory_space<vmem>>
    %dma_wait3A_160 = arith.constant 9880 : i32
    %dma_wait3A_161 = tpu.memref_slice %arg8[%dma_wait3A_160] : memref<10000xi32, #tpu.memory_space<vmem>> -> memref<40xi32, #tpu.memory_space<vmem>>
    %dma_wait3A_162 = arith.constant 0 : i32
    %dma_wait3A_163 = arith.constant 0 : i32
    %dma_wait3A_164 = tpu.memref_slice %arg6[%dma_wait3A_162, %dma_wait3A_163] : memref<10000x128xf32, #tpu.memory_space<vmem_shared>> -> memref<10000x128xf32, #tpu.memory_space<vmem_shared>>
    tpu.wait_indirect_dma semaphore(%arg17 : memref<!tpu.dma_semaphore, #tpu.memory_space<semaphore_mem>>) src(%dma_wait3A_159 : memref<40x128xf32, #tpu.memory_space<vmem>>) dst(%dma_wait3A_164 : memref<10000x128xf32, #tpu.memory_space<vmem_shared>>)
    %dma_start3A_165 = arith.constant 3 : i32
    %dma_start3A_166 = arith.constant 0 : i32
    %dma_start3A_167 = arith.constant 0 : i32
    %dma_start3A_168 = tpu.memref_slice %arg9[%dma_start3A_165, %dma_start3A_166, %dma_start3A_167] : memref<6x40x128xf32, #tpu.memory_space<vmem>> -> memref<1x40x128xf32, #tpu.memory_space<vmem>>
    %dma_start3A_169 = tpu.memref_squeeze %dma_start3A_168 : memref<1x40x128xf32, #tpu.memory_space<vmem>> -> memref<40x128xf32, #tpu.memory_space<vmem>>
    %dma_start3A_170 = arith.constant 9960 : i32
    %dma_start3A_171 = tpu.memref_slice %arg8[%dma_start3A_170] : memref<10000xi32, #tpu.memory_space<vmem>> -> memref<40xi32, #tpu.memory_space<vmem>>
    %dma_start3A_172 = arith.constant 0 : i32
    %dma_start3A_173 = arith.constant 0 : i32
    %dma_start3A_174 = tpu.memref_slice %arg6[%dma_start3A_172, %dma_start3A_173] : memref<10000x128xf32, #tpu.memory_space<vmem_shared>> -> memref<10000x128xf32, #tpu.memory_space<vmem_shared>>
    tpu.enqueue_indirect_dma source(%dma_start3A_169 : memref<40x128xf32, #tpu.memory_space<vmem>>) target(%dma_start3A_174 : memref<10000x128xf32, #tpu.memory_space<vmem_shared>>) offsets(%dma_start3A_171 : memref<40xi32, #tpu.memory_space<vmem>>) semaphore(%arg19 : memref<!tpu.dma_semaphore, #tpu.memory_space<semaphore_mem>>) {add = true}
    %dma_wait3A_175 = arith.constant 2 : i32
    %dma_wait3A_176 = arith.constant 0 : i32
    %dma_wait3A_177 = arith.constant 0 : i32
    %dma_wait3A_178 = tpu.memref_slice %arg9[%dma_wait3A_175, %dma_wait3A_176, %dma_wait3A_177] : memref<6x40x128xf32, #tpu.memory_space<vmem>> -> memref<1x40x128xf32, #tpu.memory_space<vmem>>
    %dma_wait3A_179 = tpu.memref_squeeze %dma_wait3A_178 : memref<1x40x128xf32, #tpu.memory_space<vmem>> -> memref<40x128xf32, #tpu.memory_space<vmem>>
    %dma_wait3A_180 = arith.constant 9920 : i32
    %dma_wait3A_181 = tpu.memref_slice %arg8[%dma_wait3A_180] : memref<10000xi32, #tpu.memory_space<vmem>> -> memref<40xi32, #tpu.memory_space<vmem>>
    %dma_wait3A_182 = arith.constant 0 : i32
    %dma_wait3A_183 = arith.constant 0 : i32
    %dma_wait3A_184 = tpu.memref_slice %arg6[%dma_wait3A_182, %dma_wait3A_183] : memref<10000x128xf32, #tpu.memory_space<vmem_shared>> -> memref<10000x128xf32, #tpu.memory_space<vmem_shared>>
    tpu.wait_indirect_dma semaphore(%arg18 : memref<!tpu.dma_semaphore, #tpu.memory_space<semaphore_mem>>) src(%dma_wait3A_179 : memref<40x128xf32, #tpu.memory_space<vmem>>) dst(%dma_wait3A_184 : memref<10000x128xf32, #tpu.memory_space<vmem_shared>>)
    %dma_wait3A_185 = arith.constant 3 : i32
    %dma_wait3A_186 = arith.constant 0 : i32
    %dma_wait3A_187 = arith.constant 0 : i32
    %dma_wait3A_188 = tpu.memref_slice %arg9[%dma_wait3A_185, %dma_wait3A_186, %dma_wait3A_187] : memref<6x40x128xf32, #tpu.memory_space<vmem>> -> memref<1x40x128xf32, #tpu.memory_space<vmem>>
    %dma_wait3A_189 = tpu.memref_squeeze %dma_wait3A_188 : memref<1x40x128xf32, #tpu.memory_space<vmem>> -> memref<40x128xf32, #tpu.memory_space<vmem>>
    %dma_wait3A_190 = arith.constant 9960 : i32
    %dma_wait3A_191 = tpu.memref_slice %arg8[%dma_wait3A_190] : memref<10000xi32, #tpu.memory_space<vmem>> -> memref<40xi32, #tpu.memory_space<vmem>>
    %dma_wait3A_192 = arith.constant 0 : i32
    %dma_wait3A_193 = arith.constant 0 : i32
    %dma_wait3A_194 = tpu.memref_slice %arg6[%dma_wait3A_192, %dma_wait3A_193] : memref<10000x128xf32, #tpu.memory_space<vmem_shared>> -> memref<10000x128xf32, #tpu.memory_space<vmem_shared>>
    tpu.wait_indirect_dma semaphore(%arg19 : memref<!tpu.dma_semaphore, #tpu.memory_space<semaphore_mem>>) src(%dma_wait3A_189 : memref<40x128xf32, #tpu.memory_space<vmem>>) dst(%dma_wait3A_194 : memref<10000x128xf32, #tpu.memory_space<vmem_shared>>)
    %barrier3A_195 = arith.constant 0 : index
    tpu.barrier barrier_id(%barrier3A_195)
    %lt3A_196 = arith.constant 15 : i32
    %lt3A_197 = arith.cmpi slt, %arg1, %lt3A_196 : i32
    %convert_element_type3A_198 = arith.extui %lt3A_197 : i1 to i32
    %cond3A_199 = arith.constant 0 : i32
    %cond3A_200 = arith.cmpi ne, %convert_element_type3A_198, %cond3A_199 : i32
    scf.if %cond3A_200 {
      %mul3A = arith.constant 632 : i32
      %mul3A_206 = arith.muli %arg1, %mul3A : i32
      %mul3A_207 = arith.constant 632 : i32
      %mul3A_208 = arith.muli %arg1, %mul3A_207 : i32
      "tpu.region"() ({
        %run_scoped3A = tpu.sem_alloc : memref<!tpu.dma_semaphore, #tpu.memory_space<semaphore_mem>>
        %dma_start3A_209 = arith.constant 0 : i32
        %dma_start3A_210 = tpu.memref_slice %arg5[%arg0, %mul3A_208, %dma_start3A_209] : memref<2x10000x128xf32, #tpu.memory_space<hbm>> -> memref<1x632x128xf32, #tpu.memory_space<hbm>>
        %dma_start3A_211 = tpu.memref_squeeze %dma_start3A_210 : memref<1x632x128xf32, #tpu.memory_space<hbm>> -> memref<632x128xf32, #tpu.memory_space<hbm>>
        %dma_start3A_212 = arith.constant 0 : i32
        %dma_start3A_213 = tpu.memref_slice %arg6[%mul3A_206, %dma_start3A_212] : memref<10000x128xf32, #tpu.memory_space<vmem_shared>> -> memref<632x128xf32, #tpu.memory_space<vmem_shared>>
        tpu.enqueue_dma source(%dma_start3A_213 : memref<632x128xf32, #tpu.memory_space<vmem_shared>>) target(%dma_start3A_211 : memref<632x128xf32, #tpu.memory_space<hbm>>) target_semaphore(%run_scoped3A : memref<!tpu.dma_semaphore, #tpu.memory_space<semaphore_mem>>)
        %dma_wait3A_214 = arith.constant 0 : i32
        %dma_wait3A_215 = tpu.memref_slice %arg5[%arg0, %mul3A_208, %dma_wait3A_214] : memref<2x10000x128xf32, #tpu.memory_space<hbm>> -> memref<1x632x128xf32, #tpu.memory_space<hbm>>
        %dma_wait3A_216 = tpu.memref_squeeze %dma_wait3A_215 : memref<1x632x128xf32, #tpu.memory_space<hbm>> -> memref<632x128xf32, #tpu.memory_space<hbm>>
        %dma_wait3A_217 = arith.constant 0 : i32
        %dma_wait3A_218 = tpu.memref_slice %arg6[%mul3A_206, %dma_wait3A_217] : memref<10000x128xf32, #tpu.memory_space<vmem_shared>> -> memref<632x128xf32, #tpu.memory_space<vmem_shared>>
        tpu.wait_dma2 semaphore(%run_scoped3A : memref<!tpu.dma_semaphore, #tpu.memory_space<semaphore_mem>>) src(%dma_wait3A_218 : memref<632x128xf32, #tpu.memory_space<vmem_shared>>) dst(%dma_wait3A_216 : memref<632x128xf32, #tpu.memory_space<hbm>>)
        tpu.yield
      }) : () -> ()
    } else {
    }
    %eq3A_201 = arith.constant 15 : i32
    %eq3A_202 = arith.cmpi eq, %arg1, %eq3A_201 : i32
    %convert_element_type3A_203 = arith.extui %eq3A_202 : i1 to i32
    %cond3A_204 = arith.constant 0 : i32
    %cond3A_205 = arith.cmpi ne, %convert_element_type3A_203, %cond3A_204 : i32
    scf.if %cond3A_205 {
      "tpu.region"() ({
        %run_scoped3A = tpu.sem_alloc : memref<!tpu.dma_semaphore, #tpu.memory_space<semaphore_mem>>
        %dma_start3A_206 = arith.constant 9480 : i32
        %dma_start3A_207 = arith.constant 0 : i32
        %dma_start3A_208 = tpu.memref_slice %arg5[%arg0, %dma_start3A_206, %dma_start3A_207] : memref<2x10000x128xf32, #tpu.memory_space<hbm>> -> memref<1x520x128xf32, #tpu.memory_space<hbm>>
        %dma_start3A_209 = tpu.memref_squeeze %dma_start3A_208 : memref<1x520x128xf32, #tpu.memory_space<hbm>> -> memref<520x128xf32, #tpu.memory_space<hbm>>
        %dma_start3A_210 = arith.constant 9480 : i32
        %dma_start3A_211 = arith.constant 0 : i32
        %dma_start3A_212 = tpu.memref_slice %arg6[%dma_start3A_210, %dma_start3A_211] : memref<10000x128xf32, #tpu.memory_space<vmem_shared>> -> memref<520x128xf32, #tpu.memory_space<vmem_shared>>
        tpu.enqueue_dma source(%dma_start3A_212 : memref<520x128xf32, #tpu.memory_space<vmem_shared>>) target(%dma_start3A_209 : memref<520x128xf32, #tpu.memory_space<hbm>>) target_semaphore(%run_scoped3A : memref<!tpu.dma_semaphore, #tpu.memory_space<semaphore_mem>>)
        %dma_wait3A_213 = arith.constant 9480 : i32
        %dma_wait3A_214 = arith.constant 0 : i32
        %dma_wait3A_215 = tpu.memref_slice %arg5[%arg0, %dma_wait3A_213, %dma_wait3A_214] : memref<2x10000x128xf32, #tpu.memory_space<hbm>> -> memref<1x520x128xf32, #tpu.memory_space<hbm>>
        %dma_wait3A_216 = tpu.memref_squeeze %dma_wait3A_215 : memref<1x520x128xf32, #tpu.memory_space<hbm>> -> memref<520x128xf32, #tpu.memory_space<hbm>>
        %dma_wait3A_217 = arith.constant 9480 : i32
        %dma_wait3A_218 = arith.constant 0 : i32
        %dma_wait3A_219 = tpu.memref_slice %arg6[%dma_wait3A_217, %dma_wait3A_218] : memref<10000x128xf32, #tpu.memory_space<vmem_shared>> -> memref<520x128xf32, #tpu.memory_space<vmem_shared>>
        tpu.wait_dma2 semaphore(%run_scoped3A : memref<!tpu.dma_semaphore, #tpu.memory_space<semaphore_mem>>) src(%dma_wait3A_219 : memref<520x128xf32, #tpu.memory_space<vmem_shared>>) dst(%dma_wait3A_216 : memref<520x128xf32, #tpu.memory_space<hbm>>)
        tpu.yield
      }) : () -> ()
    } else {
    }
    return
  }
}

module attributes {stable_mosaic.version = 14 : i64} {
  func.func @_mm1_body(%arg0: i32, %arg1: memref<1000x256xf32, #tpu.memory_space<vmem>>, %arg2: memref<256x256xf32, #tpu.memory_space<vmem>>, %arg3: memref<2x1000x128xf32, #tpu.memory_space<vmem>>) attributes {dimension_semantics = [#tpu.dimension_semantics<arbitrary>], iteration_bounds = array<i64: 10>, scalar_prefetch = 0 : i64, scratch_operands = 0 : i64, tpu.core_type = #tpu.core_type<tc>, window_params = [{transform_indices = @transform_0, window_bounds = array<i64: 1000, 256>}, {pipeline_mode = #tpu.pipeline_mode<synchronous>, transform_indices = @transform_1, window_bounds = array<i64: 256, 256>}, {transform_indices = @transform_2, window_bounds = array<i64: 2, 1000, 128>}]} {
    %get3A = arith.constant 0 : index
    %get3A_0 = arith.constant 0 : index
    %get3A_1 = vector.load %arg1[%get3A, %get3A_0] : memref<1000x256xf32, #tpu.memory_space<vmem>>, vector<1000x256xf32>
    %get3A_2 = arith.constant 0 : index
    %get3A_3 = arith.constant 0 : index
    %get3A_4 = vector.load %arg2[%get3A_2, %get3A_3] : memref<256x256xf32, #tpu.memory_space<vmem>>, vector<256x256xf32>
    %dot_general3A = arith.constant dense<0.000000e+00> : vector<1000x256xf32>
    %dot_general3A_5 = tpu.matmul %get3A_1, %get3A_4, %dot_general3A {dimension_numbers = #tpu.dot_dimension_numbers<[1], [0], [0], [1], [0, 0, 1, 1], [], []>, transpose_lhs_hint = false} : vector<1000x256xf32>, vector<256x256xf32>, vector<1000x256xf32> -> vector<1000x256xf32>
    %slice3A = vector.extract_strided_slice %dot_general3A_5 {offsets = [0, 0], sizes = [1000, 128], strides = [1, 1]} : vector<1000x256xf32> to vector<1000x128xf32>
    %swap3A = arith.constant 0 : index
    %swap3A_6 = arith.constant 0 : index
    %swap3A_7 = arith.constant 0 : index
    %swap3A_8 = vector.load %arg3[%swap3A, %swap3A_6, %swap3A_7] : memref<2x1000x128xf32, #tpu.memory_space<vmem>>, vector<1x1000x128xf32>
    %swap3A_9 = vector.shape_cast %swap3A_8 : vector<1x1000x128xf32> to vector<1000x128xf32>
    %swap3A_10 = vector.shape_cast %slice3A : vector<1000x128xf32> to vector<1x1000x128xf32>
    tpu.vector_store %arg3[%swap3A, %swap3A_6, %swap3A_7], %swap3A_10 {strides = array<i32>} : memref<2x1000x128xf32, #tpu.memory_space<vmem>>, vector<1x1000x128xf32>,
    %slice3A_11 = vector.extract_strided_slice %dot_general3A_5 {offsets = [0, 128], sizes = [1000, 128], strides = [1, 1]} : vector<1000x256xf32> to vector<1000x128xf32>
    %swap3A_12 = arith.constant 1 : index
    %swap3A_13 = arith.constant 0 : index
    %swap3A_14 = arith.constant 0 : index
    %swap3A_15 = vector.load %arg3[%swap3A_12, %swap3A_13, %swap3A_14] : memref<2x1000x128xf32, #tpu.memory_space<vmem>>, vector<1x1000x128xf32>
    %swap3A_16 = vector.shape_cast %swap3A_15 : vector<1x1000x128xf32> to vector<1000x128xf32>
    %swap3A_17 = vector.shape_cast %slice3A_11 : vector<1000x128xf32> to vector<1x1000x128xf32>
    tpu.vector_store %arg3[%swap3A_12, %swap3A_13, %swap3A_14], %swap3A_17 {strides = array<i32>} : memref<2x1000x128xf32, #tpu.memory_space<vmem>>, vector<1x1000x128xf32>,
    return
  }
  func.func @transform_0(%arg0: i32) -> (i32, i32) {
    %c0_i32 = arith.constant 0 : i32
    %c0_i32_0 = arith.constant 0 : i32
    return %arg0, %c0_i32 : i32, i32
  }
  func.func @transform_1(%arg0: i32) -> (i32, i32) {
    %c0_i32 = arith.constant 0 : i32
    %c0_i32_0 = arith.constant 0 : i32
    %c0_i32_1 = arith.constant 0 : i32
    return %c0_i32, %c0_i32_0 : i32, i32
  }
  func.func @transform_2(%arg0: i32) -> (i32, i32, i32) {
    %c0_i32 = arith.constant 0 : i32
    %c0_i32_0 = arith.constant 0 : i32
    %c0_i32_1 = arith.constant 0 : i32
    return %c0_i32, %arg0, %c0_i32_0 : i32, i32, i32
  }
}

module attributes {stable_mosaic.version = 14 : i64} {
  func.func @_mm2_body(%arg0: i32, %arg1: memref<2x1000x128xf32, #tpu.memory_space<vmem>>, %arg2: memref<1000x16xf32, #tpu.memory_space<vmem>>, %arg3: memref<1x256xf32, #tpu.memory_space<vmem>>, %arg4: memref<256x256xf32, #tpu.memory_space<vmem>>, %arg5: memref<2x1000x128xf32, #tpu.memory_space<vmem>>) attributes {dimension_semantics = [#tpu.dimension_semantics<arbitrary>], iteration_bounds = array<i64: 10>, scalar_prefetch = 0 : i64, scratch_operands = 0 : i64, tpu.core_type = #tpu.core_type<tc>, window_params = [{transform_indices = @transform_0, window_bounds = array<i64: 2, 1000, 128>}, {transform_indices = @transform_1, window_bounds = array<i64: 1000, 16>}, {pipeline_mode = #tpu.pipeline_mode<synchronous>, transform_indices = @transform_2, window_bounds = array<i64: 1, 256>}, {pipeline_mode = #tpu.pipeline_mode<synchronous>, transform_indices = @transform_3, window_bounds = array<i64: 256, 256>}, {transform_indices = @transform_4, window_bounds = array<i64: 2, 1000, 128>}]} {
    %get3A = arith.constant 0 : index
    %get3A_0 = arith.constant 0 : index
    %get3A_1 = arith.constant 0 : index
    %get3A_2 = vector.load %arg1[%get3A, %get3A_0, %get3A_1] : memref<2x1000x128xf32, #tpu.memory_space<vmem>>, vector<1x1000x128xf32>
    %get3A_3 = vector.shape_cast %get3A_2 : vector<1x1000x128xf32> to vector<1000x128xf32>
    %get3A_4 = arith.constant 1 : index
    %get3A_5 = arith.constant 0 : index
    %get3A_6 = arith.constant 0 : index
    %get3A_7 = vector.load %arg1[%get3A_4, %get3A_5, %get3A_6] : memref<2x1000x128xf32, #tpu.memory_space<vmem>>, vector<1x1000x128xf32>
    %get3A_8 = vector.shape_cast %get3A_7 : vector<1x1000x128xf32> to vector<1000x128xf32>
    %concatenate3A = tpu.concatenate %get3A_3, %get3A_8 in 1 : vector<1000x128xf32>, vector<1000x128xf32> -> vector<1000x256xf32>
    %get3A_9 = arith.constant 0 : index
    %get3A_10 = arith.constant 0 : index
    %get3A_11 = vector.load %arg2[%get3A_9, %get3A_10] : memref<1000x16xf32, #tpu.memory_space<vmem>>, vector<1000x1xf32>
    %mul3A = vector.broadcast %get3A_11 : vector<1000x1xf32> to vector<1000x256xf32>
    %mul3A_12 = arith.mulf %concatenate3A, %mul3A : vector<1000x256xf32>
    %get3A_13 = arith.constant 0 : index
    %get3A_14 = arith.constant 0 : index
    %get3A_15 = vector.load %arg3[%get3A_13, %get3A_14] : memref<1x256xf32, #tpu.memory_space<vmem>>, vector<1x256xf32>
    %get3A_16 = vector.shape_cast %get3A_15 : vector<1x256xf32> to vector<256xf32>
    %broadcast_in_dim3A = vector.shape_cast %get3A_16 : vector<256xf32> to vector<1x256xf32>
    %add3A = vector.broadcast %broadcast_in_dim3A : vector<1x256xf32> to vector<1000x256xf32>
    %add3A_17 = arith.addf %mul3A_12, %add3A : vector<1000x256xf32>
    %max3A = arith.constant 0.000000e+00 : f32
    %max3A_18 = vector.broadcast %max3A : f32 to vector<1000x256xf32>
    %max3A_19 = arith.maximumf %add3A_17, %max3A_18 : vector<1000x256xf32>
    %get3A_20 = arith.constant 0 : index
    %get3A_21 = arith.constant 0 : index
    %get3A_22 = vector.load %arg4[%get3A_20, %get3A_21] : memref<256x256xf32, #tpu.memory_space<vmem>>, vector<256x256xf32>
    %dot_general3A = arith.constant dense<0.000000e+00> : vector<1000x256xf32>
    %dot_general3A_23 = tpu.matmul %max3A_19, %get3A_22, %dot_general3A {dimension_numbers = #tpu.dot_dimension_numbers<[1], [0], [0], [1], [0, 0, 1, 1], [], []>, transpose_lhs_hint = false} : vector<1000x256xf32>, vector<256x256xf32>, vector<1000x256xf32> -> vector<1000x256xf32>
    %slice3A = vector.extract_strided_slice %dot_general3A_23 {offsets = [0, 0], sizes = [1000, 128], strides = [1, 1]} : vector<1000x256xf32> to vector<1000x128xf32>
    %swap3A = arith.constant 0 : index
    %swap3A_24 = arith.constant 0 : index
    %swap3A_25 = arith.constant 0 : index
    %swap3A_26 = vector.load %arg5[%swap3A, %swap3A_24, %swap3A_25] : memref<2x1000x128xf32, #tpu.memory_space<vmem>>, vector<1x1000x128xf32>
    %swap3A_27 = vector.shape_cast %swap3A_26 : vector<1x1000x128xf32> to vector<1000x128xf32>
    %swap3A_28 = vector.shape_cast %slice3A : vector<1000x128xf32> to vector<1x1000x128xf32>
    tpu.vector_store %arg5[%swap3A, %swap3A_24, %swap3A_25], %swap3A_28 {strides = array<i32>} : memref<2x1000x128xf32, #tpu.memory_space<vmem>>, vector<1x1000x128xf32>,
    %slice3A_29 = vector.extract_strided_slice %dot_general3A_23 {offsets = [0, 128], sizes = [1000, 128], strides = [1, 1]} : vector<1000x256xf32> to vector<1000x128xf32>
    %swap3A_30 = arith.constant 1 : index
    %swap3A_31 = arith.constant 0 : index
    %swap3A_32 = arith.constant 0 : index
    %swap3A_33 = vector.load %arg5[%swap3A_30, %swap3A_31, %swap3A_32] : memref<2x1000x128xf32, #tpu.memory_space<vmem>>, vector<1x1000x128xf32>
    %swap3A_34 = vector.shape_cast %swap3A_33 : vector<1x1000x128xf32> to vector<1000x128xf32>
    %swap3A_35 = vector.shape_cast %slice3A_29 : vector<1000x128xf32> to vector<1x1000x128xf32>
    tpu.vector_store %arg5[%swap3A_30, %swap3A_31, %swap3A_32], %swap3A_35 {strides = array<i32>} : memref<2x1000x128xf32, #tpu.memory_space<vmem>>, vector<1x1000x128xf32>,
    return
  }
  func.func @transform_0(%arg0: i32) -> (i32, i32, i32) {
    %c0_i32 = arith.constant 0 : i32
    %c0_i32_0 = arith.constant 0 : i32
    %c0_i32_1 = arith.constant 0 : i32
    return %c0_i32, %arg0, %c0_i32_0 : i32, i32, i32
  }
  func.func @transform_1(%arg0: i32) -> (i32, i32) {
    %c0_i32 = arith.constant 0 : i32
    %c0_i32_0 = arith.constant 0 : i32
    return %arg0, %c0_i32 : i32, i32
  }
  func.func @transform_2(%arg0: i32) -> (i32, i32) {
    %c0_i32 = arith.constant 0 : i32
    %c0_i32_0 = arith.constant 0 : i32
    %c0_i32_1 = arith.constant 0 : i32
    return %c0_i32, %c0_i32_0 : i32, i32
  }
  func.func @transform_3(%arg0: i32) -> (i32, i32) {
    %c0_i32 = arith.constant 0 : i32
    %c0_i32_0 = arith.constant 0 : i32
    %c0_i32_1 = arith.constant 0 : i32
    return %c0_i32, %c0_i32_0 : i32, i32
  }
  func.func @transform_4(%arg0: i32) -> (i32, i32, i32) {
    %c0_i32 = arith.constant 0 : i32
    %c0_i32_0 = arith.constant 0 : i32
    %c0_i32_1 = arith.constant 0 : i32
    return %c0_i32, %arg0, %c0_i32_0 : i32, i32, i32
  }
}

module attributes {stable_mosaic.version = 14 : i64} {
  func.func @_ep_body(%arg0: i32, %arg1: memref<2x1000x128xf32, #tpu.memory_space<vmem>>, %arg2: memref<1000x16xf32, #tpu.memory_space<vmem>>, %arg3: memref<1x256xf32, #tpu.memory_space<vmem>>, %arg4: memref<1000x256xf32, #tpu.memory_space<vmem>>) attributes {dimension_semantics = [#tpu.dimension_semantics<arbitrary>], iteration_bounds = array<i64: 10>, scalar_prefetch = 0 : i64, scratch_operands = 0 : i64, tpu.core_type = #tpu.core_type<tc>, window_params = [{transform_indices = @transform_0, window_bounds = array<i64: 2, 1000, 128>}, {transform_indices = @transform_1, window_bounds = array<i64: 1000, 16>}, {pipeline_mode = #tpu.pipeline_mode<synchronous>, transform_indices = @transform_2, window_bounds = array<i64: 1, 256>}, {transform_indices = @transform_3, window_bounds = array<i64: 1000, 256>}]} {
    %get3A = arith.constant 0 : index
    %get3A_0 = arith.constant 0 : index
    %get3A_1 = arith.constant 0 : index
    %get3A_2 = vector.load %arg1[%get3A, %get3A_0, %get3A_1] : memref<2x1000x128xf32, #tpu.memory_space<vmem>>, vector<1x1000x128xf32>
    %get3A_3 = vector.shape_cast %get3A_2 : vector<1x1000x128xf32> to vector<1000x128xf32>
    %get3A_4 = arith.constant 1 : index
    %get3A_5 = arith.constant 0 : index
    %get3A_6 = arith.constant 0 : index
    %get3A_7 = vector.load %arg1[%get3A_4, %get3A_5, %get3A_6] : memref<2x1000x128xf32, #tpu.memory_space<vmem>>, vector<1x1000x128xf32>
    %get3A_8 = vector.shape_cast %get3A_7 : vector<1x1000x128xf32> to vector<1000x128xf32>
    %concatenate3A = tpu.concatenate %get3A_3, %get3A_8 in 1 : vector<1000x128xf32>, vector<1000x128xf32> -> vector<1000x256xf32>
    %get3A_9 = arith.constant 0 : index
    %get3A_10 = arith.constant 0 : index
    %get3A_11 = vector.load %arg2[%get3A_9, %get3A_10] : memref<1000x16xf32, #tpu.memory_space<vmem>>, vector<1000x1xf32>
    %mul3A = vector.broadcast %get3A_11 : vector<1000x1xf32> to vector<1000x256xf32>
    %mul3A_12 = arith.mulf %concatenate3A, %mul3A : vector<1000x256xf32>
    %get3A_13 = arith.constant 0 : index
    %get3A_14 = arith.constant 0 : index
    %get3A_15 = vector.load %arg3[%get3A_13, %get3A_14] : memref<1x256xf32, #tpu.memory_space<vmem>>, vector<1x256xf32>
    %get3A_16 = vector.shape_cast %get3A_15 : vector<1x256xf32> to vector<256xf32>
    %broadcast_in_dim3A = vector.shape_cast %get3A_16 : vector<256xf32> to vector<1x256xf32>
    %add3A = vector.broadcast %broadcast_in_dim3A : vector<1x256xf32> to vector<1000x256xf32>
    %add3A_17 = arith.addf %mul3A_12, %add3A : vector<1000x256xf32>
    %swap3A = arith.constant 0 : index
    %swap3A_18 = arith.constant 0 : index
    %swap3A_19 = vector.load %arg4[%swap3A, %swap3A_18] : memref<1000x256xf32, #tpu.memory_space<vmem>>, vector<1000x256xf32>
    tpu.vector_store %arg4[%swap3A, %swap3A_18], %add3A_17 {strides = array<i32>} : memref<1000x256xf32, #tpu.memory_space<vmem>>, vector<1000x256xf32>,
    return
  }
  func.func @transform_0(%arg0: i32) -> (i32, i32, i32) {
    %c0_i32 = arith.constant 0 : i32
    %c0_i32_0 = arith.constant 0 : i32
    %c0_i32_1 = arith.constant 0 : i32
    return %c0_i32, %arg0, %c0_i32_0 : i32, i32, i32
  }
  func.func @transform_1(%arg0: i32) -> (i32, i32) {
    %c0_i32 = arith.constant 0 : i32
    %c0_i32_0 = arith.constant 0 : i32
    return %arg0, %c0_i32 : i32, i32
  }
  func.func @transform_2(%arg0: i32) -> (i32, i32) {
    %c0_i32 = arith.constant 0 : i32
    %c0_i32_0 = arith.constant 0 : i32
    %c0_i32_1 = arith.constant 0 : i32
    return %c0_i32, %c0_i32_0 : i32, i32
  }
  func.func @transform_3(%arg0: i32) -> (i32, i32) {
    %c0_i32 = arith.constant 0 : i32
    %c0_i32_0 = arith.constant 0 : i32
    return %arg0, %c0_i32 : i32, i32
  }
}

</mosaic_0001>

<sc_bundles>
// kernel: kernel.11.cloned.1.call-start
scs
__scs_entry_jumppad:
0x0: {  	(pc) =	sbr.rel $0x88, $3  }
0x1: {  	(tag) =	ssettag $0x0;
	lr =	simm.s32 $0x1  }
0x2: {  	[smem:$0x3F9B] =	sst lr;
	_ =	strace $0xD0000000  }
0x3: {  	_ = 	snop  }
0x4: {  	_ = 	snop  }
0x5: {  	_ = 	snop  }
0x6: {  	_ = 	snop  }
0x7: {  	_ = 	snop  }
__scs_overlays_trampoline_lowered:
0x8: {  	[smem:$0x3FAA] =	sst s0  }
0x9: {  	[smem:$0x3FAB] =	sst s1  }
0xa: {  	[smem:$0x3FAC] =	sst s2  }
0xb: {  	[smem:$0x3FAD] =	sst s3  }
0xc: {  	[smem:$0x3FAE] =	sst s4  }
0xd: {  	[smem:$0x3FAF] =	sst s5  }
0xe: {  	[smem:$0x3FB0] =	sst s6  }
0xf: {  	[smem:$0x3FB1] =	sst s7  }
0x10: {  	[smem:$0x3FB2] =	sst s8  }
0x11: {  	[smem:$0x3FB3] =	sst s9;
	s0 =	simm.s32 @!p0 $0x0  }
0x12: {  	s1 =	sld [smem:$0x3F99];
	s0 =	simm.s32 @p0 $0x1  }
0x13: {  	[smem:$0x3FB4] =	sst s0;
	s0 =	simm.s32 @!p1 $0x0  }
0x14: {  	s2 =	sld [smem:$0x3F98];
	s0 =	simm.s32 @p1 $0x1  }
0x15: {  	[smem:$0x3FB5] =	sst s0;
	s0 =	simm.s32 @!p2 $0x0  }
0x16: {  	s3 =	sld [smem:$0x3FDB];
	s0 =	simm.s32 @p2 $0x1  }
0x17: {  	s4 =	simm.s32 $0x1BF5;
	[smem:$0x3FB7] =	sst s0  }
0x18: {  	s0 =	sld [smem:$0x3F9A];
	_ =	swait.ge [sflag:s4], $0x0  }
0x19: {  	s7 =	sld [smem:$0x3F9B]  }
0x1a: {  	s8 =	sadd.s32 $0xFFFFE003, lr  }
0x1b: {  	s9 =	sadd.s32 $0xFFFFFEF7, lr;
	s5 =	simm.s32 $0xFFFFFFFF;
	p2 =	slt.u32 s8, $0xFFFFF086  }
0x1c: {  	p1 =	slt.u32 s9, $0xF7A;
	s5 =	simm.s32 @!p2 $0x0  }
0x1d: {  	s5 =	simm.s32 @p1 $0x1;
	p0 =	seq.s32 s7, s2  }
0x1e: {  	s7 =	smul.u32 @!p0 $0xF7A, s2;
	p2 =	seq.s32 @!p0 s5, $0x0  }
0x1f: {  	s9 =	smul.u32 $0xF7A, s1;
	s8 =	simm.s32 @!p0 $0x1BF5;
	p2 =	por !p2, p0  }
0x20: {  	[sflag:s8] =	ssyncset.s32 @!p0 $0xFFFFF086;
	s6 =	sadd.s32 @!p0 s3, s7;
	s7 =	simm.s32 @!p0 $0x108  }
0x21: {  	s3 =	sadd.s32 s3, s9;
	s6 =	sadd.s32 @!p0 $0x88, s6;
	s7 =	simm.s32 @p2 $0x1082  }
0x22: {  	[simem:s7], [sflag:s8] =	dma.local @!p0 [hbm:s6], $0xF7A  }
0x23: {  	s9 =	sor.u32 $0xD0000000, s2;
	s6 =	simm.s32 $0x108;
	_ =	swait.ge @!p0 [sflag:s8], $0x0  }
0x24: {  	s3 =	sadd.s32 $0x88, s3;
	s6 =	simm.s32 @!p1 $0x1082;
	[sflag:s4] =	ssyncset.s32 $0xFFFFF086  }
0x25: {  	[simem:s6], [sflag:s4] =	dma.local [hbm:s3], $0xF7A  }
0x26: {  	[smem:$0x3F9B] =	sst s1;
	(tag) =	ssettag s2;
	_ =	strace s9  }
0x27: {  	s1 =	sld [smem:$0x3FAB]  }
0x28: {  	s2 =	sld [smem:$0x3FAC]  }
0x29: {  	s4 =	sld [smem:$0x3FAE]  }
0x2a: {  	p0 =	seq.s32 s5, $0x0;
	s5 =	sld [smem:$0x3FAF]  }
0x2b: {  	s6 =	sld [smem:$0x3FB0]  }
0x2c: {  	s7 =	sld [smem:$0x3FB1]  }
0x2d: {  	s3 =	simm.s32 $0x108;
	s8 =	sld [smem:$0x3FB2]  }
0x2e: {  	s3 =	simm.s32 @!p0 $0x1082;
	s9 =	sld [smem:$0x3FB3]  }
0x2f: {  	lr =	sadd.s32 s0, s3;
	s0 =	sld [smem:$0x3FAA]  }
0x30: {  	s3 =	sld [smem:$0x3FAD]  }
0x31: {  	[smem:$0x3FB6] =	sst s10  }
0x32: {  	s10 =	sld [smem:$0x3FB4];
	_ =	sdelay $0x3  }
0x33: {  	p0 =	seq.s32 s10, $0x1;
	s10 =	sld [smem:$0x3FB6];
	_ =	sdelay $0x3  }
0x34: {  	[smem:$0x3FB6] =	sst s10  }
0x35: {  	s10 =	sld [smem:$0x3FB5];
	_ =	sdelay $0x3  }
0x36: {  	p1 =	seq.s32 s10, $0x1;
	s10 =	sld [smem:$0x3FB6];
	_ =	sdelay $0x3  }
0x37: {  	[smem:$0x3FB6] =	sst s10  }
0x38: {  	s10 =	sld [smem:$0x3FB7]  }
0x39: {  	_ = 	snop;
	(pc) =	sbr.ind lr, $3  }
0x3a: {  	_ = 	snop  }
0x3b: {  	_ = 	snop  }
0x3c: {  	p2 =	seq.s32 s10, $0x1;
	s10 =	sld [smem:$0x3FB6]  }
0x3d: {  	_ =	shalt  }
0x3e: {  	_ =	shalt  }
0x3f: {  	_ =	shalt  }
0x40: {  	_ =	shalt  }
0x41: {  	_ =	shalt  }
0x42: {  	_ =	shalt  }
0x43: {  	_ =	shalt  }
0x44: {  	_ =	shalt  }
0x45: {  	_ =	shalt  }
0x46: {  	_ =	shalt  }
0x47: {  	_ =	shalt  }
0x48: {  	_ =	shalt  }
0x49: {  	_ =	shalt  }
0x4a: {  	_ =	shalt  }
0x4b: {  	_ =	shalt  }
0x4c: {  	_ =	shalt  }
0x4d: {  	_ =	shalt  }
0x4e: {  	_ =	shalt  }
0x4f: {  	_ =	shalt  }
0x50: {  	_ =	shalt  }
0x51: {  	_ =	shalt  }
0x52: {  	_ =	shalt  }
0x53: {  	_ =	shalt  }
0x54: {  	_ =	shalt  }
0x55: {  	_ =	shalt  }
0x56: {  	_ =	shalt  }
0x57: {  	_ =	shalt  }
0x58: {  	_ =	shalt  }
0x59: {  	_ =	shalt  }
0x5a: {  	_ =	shalt  }
0x5b: {  	_ =	shalt  }
0x5c: {  	_ =	shalt  }
0x5d: {  	_ =	shalt  }
0x5e: {  	_ =	shalt  }
0x5f: {  	_ =	shalt  }
0x60: {  	_ =	shalt  }
0x61: {  	_ =	shalt  }
0x62: {  	_ =	shalt  }
0x63: {  	_ =	shalt  }
0x64: {  	_ =	shalt  }
0x65: {  	_ =	shalt  }
0x66: {  	_ =	shalt  }
0x67: {  	_ =	shalt  }
0x68: {  	_ =	shalt  }
0x69: {  	_ =	shalt  }
0x6a: {  	_ =	shalt  }
0x6b: {  	_ =	shalt  }
0x6c: {  	_ =	shalt  }
0x6d: {  	_ =	shalt  }
0x6e: {  	_ =	shalt  }
0x6f: {  	_ =	shalt  }
0x70: {  	_ =	shalt  }
0x71: {  	_ =	shalt  }
0x72: {  	_ =	shalt  }
0x73: {  	_ =	shalt  }
0x74: {  	_ =	shalt  }
0x75: {  	_ =	shalt  }
0x76: {  	_ =	shalt  }
0x77: {  	_ =	shalt  }
0x78: {  	_ =	shalt  }
0x79: {  	_ =	shalt  }
0x7a: {  	_ =	shalt  }
0x7b: {  	_ =	shalt  }
0x7c: {  	_ =	shalt  }
0x7d: {  	_ =	shalt  }
0x7e: {  	_ =	shalt  }
0x7f: {  	_ =	shalt  }
0x80: {  	_ =	shalt  }
0x81: {  	_ =	shalt  }
0x82: {  	_ =	shalt  }
0x83: {  	_ =	shalt  }
0x84: {  	_ =	shalt  }
0x85: {  	_ =	shalt  }
0x86: {  	_ =	shalt  }
0x87: {  	_ =	shalt  }
.Lfunc_end0:
.L_simem_size_0:
called_computation.1_lowered:
.L_overlay_start_0:
0x88: {  	s2 =	sld [smem:$0x3FD9]  }
0x89: {  	s3 =	sld [smem:$0x3FFE];
	_ =	sdelay $0x1  }
0x8a: {  	s1 =	srdreg.scid  }
0x8b: {  	s0 =	sand.u32 $0x1, s1  }
0x8c: {  	s17 =	sshll.u32 s0, $0xA;
	s2 =	sadd.s32 s3, s2  }
0x8d: {  	s2 =	sadd.s32 s2, s17  }
0x8e: {  	[smem:$0x3FC2] =	sst s2  }
0x8f: {  	_ = 	snop  }
0x90: {  	s18 =	sld [smem:$0x3FD0];
	(tm) =	ssettm $0x1  }
0x91: {  	s19 =	sld [smem:$0x3FFB];
	_ =	sdelay $0x3  }
0x92: {  	_ =	strace s19  }
0x93: {  	s2 =	sld [smem:$0x3FFC];
	_ =	sdelay $0x3  }
0x94: {  	_ =	strace s2  }
0x95: {  	s2 =	sld [smem:$0x3FFD];
	_ =	sdelay $0x3  }
0x96: {  	_ =	strace s2  }
0x97: {  	_ =	strace $0x8FFFFFFF  }
0x98: {  	s20 =	sld [smem:$0x3FDB];
	_ =	sdelay $0x1  }
0x99: {  	s4 =	simm.s32 $_scs_section_size  }
0x9a: {  	s5 =	simm.s32 $_size__tile_overlayer_lowered;
	s6 =	simm.s32 $_tile_overlayer_lowered  }
0x9b: {  	s7 =	simm.s32 $0x1BFF;
	s21 =	sshll.u32 s6, $0x1;
	s4 =	sadd.s32 s4, s20  }
0x9c: {  	s22 =	simm.s32 $0x0;
	s5 =	sshll.u32 s5, $0x1;
	s6 =	sadd.s32 s21, s4  }
0x9d: {  	[timem:s22], [sflag:s7] =	dma.local [hbm:s6], s5  }
0x9e: {  	_ =	swait.ge [sflag:s7], s5  }
0x9f: {  	s5 =	ssub.s32 $0x0, s5;
	[sflag:s7] =	ssyncset.done $0x0  }
0xa0: {  	[sflag:s7] =	ssyncadd.s32 s5;
	_ =	sdelay $0x1  }
0xa1: {  	s23 =	simm.s32 $0x1B8B  }
0xa2: {  	_ =	swait.ge [sflag:s23], $0x1  }
0xa3: {  	[sflag:s23] =	ssyncset.done $0x0  }
0xa4: {  	[sflag:s23] =	ssyncadd.s32 $0xFFFFFFFF  }
0xa5: {  	s5 =	sld [smem:$0x0]  }
0xa6: {  	s6 =	sand.u32 $0xFFFFFFFE, s1  }
0xa7: {  	p0 =	sne.s32 s1, s6  }
0xa8: {  	s6 =	sshll.u32 @p0 s6, $0xE  }
0xa9: {  	s6 =	sadd.s32 @p0 $0x11B8D, s6;
	s7 =	sshll.u32 @p0 s5, $0x11  }
0xaa: {  	s6 =	sor.u32 @p0 s7, s6  }
0xab: {  	[sflag:s6] =	ssyncadd.remote.s32 @p0 $0x1;
	_ =	sdelay $0x1  }
0xac: {  	s6 =	simm.s32 @p0 $0x1B8D  }
0xad: {  	_ =	swait.eq @p0 [sflag:s6], $0x1  }
0xae: {  	[sflag:s6] =	ssyncadd.s32 @p0 $0xFFFFFFFF  }
0xaf: {  	s7 =	sshll.u32 @!p0 s1, $0xE  }
0xb0: {  	s7 =	sor.u32 @!p0 $0x4000, s7;
	s6 =	simm.s32 @!p0 $0x1B8D  }
0xb1: {  	s5 =	sshll.u32 @!p0 s5, $0x11;
	s7 =	sadd.s32 @!p0 $0x11B8D, s7;
	_ =	swait.eq @!p0 [sflag:s6], $0x1  }
0xb2: {  	s5 =	sor.u32 @!p0 s5, s7;
	[sflag:s6] =	ssyncadd.s32 @!p0 $0xFFFFFFFF  }
0xb3: {  	s25 =	simm.s32 $0x1B8E;
	s24 =	sld [smem:$0x3FFE];
	[sflag:s5] =	ssyncadd.remote.s32 @!p0 $0x1  }
0xb4: {  	s26 =	simm.s32 $execute0_lowered;
	[smem:$0x3FD2] =	sst s25  }
0xb5: {  	s6 =	sshll.u32 s26, $0x1;
	_ =	strace $0x80000049;
	[dreg:$0x1] =	wrdreg $0xFFFFFFFF  }
0xb6: {  	s28 =	simm.s32 $_size_execute0_lowered;
	s4 =	sadd.s32 s4, s6;
	[dreg:$0x0] =	wrdreg $0x0  }
0xb7: {  	s6 =	sshll.u32 s28, $0x1;
	[dreg:$0x2] =	wrdreg s4  }
0xb8: {  	[dreg:$0x3] =	wrdreg s6  }
0xb9: {  	[dreg:$0x4] =	wrdreg $0xC0  }
0xba: {  	_ =	task [dreg:s22], $0x5FFFF  }
0xbb: {  	[dreg:$0x1] =	wrdreg $0xFFFFFFFF  }
0xbc: {  	[dreg:$0x0] =	wrdreg $0x60  }
0xbd: {  	[dreg:$0x2] =	wrdreg s18  }
0xbe: {  	[dreg:$0x3] =	wrdreg s24  }
0xbf: {  	[dreg:$0x4] =	wrdreg $0x0  }
0xc0: {  	[dreg:$0x5] =	wrdreg $0xA  }
0xc1: {  	_ =	task.clear_ibuf [dreg:s22], $0x6FFFF;
	_ =	strace $0x90000049  }
0xc2: {  	s29 =	simm.s32 $0xA;
	_ =	strace $0x8000004B  }
0xc3: {  	_ =	swait.ge [sflag:s29], $0x1  }
0xc4: {  	[sflag:s29] =	ssyncadd.s32 $0xFFFFFFFF  }
0xc5: {  	_ =	strace $0x9000004B  }
0xc6: {  	_ =	sfence  }
0xc7: {  	s30 =	sld [smem:$0x0];
	_ =	sdelay $0x2  }
0xc8: {  	s31 =	sshll.u32 s1, $0xD;
	s1 =	sshrl.u32 s1, $0x2  }
0xc9: {  	s4 =	sand.u32 $0x4000, s31;
	s1 =	sadd.s32 s1, s30  }
0xca: {  	s0 =	sor.u32 s4, s0;
	s1 =	sshll.u32 s1, $0x11  }
0xcb: {  	s0 =	sor.u32 s1, s0  }
0xcc: {  	s0 =	sadd.s32 $0x8F2B, s0  }
0xcd: {  	[sflag:s0] =	ssyncadd.remote.s32 $0x1  }
0xce: {  	_ =	sfence.sel $0xFFFF  }
0xcf: {  	[dreg:$0x0] =	wrdreg $0xFFFFFFFF;
	(pc) =	sbr.abs _section_cstart, $3  }
0xd0: {  	[dreg:$0x1] =	wrdreg $0xFFFFFFFF  }
0xd1: {  	_ =	task.clear_ibuf [dreg:s22], $0x2FFFF;
	_ =	strace $0x9FFFFFFF  }
0xd2: {  	(tm) =	ssettm $0x7FFFFFFF  }
0xd3: {  	_ =	shalt  }
tec
execute0_lowered:
.L_overlay_start_1:
0x0: {  	(tag) =	ssettag $0x1  }
0x1: {  	s0 =	srdreg.scid;
	s1 =	rddreg [dreg:$0x0]  }
0x2: {  	s12 =	stileid.u32;
	s2 =	rddreg [dreg:$0x1]  }
0x3: {  	s3 =	rddreg [dreg:$0x2];
	s15 =	simm.s32 $0xD;
	s16 =	simm.s32 $0x16000  }
0x4: {  	s28 =	simm.s32 $0x1C380;
	s29 =	simm.s32 $0x1;
	s19 =	smul.u32 $0x4F000, s12  }
0x5: {  	s31 =	simm.s32 $0x1D780;
	s30 =	simm.s32 $0x7;
	s11 =	smul.u32 $0x2780, s12  }
0x6: {  	s13 =	simm.s32 $0xC;
	s0 =	sand.u32 $0x1, s0;
	s21 =	smul.u32 $0x13C00, s12  }
0x7: {  	s4 =	sshrl.u32 s12, $0x3;
	s7 =	sshll.u32 s12, $0x7;
	s5 =	smul.u32 $0x27800, s0  }
0x8: {  	p0 =	seq.s32 s12, $0xF;
	s6 =	smul.u32 $0x13C00, s4;
	s4 =	simm.s32 $0x0  }
0x9: {  	s7 =	sand.u32 $0x380, s7;
	s8 =	ssub.s32 $0x2, s0;
	s9 =	smul.u32 $0x27100, s0  }
0xa: {  	s0 =	smul.u32 $0x138800, s0;
	[smem:$0x7FF] =	sst s4;
	s10 =	sshrl.u32 s8, $0x1  }
0xb: {  	s20 =	sshrl.u32 s19, $0x2;
	s5 =	sadd.s32 s5, s6;
	_ =	strace $0x8000004A  }
0xc: {  	s6 =	sor.u32 s7, s6;
	s8 =	ssub.s32 s8, s10;
	s22 =	sadd.s32 s11, s9  }
0xd: {  	s23 =	sshrl.u32 s0, $0x3;
	s0 =	sadd.s32 s21, s0;
	s21 =	simm.s32 $0x18780  }
0xe: {  	s11 =	simm.s32 $0x13880;
	s5 =	sor.u32 s7, s5;
	s6 =	sshrl.u32 s6, $0x3  }
0xf: {  	s7 =	sadd.s32 $0x128400, s3;
	s0 =	sshrl.u32 s0, $0x3;
	s26 =	smax.u32 s8, $0x1  }
0x10: {  	s8 =	simm.s32 $0xB;
	s5 =	sshrl.u32 s5, $0x3;
	s6 =	sadd.s32 s6, s2  }
0x11: {  	[dreg:$0xa] =	wrdreg s26;
	s17 =	sshrl.u32 @p0 s7, $0x3;
	s26 =	simm.s32 $0x3  }
0x12: {  	s7 =	simm.s32 $0x6;
	s5 =	sadd.s32 s5, s2;
	s6 =	sadd.s32 $0x31C00, s6  }
0x13: {  	s2 =	sadd.s32 $0x40A00, s2;
	s5 =	sadd.s32 $0x36C00, s5;
	[dreg:$0x5] =	wrdreg s6  }
0x14: {  	s6 =	sadd.s32 s1, s22;
	s0 =	sadd.s32 s2, s0;
	[dreg:$0x4] =	wrdreg s5  }
0x15: {  	s22 =	simm.s32 $0x1EB80;
	s5 =	sadd.s32 s20, s3;
	[dreg:$0x6] =	wrdreg s6  }
0x16: {  	s6 =	sadd.s32 $0x25080, s23;
	[dreg:$0x8] =	wrdreg s0;
	s0 =	sshll.u32 @!p0 s12, $0x6  }
0x17: {  	s20 =	simm.s32 $0x28;
	s23 =	simm.s32 $0x19B80;
	s12 =	simm.s32 $0xA  }
0x18: {  	s24 =	sadd.s32 s1, s6;
	s25 =	sadd.s32 s2, s6;
	s18 =	sor.u32 @!p0 $0x1C0D, s0  }
0x19: {  	s19 =	sshrl.u32 @!p0 s5, $0x3;
	s2 =	simm.s32 $0x2;
	s0 =	simm.s32 $0x4  }
0x1a: {  	s5 =	simm.s32 $0x5;
	s6 =	simm.s32 $0x9;
	[dreg:$0x7] =	wrdreg s24  }
0x1b: {  	[dreg:$0x9] =	wrdreg s25;
	s25 =	simm.s32 $0x1AF80;
	s24 =	simm.s32 $0x8  }
.LBB2_1:
0x1c: {  	s9 =	rddreg [dreg:$0x4];
	s10 =	simm.s32 $0x80;
	s14 =	simm.s32 $0x400  }
0x1d: {  	[tilespmem:s11], [sflag:$0xD] =	stream.strided.gather [hbm4b:s9+s10], $0x2780, s14, s10, $0x38;
	[tilespmem:$0x1FF80] =	vst v63  }
0x1e: {  	_ =	swait.ge [sflag:s15], $0x2780  }
0x1f: {  	[sflag:s15] =	ssyncset.done $0x0  }
0x20: {  	s9 =	rddreg [dreg:$0x5];
	[sflag:s15] =	ssyncadd.s32 $0xFFFFD880  }
0x21: {  	[tilespmem:s16], [sflag:$0xD] =	stream.strided.gather [hbm4b:s9+s10], $0x2780, s14, s10, $0x38;
	[tilespmem:$0x1FF80] =	vst v63  }
0x22: {  	_ =	swait.ge [sflag:s15], $0x2780  }
0x23: {  	[sflag:s15] =	ssyncset.done $0x0  }
0x24: {  	s9 =	simm.s32 @p0 $0x1FCD;
	s10 =	rddreg [dreg:$0x7];
	[sflag:s15] =	ssyncadd.s32 $0xFFFFD880  }
0x25: {  	[spmem:s17], [sflag:s9] =	dma.local @p0 [hbm:s10], $0x2080  }
0x26: {  	s9 =	simm.s32 @p0 $0xD  }
0x27: {  	_ =	swait.ge @p0 [sflag:s9], $0x2080  }
0x28: {  	[sflag:s9] =	ssyncset.done @p0 $0x0  }
0x29: {  	[sflag:s9] =	ssyncadd.s32 @p0 $0xFFFFDF80;
	s9 =	rddreg [dreg:$0x6]  }
0x2a: {  	[spmem:s19], [sflag:s18] =	dma.local @!p0 [hbm:s9], $0x2780  }
0x2b: {  	s9 =	simm.s32 @!p0 $0xD  }
0x2c: {  	_ =	swait.ge @!p0 [sflag:s9], $0x2780  }
0x2d: {  	[sflag:s9] =	ssyncset.done @!p0 $0x0  }
0x2e: {  	[sflag:s9] =	ssyncadd.s32 @!p0 $0xFFFFD880  }
0x2f: {  	[bflag:$0x0] =	sbarrier.arrive $0xFFFF  }
0x30: {  	[tilespmem:s21], [sflag:$0x1] =	stream.indirect.gather [hbm4b:s1+s20], $0x80, s11, s20, $0xb8;
	[tilespmem:$0x1FF80] =	vst v63  }
0x31: {  	s14 =	simm.s32 $0x138A8  }
0x32: {  	[tilespmem:s23], [sflag:$0x2] =	stream.indirect.gather [hbm4b:s1+s20], $0x80, s14, s20, $0xb8;
	[tilespmem:$0x1FF80] =	vst v63  }
0x33: {  	s10 =	simm.s32 $0x138D0  }
0x34: {  	[tilespmem:s25], [sflag:$0x3] =	stream.indirect.gather [hbm4b:s1+s20], $0x80, s10, s20, $0xb8;
	[tilespmem:$0x1FF80] =	vst v63  }
0x35: {  	s14 =	simm.s32 $0x138F8  }
0x36: {  	[tilespmem:s28], [sflag:$0x4] =	stream.indirect.gather [hbm4b:s1+s20], $0x80, s14, s20, $0xb8;
	[tilespmem:$0x1FF80] =	vst v63  }
0x37: {  	_ =	swait.ge [sflag:s29], $0x1400  }
0x38: {  	[sflag:s29] =	ssyncset.done $0x0  }
0x39: {  	s10 =	simm.s32 $0x13920;
	[sflag:s29] =	ssyncadd.s32 $0xFFFFEC00  }
0x3a: {  	[tilespmem:s31], [sflag:$0x5] =	stream.indirect.gather [hbm4b:s1+s20], $0x80, s10, s20, $0xb8;
	[tilespmem:$0x1FF80] =	vst v63  }
0x3b: {  	_ = 	snop  }
0x3c: {  	[spmem:s3] =	stream.indirect.scatter.add.f32 [tilespmem:s21], [sflag:$0x7], $0x80, s16, s20, $0xb8;
	[tilespmem:$0x1FF80] =	vst v63  }
0x3d: {  	_ =	swait.ge [sflag:s2], $0x1400  }
0x3e: {  	[sflag:s2] =	ssyncset.done $0x0  }
0x3f: {  	s14 =	simm.s32 $0x13948;
	[sflag:s2] =	ssyncadd.s32 $0xFFFFEC00  }
0x40: {  	[tilespmem:s22], [sflag:$0x6] =	stream.indirect.gather [hbm4b:s1+s20], $0x80, s14, s20, $0xb8;
	[tilespmem:$0x1FF80] =	vst v63  }
0x41: {  	s10 =	simm.s32 $0x16028  }
0x42: {  	[spmem:s3] =	stream.indirect.scatter.add.f32 [tilespmem:s23], [sflag:$0x8], $0x80, s10, s20, $0xb8;
	[tilespmem:$0x1FF80] =	vst v63  }
0x43: {  	_ =	swait.ge [sflag:s26], $0x1400  }
0x44: {  	[sflag:s26] =	ssyncset.done $0x0  }
0x45: {  	[sflag:s26] =	ssyncadd.s32 $0xFFFFEC00  }
0x46: {  	_ =	swait.ge [sflag:s30], $0x1400  }
0x47: {  	[sflag:s30] =	ssyncset.done $0x0  }
0x48: {  	s14 =	simm.s32 $0x13970;
	[sflag:s30] =	ssyncadd.s32 $0xFFFFEC00  }
0x49: {  	[tilespmem:s21], [sflag:$0x1] =	stream.indirect.gather [hbm4b:s1+s20], $0x80, s14, s20, $0xb8;
	[tilespmem:$0x1FF80] =	vst v63  }
0x4a: {  	s10 =	simm.s32 $0x16050  }
0x4b: {  	[spmem:s3] =	stream.indirect.scatter.add.f32 [tilespmem:s25], [sflag:$0x9], $0x80, s10, s20, $0xb8;
	[tilespmem:$0x1FF80] =	vst v63  }
0x4c: {  	_ =	swait.ge [sflag:s0], $0x1400  }
0x4d: {  	[sflag:s0] =	ssyncset.done $0x0  }
0x4e: {  	[sflag:s0] =	ssyncadd.s32 $0xFFFFEC00  }
0x4f: {  	_ =	swait.ge [sflag:s24], $0x1400  }
0x50: {  	[sflag:s24] =	ssyncset.done $0x0  }
0x51: {  	s14 =	simm.s32 $0x13998;
	[sflag:s24] =	ssyncadd.s32 $0xFFFFEC00  }
0x52: {  	[tilespmem:s23], [sflag:$0x2] =	stream.indirect.gather [hbm4b:s1+s20], $0x80, s14, s20, $0xb8;
	[tilespmem:$0x1FF80] =	vst v63  }
0x53: {  	s10 =	simm.s32 $0x16078  }
0x54: {  	[spmem:s3] =	stream.indirect.scatter.add.f32 [tilespmem:s28], [sflag:$0xA], $0x80, s10, s20, $0xb8;
	[tilespmem:$0x1FF80] =	vst v63  }
0x55: {  	_ =	swait.ge [sflag:s5], $0x1400  }
0x56: {  	[sflag:s5] =	ssyncset.done $0x0  }
0x57: {  	[sflag:s5] =	ssyncadd.s32 $0xFFFFEC00  }
0x58: {  	_ =	swait.ge [sflag:s6], $0x1400  }
0x59: {  	[sflag:s6] =	ssyncset.done $0x0  }
0x5a: {  	s14 =	simm.s32 $0x139C0;
	[sflag:s6] =	ssyncadd.s32 $0xFFFFEC00  }
0x5b: {  	[tilespmem:s25], [sflag:$0x3] =	stream.indirect.gather [hbm4b:s1+s20], $0x80, s14, s20, $0xb8;
	[tilespmem:$0x1FF80] =	vst v63  }
0x5c: {  	s10 =	simm.s32 $0x160A0  }
0x5d: {  	[spmem:s3] =	stream.indirect.scatter.add.f32 [tilespmem:s31], [sflag:$0xB], $0x80, s10, s20, $0xb8;
	[tilespmem:$0x1FF80] =	vst v63  }
0x5e: {  	_ =	swait.ge [sflag:s7], $0x1400  }
0x5f: {  	[sflag:s7] =	ssyncset.done $0x0  }
0x60: {  	[sflag:s7] =	ssyncadd.s32 $0xFFFFEC00  }
0x61: {  	_ =	swait.ge [sflag:s12], $0x1400  }
0x62: {  	[sflag:s12] =	ssyncset.done $0x0  }
0x63: {  	s14 =	simm.s32 $0x139E8;
	[sflag:s12] =	ssyncadd.s32 $0xFFFFEC00  }
0x64: {  	[tilespmem:s28], [sflag:$0x4] =	stream.indirect.gather [hbm4b:s1+s20], $0x80, s14, s20, $0xb8;
	[tilespmem:$0x1FF80] =	vst v63  }
0x65: {  	s10 =	simm.s32 $0x160C8  }
0x66: {  	[spmem:s3] =	stream.indirect.scatter.add.f32 [tilespmem:s22], [sflag:$0xC], $0x80, s10, s20, $0xb8;
	[tilespmem:$0x1FF80] =	vst v63  }
0x67: {  	_ =	swait.ge [sflag:s29], $0x1400  }
0x68: {  	[sflag:s29] =	ssyncset.done $0x0  }
0x69: {  	[sflag:s29] =	ssyncadd.s32 $0xFFFFEC00  }
0x6a: {  	_ =	swait.ge [sflag:s8], $0x1400  }
0x6b: {  	[sflag:s8] =	ssyncset.done $0x0  }
0x6c: {  	s14 =	simm.s32 $0x13A10;
	[sflag:s8] =	ssyncadd.s32 $0xFFFFEC00  }
0x6d: {  	[tilespmem:s31], [sflag:$0x5] =	stream.indirect.gather [hbm4b:s1+s20], $0x80, s14, s20, $0xb8;
	[tilespmem:$0x1FF80] =	vst v63  }
0x6e: {  	s10 =	simm.s32 $0x160F0  }
0x6f: {  	[spmem:s3] =	stream.indirect.scatter.add.f32 [tilespmem:s21], [sflag:$0x7], $0x80, s10, s20, $0xb8;
	[tilespmem:$0x1FF80] =	vst v63  }
0x70: {  	_ =	swait.ge [sflag:s2], $0x1400  }
0x71: {  	[sflag:s2] =	ssyncset.done $0x0  }
0x72: {  	[sflag:s2] =	ssyncadd.s32 $0xFFFFEC00  }
0x73: {  	_ =	swait.ge [sflag:s13], $0x1400  }
0x74: {  	[sflag:s13] =	ssyncset.done $0x0  }
0x75: {  	s14 =	simm.s32 $0x13A38;
	[sflag:s13] =	ssyncadd.s32 $0xFFFFEC00  }
0x76: {  	[tilespmem:s22], [sflag:$0x6] =	stream.indirect.gather [hbm4b:s1+s20], $0x80, s14, s20, $0xb8;
	[tilespmem:$0x1FF80] =	vst v63  }
0x77: {  	s10 =	simm.s32 $0x16118  }
0x78: {  	[spmem:s3] =	stream.indirect.scatter.add.f32 [tilespmem:s23], [sflag:$0x8], $0x80, s10, s20, $0xb8;
	[tilespmem:$0x1FF80] =	vst v63  }
0x79: {  	_ =	swait.ge [sflag:s26], $0x1400  }
0x7a: {  	[sflag:s26] =	ssyncset.done $0x0  }
0x7b: {  	[sflag:s26] =	ssyncadd.s32 $0xFFFFEC00  }
0x7c: {  	_ =	swait.ge [sflag:s30], $0x1400  }
0x7d: {  	[sflag:s30] =	ssyncset.done $0x0  }
0x7e: {  	s14 =	simm.s32 $0x13A60;
	[sflag:s30] =	ssyncadd.s32 $0xFFFFEC00  }
0x7f: {  	[tilespmem:s21], [sflag:$0x1] =	stream.indirect.gather [hbm4b:s1+s20], $0x80, s14, s20, $0xb8;
	[tilespmem:$0x1FF80] =	vst v63  }
0x80: {  	s10 =	simm.s32 $0x16140  }
0x81: {  	[spmem:s3] =	stream.indirect.scatter.add.f32 [tilespmem:s25], [sflag:$0x9], $0x80, s10, s20, $0xb8;
	[tilespmem:$0x1FF80] =	vst v63  }
0x82: {  	_ =	swait.ge [sflag:s0], $0x1400  }
0x83: {  	[sflag:s0] =	ssyncset.done $0x0  }
0x84: {  	[sflag:s0] =	ssyncadd.s32 $0xFFFFEC00  }
0x85: {  	_ =	swait.ge [sflag:s24], $0x1400  }
0x86: {  	[sflag:s24] =	ssyncset.done $0x0  }
0x87: {  	s14 =	simm.s32 $0x13A88;
	[sflag:s24] =	ssyncadd.s32 $0xFFFFEC00  }
0x88: {  	[tilespmem:s23], [sflag:$0x2] =	stream.indirect.gather [hbm4b:s1+s20], $0x80, s14, s20, $0xb8;
	[tilespmem:$0x1FF80] =	vst v63  }
0x89: {  	s10 =	simm.s32 $0x16168  }
0x8a: {  	[spmem:s3] =	stream.indirect.scatter.add.f32 [tilespmem:s28], [sflag:$0xA], $0x80, s10, s20, $0xb8;
	[tilespmem:$0x1FF80] =	vst v63  }
0x8b: {  	_ =	swait.ge [sflag:s5], $0x1400  }
0x8c: {  	[sflag:s5] =	ssyncset.done $0x0  }
0x8d: {  	[sflag:s5] =	ssyncadd.s32 $0xFFFFEC00  }
0x8e: {  	_ =	swait.ge [sflag:s6], $0x1400  }
0x8f: {  	[sflag:s6] =	ssyncset.done $0x0  }
0x90: {  	s14 =	simm.s32 $0x13AB0;
	[sflag:s6] =	ssyncadd.s32 $0xFFFFEC00  }
0x91: {  	[tilespmem:s25], [sflag:$0x3] =	stream.indirect.gather [hbm4b:s1+s20], $0x80, s14, s20, $0xb8;
	[tilespmem:$0x1FF80] =	vst v63  }
0x92: {  	s10 =	simm.s32 $0x16190  }
0x93: {  	[spmem:s3] =	stream.indirect.scatter.add.f32 [tilespmem:s31], [sflag:$0xB], $0x80, s10, s20, $0xb8;
	[tilespmem:$0x1FF80] =	vst v63  }
0x94: {  	_ =	swait.ge [sflag:s7], $0x1400  }
0x95: {  	[sflag:s7] =	ssyncset.done $0x0  }
0x96: {  	[sflag:s7] =	ssyncadd.s32 $0xFFFFEC00  }
0x97: {  	_ =	swait.ge [sflag:s12], $0x1400  }
0x98: {  	[sflag:s12] =	ssyncset.done $0x0  }
0x99: {  	s14 =	simm.s32 $0x13AD8;
	[sflag:s12] =	ssyncadd.s32 $0xFFFFEC00  }
0x9a: {  	[tilespmem:s28], [sflag:$0x4] =	stream.indirect.gather [hbm4b:s1+s20], $0x80, s14, s20, $0xb8;
	[tilespmem:$0x1FF80] =	vst v63  }
0x9b: {  	s9 =	simm.s32 $0x3C0;
	s14 =	simm.s32 $0x161B8  }
.LBB2_2:
0x9c: {  	[spmem:s3] =	stream.indirect.scatter.add.f32 [tilespmem:s22], [sflag:$0xC], $0x80, s14, s20, $0xb8;
	[tilespmem:$0x1FF80] =	vst v63  }
0x9d: {  	s14 =	smov.u32 s9  }
0x9e: {  	p1 =	sne.s32 s9, $0x9240;
	s9 =	sadd.s32 $0x3C0, s9;
	_ =	swait.ge [sflag:s29], $0x1400  }
0x9f: {  	[sflag:s29] =	ssyncset.done $0x0  }
0xa0: {  	[sflag:s29] =	ssyncadd.s32 $0xFFFFEC00  }
0xa1: {  	_ =	swait.ge [sflag:s8], $0x1400  }
0xa2: {  	s14 =	sshra.s32 s14, $0x2;
	[sflag:s8] =	ssyncset.done $0x0  }
0xa3: {  	s10 =	sadd.s32 $0x13A10, s14;
	[sflag:s8] =	ssyncadd.s32 $0xFFFFEC00  }
0xa4: {  	[tilespmem:s31], [sflag:$0x5] =	stream.indirect.gather [hbm4b:s1+s20], $0x80, s10, s20, $0xb8;
	[tilespmem:$0x1FF80] =	vst v63  }
0xa5: {  	s10 =	sadd.s32 $0x160F0, s14  }
0xa6: {  	[spmem:s3] =	stream.indirect.scatter.add.f32 [tilespmem:s21], [sflag:$0x7], $0x80, s10, s20, $0xb8;
	[tilespmem:$0x1FF80] =	vst v63  }
0xa7: {  	_ =	swait.ge [sflag:s2], $0x1400  }
0xa8: {  	[sflag:s2] =	ssyncset.done $0x0  }
0xa9: {  	[sflag:s2] =	ssyncadd.s32 $0xFFFFEC00  }
0xaa: {  	_ =	swait.ge [sflag:s13], $0x1400  }
0xab: {  	[sflag:s13] =	ssyncset.done $0x0  }
0xac: {  	s10 =	sadd.s32 $0x13A38, s14;
	[sflag:s13] =	ssyncadd.s32 $0xFFFFEC00  }
0xad: {  	[tilespmem:s22], [sflag:$0x6] =	stream.indirect.gather [hbm4b:s1+s20], $0x80, s10, s20, $0xb8;
	[tilespmem:$0x1FF80] =	vst v63  }
0xae: {  	s10 =	sadd.s32 $0x16118, s14  }
0xaf: {  	[spmem:s3] =	stream.indirect.scatter.add.f32 [tilespmem:s23], [sflag:$0x8], $0x80, s10, s20, $0xb8;
	[tilespmem:$0x1FF80] =	vst v63  }
0xb0: {  	_ =	swait.ge [sflag:s26], $0x1400  }
0xb1: {  	[sflag:s26] =	ssyncset.done $0x0  }
0xb2: {  	[sflag:s26] =	ssyncadd.s32 $0xFFFFEC00  }
0xb3: {  	_ =	swait.ge [sflag:s30], $0x1400  }
0xb4: {  	[sflag:s30] =	ssyncset.done $0x0  }
0xb5: {  	s10 =	sadd.s32 $0x13A60, s14;
	[sflag:s30] =	ssyncadd.s32 $0xFFFFEC00  }
0xb6: {  	[tilespmem:s21], [sflag:$0x1] =	stream.indirect.gather [hbm4b:s1+s20], $0x80, s10, s20, $0xb8;
	[tilespmem:$0x1FF80] =	vst v63  }
0xb7: {  	s10 =	sadd.s32 $0x16140, s14  }
0xb8: {  	[spmem:s3] =	stream.indirect.scatter.add.f32 [tilespmem:s25], [sflag:$0x9], $0x80, s10, s20, $0xb8;
	[tilespmem:$0x1FF80] =	vst v63  }
0xb9: {  	_ =	swait.ge [sflag:s0], $0x1400  }
0xba: {  	[sflag:s0] =	ssyncset.done $0x0  }
0xbb: {  	[sflag:s0] =	ssyncadd.s32 $0xFFFFEC00  }
0xbc: {  	_ =	swait.ge [sflag:s24], $0x1400  }
0xbd: {  	[sflag:s24] =	ssyncset.done $0x0  }
0xbe: {  	s10 =	sadd.s32 $0x13A88, s14;
	[sflag:s24] =	ssyncadd.s32 $0xFFFFEC00  }
0xbf: {  	[tilespmem:s23], [sflag:$0x2] =	stream.indirect.gather [hbm4b:s1+s20], $0x80, s10, s20, $0xb8;
	[tilespmem:$0x1FF80] =	vst v63  }
0xc0: {  	s10 =	sadd.s32 $0x16168, s14  }
0xc1: {  	[spmem:s3] =	stream.indirect.scatter.add.f32 [tilespmem:s28], [sflag:$0xA], $0x80, s10, s20, $0xb8;
	[tilespmem:$0x1FF80] =	vst v63  }
0xc2: {  	_ =	swait.ge [sflag:s5], $0x1400  }
0xc3: {  	[sflag:s5] =	ssyncset.done $0x0  }
0xc4: {  	[sflag:s5] =	ssyncadd.s32 $0xFFFFEC00  }
0xc5: {  	_ =	swait.ge [sflag:s6], $0x1400  }
0xc6: {  	[sflag:s6] =	ssyncset.done $0x0  }
0xc7: {  	s10 =	sadd.s32 $0x13AB0, s14;
	[sflag:s6] =	ssyncadd.s32 $0xFFFFEC00  }
0xc8: {  	[tilespmem:s25], [sflag:$0x3] =	stream.indirect.gather [hbm4b:s1+s20], $0x80, s10, s20, $0xb8;
	[tilespmem:$0x1FF80] =	vst v63  }
0xc9: {  	s10 =	sadd.s32 $0x16190, s14  }
0xca: {  	[spmem:s3] =	stream.indirect.scatter.add.f32 [tilespmem:s31], [sflag:$0xB], $0x80, s10, s20, $0xb8;
	[tilespmem:$0x1FF80] =	vst v63  }
0xcb: {  	_ =	swait.ge [sflag:s7], $0x1400  }
0xcc: {  	[sflag:s7] =	ssyncset.done $0x0  }
0xcd: {  	[sflag:s7] =	ssyncadd.s32 $0xFFFFEC00  }
.Ltmp0:
0xce: {  	_ =	swait.ge [sflag:s12], $0x1400;
	(pc) =	sbr.rel @p1 .LBB2_2-.Ltmp0, $4  }
0xcf: {  	[sflag:s12] =	ssyncset.done $0x0  }
0xd0: {  	s10 =	sadd.s32 $0x13AD8, s14;
	[sflag:s12] =	ssyncadd.s32 $0xFFFFEC00  }
0xd1: {  	[tilespmem:s28], [sflag:$0x4] =	stream.indirect.gather [hbm4b:s1+s20], $0x80, s10, s20, $0xb8;
	[tilespmem:$0x1FF80] =	vst v63  }
0xd2: {  	s14 =	sadd.s32 $0x161B8, s14  }
0xd3: {  	[spmem:s3] =	stream.indirect.scatter.add.f32 [tilespmem:s22], [sflag:$0xC], $0x80, s14, s20, $0xb8;
	[tilespmem:$0x1FF80] =	vst v63  }
0xd4: {  	_ =	swait.ge [sflag:s29], $0x1400  }
0xd5: {  	[sflag:s29] =	ssyncset.done $0x0  }
0xd6: {  	[sflag:s29] =	ssyncadd.s32 $0xFFFFEC00  }
0xd7: {  	_ =	swait.ge [sflag:s8], $0x1400  }
0xd8: {  	[sflag:s8] =	ssyncset.done $0x0  }
0xd9: {  	s9 =	simm.s32 $0x18670;
	[sflag:s8] =	ssyncadd.s32 $0xFFFFEC00  }
0xda: {  	[spmem:s3] =	stream.indirect.scatter.add.f32 [tilespmem:s21], [sflag:$0x7], $0x80, s9, s20, $0xb8;
	[tilespmem:$0x1FF80] =	vst v63  }
0xdb: {  	_ =	swait.ge [sflag:s2], $0x1400  }
0xdc: {  	[sflag:s2] =	ssyncset.done $0x0  }
0xdd: {  	[sflag:s2] =	ssyncadd.s32 $0xFFFFEC00  }
0xde: {  	_ =	swait.ge [sflag:s13], $0x1400  }
0xdf: {  	[sflag:s13] =	ssyncset.done $0x0  }
0xe0: {  	s10 =	simm.s32 $0x18698;
	[sflag:s13] =	ssyncadd.s32 $0xFFFFEC00  }
0xe1: {  	[spmem:s3] =	stream.indirect.scatter.add.f32 [tilespmem:s23], [sflag:$0x8], $0x80, s10, s20, $0xb8;
	[tilespmem:$0x1FF80] =	vst v63  }
0xe2: {  	_ =	swait.ge [sflag:s26], $0x1400  }
0xe3: {  	[sflag:s26] =	ssyncset.done $0x0  }
0xe4: {  	[sflag:s26] =	ssyncadd.s32 $0xFFFFEC00  }
0xe5: {  	_ =	swait.ge [sflag:s30], $0x1400  }
0xe6: {  	[sflag:s30] =	ssyncset.done $0x0  }
0xe7: {  	s14 =	simm.s32 $0x186C0;
	[sflag:s30] =	ssyncadd.s32 $0xFFFFEC00  }
0xe8: {  	[spmem:s3] =	stream.indirect.scatter.add.f32 [tilespmem:s25], [sflag:$0x9], $0x80, s14, s20, $0xb8;
	[tilespmem:$0x1FF80] =	vst v63  }
0xe9: {  	_ =	swait.ge [sflag:s0], $0x1400  }
0xea: {  	[sflag:s0] =	ssyncset.done $0x0  }
0xeb: {  	[sflag:s0] =	ssyncadd.s32 $0xFFFFEC00  }
0xec: {  	_ =	swait.ge [sflag:s24], $0x1400  }
0xed: {  	[sflag:s24] =	ssyncset.done $0x0  }
0xee: {  	s10 =	simm.s32 $0x186E8;
	[sflag:s24] =	ssyncadd.s32 $0xFFFFEC00  }
0xef: {  	[spmem:s3] =	stream.indirect.scatter.add.f32 [tilespmem:s28], [sflag:$0xA], $0x80, s10, s20, $0xb8;
	[tilespmem:$0x1FF80] =	vst v63  }
0xf0: {  	_ =	swait.ge [sflag:s6], $0x1400  }
0xf1: {  	[sflag:s6] =	ssyncset.done $0x0  }
0xf2: {  	[sflag:s6] =	ssyncadd.s32 $0xFFFFEC00  }
0xf3: {  	_ =	swait.ge [sflag:s12], $0x1400  }
0xf4: {  	[sflag:s12] =	ssyncset.done $0x0  }
0xf5: {  	[sflag:s12] =	ssyncadd.s32 $0xFFFFEC00  }
0xf6: {  	[bflag:$0x0] =	sbarrier.arrive $0xFFFF  }
0xf7: {  	s9 =	simm.s32 @p0 $0x1FCD;
	s10 =	rddreg [dreg:$0x9]  }
0xf8: {  	[hbm:s10], [sflag:s9] =	dma.local @p0 [spmem:s17], $0x2080  }
0xf9: {  	s9 =	simm.s32 @p0 $0xD  }
0xfa: {  	_ =	swait.ge @p0 [sflag:s9], $0x2080  }
0xfb: {  	[sflag:s9] =	ssyncset.done @p0 $0x0  }
0xfc: {  	[sflag:s9] =	ssyncadd.s32 @p0 $0xFFFFDF80;
	s9 =	rddreg [dreg:$0x8]  }
0xfd: {  	[hbm:s9], [sflag:s18] =	dma.local @!p0 [spmem:s19], $0x2780  }
0xfe: {  	s9 =	simm.s32 @!p0 $0xD  }
0xff: {  	_ =	swait.ge @!p0 [sflag:s9], $0x2780  }
0x100: {  	s4 =	sadd.s32 $0x1, s4;
	s14 =	rddreg [dreg:$0xa]  }
0x101: {  	p1 =	sne.s32 s4, s14  }
.Ltmp1:
0x102: {  	_ = 	snop;
	(pc) =	sbr.rel @p1 .LBB2_1-.Ltmp1, $3  }
0x103: {  	_ =	sdelay $0x1  }
0x104: {  	[sflag:s9] =	ssyncset.done @!p0 $0x0  }
0x105: {  	[sflag:s9] =	ssyncadd.s32 @!p0 $0xFFFFD880  }
0x106: {  	_ =	sfence.sel $0x180000  }
0x107: {  	[bflag:$0x0] =	sbarrier.arrive $0xFFFF  }
0x108: {  	_ =	strace $0x9000004A  }
0x109: {  	s0 =	stileid.u32;
	[bflag:$0x2] =	sbarrier.arrive $0xFFFF  }
0x10a: {  	p0 =	sne.s32 s0, $0x0;
	s0 =	rddreg [dreg:$0x3]  }
0x10b: {  	s0 =	sadd.s32 @!p0 $0x100000, s0  }
0x10c: {  	[sflag:s0] =	ssyncadd.tile.s32 @!p0 $0x1;
	_ =	shalt  }
.Lfunc_end2:
_tile_overlayer_lowered:
.L_overlay_start_2:
0x10d: {  	(tag) =	ssettag $0x2  }
0x10e: {  	s0 =	rddreg [dreg:$0x0];
	s2 =	stileid.u32  }
0x10f: {  	s1 =	rddreg [dreg:$0x1];
	p0 =	sne.s32 s2, $0x0  }
0x110: {  	s3 =	rddreg [dreg:$0x2];
	[bflag:$0x3] =	sbarrier.arrive $0xFFFF;
	s2 =	simm.s32 @!p0 $0x1C0D  }
0x111: {  	[timem:s3], [sflag:s2] =	dma.local @!p0 [hbm:s0], s1  }
0x112: {  	s0 =	simm.s32 @!p0 $0xD  }
0x113: {  	_ =	swait.ge @!p0 [sflag:s0], s1  }
0x114: {  	s1 =	ssub.s32 @!p0 $0x0, s1;
	[sflag:s0] =	ssyncset.done @!p0 $0x0  }
0x115: {  	[sflag:s0] =	ssyncadd.s32 @!p0 s1  }
0x116: {  	[bflag:$0x3] =	sbarrier.arrive $0xFFFF  }
0x117: {  	_ =	shalt  }

// kernel: kernel.14.cloned.1.call-start
scs
__scs_entry_jumppad:
0x0: {  	(pc) =	sbr.rel $0x88, $3  }
0x1: {  	(tag) =	ssettag $0x0;
	lr =	simm.s32 $0x1  }
0x2: {  	[smem:$0x3F9B] =	sst lr;
	_ =	strace $0xD0000000  }
0x3: {  	_ = 	snop  }
0x4: {  	_ = 	snop  }
0x5: {  	_ = 	snop  }
0x6: {  	_ = 	snop  }
0x7: {  	_ = 	snop  }
__scs_overlays_trampoline_lowered:
0x8: {  	[smem:$0x3FAA] =	sst s0  }
0x9: {  	[smem:$0x3FAB] =	sst s1  }
0xa: {  	[smem:$0x3FAC] =	sst s2  }
0xb: {  	[smem:$0x3FAD] =	sst s3  }
0xc: {  	[smem:$0x3FAE] =	sst s4  }
0xd: {  	[smem:$0x3FAF] =	sst s5  }
0xe: {  	[smem:$0x3FB0] =	sst s6  }
0xf: {  	[smem:$0x3FB1] =	sst s7  }
0x10: {  	[smem:$0x3FB2] =	sst s8  }
0x11: {  	[smem:$0x3FB3] =	sst s9;
	s0 =	simm.s32 @!p0 $0x0  }
0x12: {  	s1 =	sld [smem:$0x3F99];
	s0 =	simm.s32 @p0 $0x1  }
0x13: {  	[smem:$0x3FB4] =	sst s0;
	s0 =	simm.s32 @!p1 $0x0  }
0x14: {  	s2 =	sld [smem:$0x3F98];
	s0 =	simm.s32 @p1 $0x1  }
0x15: {  	[smem:$0x3FB5] =	sst s0;
	s0 =	simm.s32 @!p2 $0x0  }
0x16: {  	s3 =	sld [smem:$0x3FDB];
	s0 =	simm.s32 @p2 $0x1  }
0x17: {  	s4 =	simm.s32 $0x1BF5;
	[smem:$0x3FB7] =	sst s0  }
0x18: {  	s0 =	sld [smem:$0x3F9A];
	_ =	swait.ge [sflag:s4], $0x0  }
0x19: {  	s7 =	sld [smem:$0x3F9B]  }
0x1a: {  	s8 =	sadd.s32 $0xFFFFE003, lr  }
0x1b: {  	s9 =	sadd.s32 $0xFFFFFEF7, lr;
	s5 =	simm.s32 $0xFFFFFFFF;
	p2 =	slt.u32 s8, $0xFFFFF086  }
0x1c: {  	p1 =	slt.u32 s9, $0xF7A;
	s5 =	simm.s32 @!p2 $0x0  }
0x1d: {  	s5 =	simm.s32 @p1 $0x1;
	p0 =	seq.s32 s7, s2  }
0x1e: {  	s7 =	smul.u32 @!p0 $0xF7A, s2;
	p2 =	seq.s32 @!p0 s5, $0x0  }
0x1f: {  	s9 =	smul.u32 $0xF7A, s1;
	s8 =	simm.s32 @!p0 $0x1BF5;
	p2 =	por !p2, p0  }
0x20: {  	[sflag:s8] =	ssyncset.s32 @!p0 $0xFFFFF086;
	s6 =	sadd.s32 @!p0 s3, s7;
	s7 =	simm.s32 @!p0 $0x108  }
0x21: {  	s3 =	sadd.s32 s3, s9;
	s6 =	sadd.s32 @!p0 $0x88, s6;
	s7 =	simm.s32 @p2 $0x1082  }
0x22: {  	[simem:s7], [sflag:s8] =	dma.local @!p0 [hbm:s6], $0xF7A  }
0x23: {  	s9 =	sor.u32 $0xD0000000, s2;
	s6 =	simm.s32 $0x108;
	_ =	swait.ge @!p0 [sflag:s8], $0x0  }
0x24: {  	s3 =	sadd.s32 $0x88, s3;
	s6 =	simm.s32 @!p1 $0x1082;
	[sflag:s4] =	ssyncset.s32 $0xFFFFF086  }
0x25: {  	[simem:s6], [sflag:s4] =	dma.local [hbm:s3], $0xF7A  }
0x26: {  	[smem:$0x3F9B] =	sst s1;
	(tag) =	ssettag s2;
	_ =	strace s9  }
0x27: {  	s1 =	sld [smem:$0x3FAB]  }
0x28: {  	s2 =	sld [smem:$0x3FAC]  }
0x29: {  	s4 =	sld [smem:$0x3FAE]  }
0x2a: {  	p0 =	seq.s32 s5, $0x0;
	s5 =	sld [smem:$0x3FAF]  }
0x2b: {  	s6 =	sld [smem:$0x3FB0]  }
0x2c: {  	s7 =	sld [smem:$0x3FB1]  }
0x2d: {  	s3 =	simm.s32 $0x108;
	s8 =	sld [smem:$0x3FB2]  }
0x2e: {  	s3 =	simm.s32 @!p0 $0x1082;
	s9 =	sld [smem:$0x3FB3]  }
0x2f: {  	lr =	sadd.s32 s0, s3;
	s0 =	sld [smem:$0x3FAA]  }
0x30: {  	s3 =	sld [smem:$0x3FAD]  }
0x31: {  	[smem:$0x3FB6] =	sst s10  }
0x32: {  	s10 =	sld [smem:$0x3FB4];
	_ =	sdelay $0x3  }
0x33: {  	p0 =	seq.s32 s10, $0x1;
	s10 =	sld [smem:$0x3FB6];
	_ =	sdelay $0x3  }
0x34: {  	[smem:$0x3FB6] =	sst s10  }
0x35: {  	s10 =	sld [smem:$0x3FB5];
	_ =	sdelay $0x3  }
0x36: {  	p1 =	seq.s32 s10, $0x1;
	s10 =	sld [smem:$0x3FB6];
	_ =	sdelay $0x3  }
0x37: {  	[smem:$0x3FB6] =	sst s10  }
0x38: {  	s10 =	sld [smem:$0x3FB7]  }
0x39: {  	_ = 	snop;
	(pc) =	sbr.ind lr, $3  }
0x3a: {  	_ = 	snop  }
0x3b: {  	_ = 	snop  }
0x3c: {  	p2 =	seq.s32 s10, $0x1;
	s10 =	sld [smem:$0x3FB6]  }
0x3d: {  	_ =	shalt  }
0x3e: {  	_ =	shalt  }
0x3f: {  	_ =	shalt  }
0x40: {  	_ =	shalt  }
0x41: {  	_ =	shalt  }
0x42: {  	_ =	shalt  }
0x43: {  	_ =	shalt  }
0x44: {  	_ =	shalt  }
0x45: {  	_ =	shalt  }
0x46: {  	_ =	shalt  }
0x47: {  	_ =	shalt  }
0x48: {  	_ =	shalt  }
0x49: {  	_ =	shalt  }
0x4a: {  	_ =	shalt  }
0x4b: {  	_ =	shalt  }
0x4c: {  	_ =	shalt  }
0x4d: {  	_ =	shalt  }
0x4e: {  	_ =	shalt  }
0x4f: {  	_ =	shalt  }
0x50: {  	_ =	shalt  }
0x51: {  	_ =	shalt  }
0x52: {  	_ =	shalt  }
0x53: {  	_ =	shalt  }
0x54: {  	_ =	shalt  }
0x55: {  	_ =	shalt  }
0x56: {  	_ =	shalt  }
0x57: {  	_ =	shalt  }
0x58: {  	_ =	shalt  }
0x59: {  	_ =	shalt  }
0x5a: {  	_ =	shalt  }
0x5b: {  	_ =	shalt  }
0x5c: {  	_ =	shalt  }
0x5d: {  	_ =	shalt  }
0x5e: {  	_ =	shalt  }
0x5f: {  	_ =	shalt  }
0x60: {  	_ =	shalt  }
0x61: {  	_ =	shalt  }
0x62: {  	_ =	shalt  }
0x63: {  	_ =	shalt  }
0x64: {  	_ =	shalt  }
0x65: {  	_ =	shalt  }
0x66: {  	_ =	shalt  }
0x67: {  	_ =	shalt  }
0x68: {  	_ =	shalt  }
0x69: {  	_ =	shalt  }
0x6a: {  	_ =	shalt  }
0x6b: {  	_ =	shalt  }
0x6c: {  	_ =	shalt  }
0x6d: {  	_ =	shalt  }
0x6e: {  	_ =	shalt  }
0x6f: {  	_ =	shalt  }
0x70: {  	_ =	shalt  }
0x71: {  	_ =	shalt  }
0x72: {  	_ =	shalt  }
0x73: {  	_ =	shalt  }
0x74: {  	_ =	shalt  }
0x75: {  	_ =	shalt  }
0x76: {  	_ =	shalt  }
0x77: {  	_ =	shalt  }
0x78: {  	_ =	shalt  }
0x79: {  	_ =	shalt  }
0x7a: {  	_ =	shalt  }
0x7b: {  	_ =	shalt  }
0x7c: {  	_ =	shalt  }
0x7d: {  	_ =	shalt  }
0x7e: {  	_ =	shalt  }
0x7f: {  	_ =	shalt  }
0x80: {  	_ =	shalt  }
0x81: {  	_ =	shalt  }
0x82: {  	_ =	shalt  }
0x83: {  	_ =	shalt  }
0x84: {  	_ =	shalt  }
0x85: {  	_ =	shalt  }
0x86: {  	_ =	shalt  }
0x87: {  	_ =	shalt  }
.Lfunc_end0:
.L_simem_size_0:
called_computation.2_lowered:
.L_overlay_start_0:
0x88: {  	s2 =	sld [smem:$0x3FD9]  }
0x89: {  	s3 =	sld [smem:$0x3FFE];
	_ =	sdelay $0x1  }
0x8a: {  	s1 =	srdreg.scid  }
0x8b: {  	s0 =	sand.u32 $0x1, s1  }
0x8c: {  	s17 =	sshll.u32 s0, $0xA;
	s2 =	sadd.s32 s3, s2  }
0x8d: {  	s2 =	sadd.s32 s2, s17  }
0x8e: {  	[smem:$0x3FC2] =	sst s2  }
0x8f: {  	_ = 	snop  }
0x90: {  	s2 =	sld [smem:$0x3FD0];
	(tm) =	ssettm $0x1  }
0x91: {  	s18 =	sld [smem:$0x3FFB];
	_ =	sdelay $0x3  }
0x92: {  	_ =	strace s18  }
0x93: {  	s3 =	sld [smem:$0x3FFC];
	_ =	sdelay $0x3  }
0x94: {  	_ =	strace s3  }
0x95: {  	s3 =	sld [smem:$0x3FFD];
	_ =	sdelay $0x3  }
0x96: {  	_ =	strace s3  }
0x97: {  	_ =	strace $0x8FFFFFFF  }
0x98: {  	s19 =	sld [smem:$0x3FDB];
	_ =	sdelay $0x1  }
0x99: {  	s4 =	simm.s32 $_scs_section_size  }
0x9a: {  	s5 =	simm.s32 $_size__tile_overlayer_lowered;
	s6 =	simm.s32 $_tile_overlayer_lowered  }
0x9b: {  	s22 =	simm.s32 $0x1BFF;
	s21 =	sshll.u32 s6, $0x1;
	s3 =	sadd.s32 s4, s19  }
0x9c: {  	s7 =	simm.s32 $0x0;
	s20 =	sshll.u32 s5, $0x1;
	s5 =	sadd.s32 s21, s3  }
0x9d: {  	[timem:s7], [sflag:s22] =	dma.local [hbm:s5], s20  }
0x9e: {  	_ =	swait.ge [sflag:s22], s20  }
0x9f: {  	s4 =	ssub.s32 $0x0, s20;
	[sflag:s22] =	ssyncset.done $0x0  }
0xa0: {  	[sflag:s22] =	ssyncadd.s32 s4;
	_ =	sdelay $0x1  }
0xa1: {  	s23 =	simm.s32 $0x1B8B  }
0xa2: {  	_ =	swait.ge [sflag:s23], $0x1  }
0xa3: {  	[sflag:s23] =	ssyncset.done $0x0  }
0xa4: {  	s25 =	simm.s32 $0x1B8E;
	s24 =	sld [smem:$0x3FFE];
	[sflag:s23] =	ssyncadd.s32 $0xFFFFFFFF  }
0xa5: {  	s26 =	simm.s32 $execute0_lowered;
	[smem:$0x3FD2] =	sst s25  }
0xa6: {  	s5 =	sshll.u32 s26, $0x1;
	_ =	strace $0x8000004C;
	[dreg:$0x1] =	wrdreg $0xFFFFFFFF  }
0xa7: {  	s28 =	simm.s32 $_size_execute0_lowered;
	s3 =	sadd.s32 s3, s5;
	[dreg:$0x0] =	wrdreg $0x0  }
0xa8: {  	s5 =	sshll.u32 s28, $0x1;
	[dreg:$0x2] =	wrdreg s3  }
0xa9: {  	[dreg:$0x3] =	wrdreg s5  }
0xaa: {  	[dreg:$0x4] =	wrdreg $0xC0  }
0xab: {  	_ =	task [dreg:s7], $0x5FFFF  }
0xac: {  	[dreg:$0x1] =	wrdreg $0xFFFFFFFF  }
0xad: {  	[dreg:$0x0] =	wrdreg $0x60  }
0xae: {  	[dreg:$0x2] =	wrdreg s2  }
0xaf: {  	[dreg:$0x3] =	wrdreg s24  }
0xb0: {  	[dreg:$0x4] =	wrdreg $0x0  }
0xb1: {  	[dreg:$0x5] =	wrdreg $0x9  }
0xb2: {  	_ =	task.clear_ibuf [dreg:s7], $0x6FFFF;
	_ =	strace $0x9000004C  }
0xb3: {  	s29 =	simm.s32 $0x9;
	_ =	strace $0x8000004E  }
0xb4: {  	_ =	swait.ge [sflag:s29], $0x1  }
0xb5: {  	[sflag:s29] =	ssyncadd.s32 $0xFFFFFFFF  }
0xb6: {  	_ =	strace $0x9000004E  }
0xb7: {  	_ =	sfence  }
0xb8: {  	s30 =	sld [smem:$0x0];
	_ =	sdelay $0x2  }
0xb9: {  	s31 =	sshll.u32 s1, $0xD;
	s1 =	sshrl.u32 s1, $0x2  }
0xba: {  	s3 =	sand.u32 $0x4000, s31;
	s1 =	sadd.s32 s1, s30  }
0xbb: {  	s0 =	sor.u32 s3, s0;
	s1 =	sshll.u32 s1, $0x11  }
0xbc: {  	s0 =	sor.u32 s1, s0  }
0xbd: {  	s0 =	sadd.s32 $0x8F2B, s0  }
0xbe: {  	[sflag:s0] =	ssyncadd.remote.s32 $0x1  }
0xbf: {  	_ =	sfence.sel $0xFFFF  }
0xc0: {  	[dreg:$0x0] =	wrdreg $0xFFFFFFFF;
	(pc) =	sbr.abs _section_cstart, $3  }
0xc1: {  	[dreg:$0x1] =	wrdreg $0xFFFFFFFF  }
0xc2: {  	_ =	task.clear_ibuf [dreg:s7], $0x2FFFF;
	_ =	strace $0x9FFFFFFF  }
0xc3: {  	(tm) =	ssettm $0x7FFFFFFF  }
tec
execute0_lowered:
.L_overlay_start_1:
0x0: {  	(tag) =	ssettag $0x1  }
0x1: {  	s0 =	srdreg.scid;
	s1 =	rddreg [dreg:$0x0]  }
0x2: {  	s12 =	stileid.u32;
	s2 =	rddreg [dreg:$0x1]  }
0x3: {  	s3 =	rddreg [dreg:$0x2];
	s15 =	simm.s32 $0xD;
	s16 =	simm.s32 $0x16000  }
0x4: {  	s28 =	simm.s32 $0x1C380;
	s29 =	simm.s32 $0x1;
	s19 =	smul.u32 $0x4F000, s12  }
0x5: {  	s31 =	simm.s32 $0x1D780;
	s30 =	simm.s32 $0x7;
	s11 =	smul.u32 $0x2780, s12  }
0x6: {  	s13 =	simm.s32 $0xC;
	s0 =	sand.u32 $0x1, s0;
	s21 =	smul.u32 $0x13C00, s12  }
0x7: {  	s4 =	sshrl.u32 s12, $0x3;
	s7 =	sshll.u32 s12, $0x7;
	s5 =	smul.u32 $0x27800, s0  }
0x8: {  	p0 =	seq.s32 s12, $0xF;
	s6 =	smul.u32 $0x13C00, s4;
	s4 =	simm.s32 $0x0  }
0x9: {  	s7 =	sand.u32 $0x380, s7;
	s8 =	ssub.s32 $0x2, s0;
	s9 =	smul.u32 $0x27100, s0  }
0xa: {  	s0 =	smul.u32 $0x138800, s0;
	[smem:$0x7FF] =	sst s4;
	s10 =	sshrl.u32 s8, $0x1  }
0xb: {  	s20 =	sshrl.u32 s19, $0x2;
	s5 =	sadd.s32 s5, s6;
	_ =	strace $0x8000004D  }
0xc: {  	s6 =	sor.u32 s7, s6;
	s8 =	ssub.s32 s8, s10;
	s22 =	sadd.s32 s11, s9  }
0xd: {  	s23 =	sshrl.u32 s0, $0x3;
	s0 =	sadd.s32 s21, s0;
	s21 =	simm.s32 $0x18780  }
0xe: {  	s11 =	simm.s32 $0x13880;
	s5 =	sor.u32 s7, s5;
	s6 =	sshrl.u32 s6, $0x3  }
0xf: {  	s7 =	sadd.s32 $0x128400, s3;
	s0 =	sshrl.u32 s0, $0x3;
	s26 =	smax.u32 s8, $0x1  }
0x10: {  	s8 =	simm.s32 $0xB;
	s5 =	sshrl.u32 s5, $0x3;
	s6 =	sadd.s32 s6, s2  }
0x11: {  	[dreg:$0xa] =	wrdreg s26;
	s17 =	sshrl.u32 @p0 s7, $0x3;
	s26 =	simm.s32 $0x3  }
0x12: {  	s7 =	simm.s32 $0x6;
	s5 =	sadd.s32 s5, s2;
	s6 =	sadd.s32 $0x31C00, s6  }
0x13: {  	s2 =	sadd.s32 $0x40A00, s2;
	s5 =	sadd.s32 $0x36C00, s5;
	[dreg:$0x5] =	wrdreg s6  }
0x14: {  	s6 =	sadd.s32 s1, s22;
	s0 =	sadd.s32 s2, s0;
	[dreg:$0x4] =	wrdreg s5  }
0x15: {  	s22 =	simm.s32 $0x1EB80;
	s5 =	sadd.s32 s20, s3;
	[dreg:$0x6] =	wrdreg s6  }
0x16: {  	s6 =	sadd.s32 $0x25080, s23;
	[dreg:$0x8] =	wrdreg s0;
	s0 =	sshll.u32 @!p0 s12, $0x6  }
0x17: {  	s20 =	simm.s32 $0x28;
	s23 =	simm.s32 $0x19B80;
	s12 =	simm.s32 $0xA  }
0x18: {  	s24 =	sadd.s32 s1, s6;
	s25 =	sadd.s32 s2, s6;
	s18 =	sor.u32 @!p0 $0x1C0D, s0  }
0x19: {  	s19 =	sshrl.u32 @!p0 s5, $0x3;
	s2 =	simm.s32 $0x2;
	s0 =	simm.s32 $0x4  }
0x1a: {  	s5 =	simm.s32 $0x5;
	s6 =	simm.s32 $0x9;
	[dreg:$0x7] =	wrdreg s24  }
0x1b: {  	[dreg:$0x9] =	wrdreg s25;
	s25 =	simm.s32 $0x1AF80;
	s24 =	simm.s32 $0x8  }
.LBB2_1:
0x1c: {  	s9 =	rddreg [dreg:$0x4];
	s10 =	simm.s32 $0x80;
	s14 =	simm.s32 $0x400  }
0x1d: {  	[tilespmem:s11], [sflag:$0xD] =	stream.strided.gather [hbm4b:s9+s10], $0x2780, s14, s10, $0x38;
	[tilespmem:$0x1FF80] =	vst v63  }
0x1e: {  	_ =	swait.ge [sflag:s15], $0x2780  }
0x1f: {  	[sflag:s15] =	ssyncset.done $0x0  }
0x20: {  	s9 =	rddreg [dreg:$0x5];
	[sflag:s15] =	ssyncadd.s32 $0xFFFFD880  }
0x21: {  	[tilespmem:s16], [sflag:$0xD] =	stream.strided.gather [hbm4b:s9+s10], $0x2780, s14, s10, $0x38;
	[tilespmem:$0x1FF80] =	vst v63  }
0x22: {  	_ =	swait.ge [sflag:s15], $0x2780  }
0x23: {  	[sflag:s15] =	ssyncset.done $0x0  }
0x24: {  	s9 =	simm.s32 @p0 $0x1FCD;
	s10 =	rddreg [dreg:$0x7];
	[sflag:s15] =	ssyncadd.s32 $0xFFFFD880  }
0x25: {  	[spmem:s17], [sflag:s9] =	dma.local @p0 [hbm:s10], $0x2080  }
0x26: {  	s9 =	simm.s32 @p0 $0xD  }
0x27: {  	_ =	swait.ge @p0 [sflag:s9], $0x2080  }
0x28: {  	[sflag:s9] =	ssyncset.done @p0 $0x0  }
0x29: {  	[sflag:s9] =	ssyncadd.s32 @p0 $0xFFFFDF80;
	s9 =	rddreg [dreg:$0x6]  }
0x2a: {  	[spmem:s19], [sflag:s18] =	dma.local @!p0 [hbm:s9], $0x2780  }
0x2b: {  	s9 =	simm.s32 @!p0 $0xD  }
0x2c: {  	_ =	swait.ge @!p0 [sflag:s9], $0x2780  }
0x2d: {  	[sflag:s9] =	ssyncset.done @!p0 $0x0  }
0x2e: {  	[sflag:s9] =	ssyncadd.s32 @!p0 $0xFFFFD880  }
0x2f: {  	[bflag:$0x0] =	sbarrier.arrive $0xFFFF  }
0x30: {  	[tilespmem:s21], [sflag:$0x1] =	stream.indirect.gather [hbm4b:s1+s20], $0x80, s11, s20, $0xb8;
	[tilespmem:$0x1FF80] =	vst v63  }
0x31: {  	s14 =	simm.s32 $0x138A8  }
0x32: {  	[tilespmem:s23], [sflag:$0x2] =	stream.indirect.gather [hbm4b:s1+s20], $0x80, s14, s20, $0xb8;
	[tilespmem:$0x1FF80] =	vst v63  }
0x33: {  	s10 =	simm.s32 $0x138D0  }
0x34: {  	[tilespmem:s25], [sflag:$0x3] =	stream.indirect.gather [hbm4b:s1+s20], $0x80, s10, s20, $0xb8;
	[tilespmem:$0x1FF80] =	vst v63  }
0x35: {  	s14 =	simm.s32 $0x138F8  }
0x36: {  	[tilespmem:s28], [sflag:$0x4] =	stream.indirect.gather [hbm4b:s1+s20], $0x80, s14, s20, $0xb8;
	[tilespmem:$0x1FF80] =	vst v63  }
0x37: {  	_ =	swait.ge [sflag:s29], $0x1400  }
0x38: {  	[sflag:s29] =	ssyncset.done $0x0  }
0x39: {  	s10 =	simm.s32 $0x13920;
	[sflag:s29] =	ssyncadd.s32 $0xFFFFEC00  }
0x3a: {  	[tilespmem:s31], [sflag:$0x5] =	stream.indirect.gather [hbm4b:s1+s20], $0x80, s10, s20, $0xb8;
	[tilespmem:$0x1FF80] =	vst v63  }
0x3b: {  	_ = 	snop  }
0x3c: {  	[spmem:s3] =	stream.indirect.scatter.add.f32 [tilespmem:s21], [sflag:$0x7], $0x80, s16, s20, $0xb8;
	[tilespmem:$0x1FF80] =	vst v63  }
0x3d: {  	_ =	swait.ge [sflag:s2], $0x1400  }
0x3e: {  	[sflag:s2] =	ssyncset.done $0x0  }
0x3f: {  	s14 =	simm.s32 $0x13948;
	[sflag:s2] =	ssyncadd.s32 $0xFFFFEC00  }
0x40: {  	[tilespmem:s22], [sflag:$0x6] =	stream.indirect.gather [hbm4b:s1+s20], $0x80, s14, s20, $0xb8;
	[tilespmem:$0x1FF80] =	vst v63  }
0x41: {  	s10 =	simm.s32 $0x16028  }
0x42: {  	[spmem:s3] =	stream.indirect.scatter.add.f32 [tilespmem:s23], [sflag:$0x8], $0x80, s10, s20, $0xb8;
	[tilespmem:$0x1FF80] =	vst v63  }
0x43: {  	_ =	swait.ge [sflag:s26], $0x1400  }
0x44: {  	[sflag:s26] =	ssyncset.done $0x0  }
0x45: {  	[sflag:s26] =	ssyncadd.s32 $0xFFFFEC00  }
0x46: {  	_ =	swait.ge [sflag:s30], $0x1400  }
0x47: {  	[sflag:s30] =	ssyncset.done $0x0  }
0x48: {  	s14 =	simm.s32 $0x13970;
	[sflag:s30] =	ssyncadd.s32 $0xFFFFEC00  }
0x49: {  	[tilespmem:s21], [sflag:$0x1] =	stream.indirect.gather [hbm4b:s1+s20], $0x80, s14, s20, $0xb8;
	[tilespmem:$0x1FF80] =	vst v63  }
0x4a: {  	s10 =	simm.s32 $0x16050  }
0x4b: {  	[spmem:s3] =	stream.indirect.scatter.add.f32 [tilespmem:s25], [sflag:$0x9], $0x80, s10, s20, $0xb8;
	[tilespmem:$0x1FF80] =	vst v63  }
0x4c: {  	_ =	swait.ge [sflag:s0], $0x1400  }
0x4d: {  	[sflag:s0] =	ssyncset.done $0x0  }
0x4e: {  	[sflag:s0] =	ssyncadd.s32 $0xFFFFEC00  }
0x4f: {  	_ =	swait.ge [sflag:s24], $0x1400  }
0x50: {  	[sflag:s24] =	ssyncset.done $0x0  }
0x51: {  	s14 =	simm.s32 $0x13998;
	[sflag:s24] =	ssyncadd.s32 $0xFFFFEC00  }
0x52: {  	[tilespmem:s23], [sflag:$0x2] =	stream.indirect.gather [hbm4b:s1+s20], $0x80, s14, s20, $0xb8;
	[tilespmem:$0x1FF80] =	vst v63  }
0x53: {  	s10 =	simm.s32 $0x16078  }
0x54: {  	[spmem:s3] =	stream.indirect.scatter.add.f32 [tilespmem:s28], [sflag:$0xA], $0x80, s10, s20, $0xb8;
	[tilespmem:$0x1FF80] =	vst v63  }
0x55: {  	_ =	swait.ge [sflag:s5], $0x1400  }
0x56: {  	[sflag:s5] =	ssyncset.done $0x0  }
0x57: {  	[sflag:s5] =	ssyncadd.s32 $0xFFFFEC00  }
0x58: {  	_ =	swait.ge [sflag:s6], $0x1400  }
0x59: {  	[sflag:s6] =	ssyncset.done $0x0  }
0x5a: {  	s14 =	simm.s32 $0x139C0;
	[sflag:s6] =	ssyncadd.s32 $0xFFFFEC00  }
0x5b: {  	[tilespmem:s25], [sflag:$0x3] =	stream.indirect.gather [hbm4b:s1+s20], $0x80, s14, s20, $0xb8;
	[tilespmem:$0x1FF80] =	vst v63  }
0x5c: {  	s10 =	simm.s32 $0x160A0  }
0x5d: {  	[spmem:s3] =	stream.indirect.scatter.add.f32 [tilespmem:s31], [sflag:$0xB], $0x80, s10, s20, $0xb8;
	[tilespmem:$0x1FF80] =	vst v63  }
0x5e: {  	_ =	swait.ge [sflag:s7], $0x1400  }
0x5f: {  	[sflag:s7] =	ssyncset.done $0x0  }
0x60: {  	[sflag:s7] =	ssyncadd.s32 $0xFFFFEC00  }
0x61: {  	_ =	swait.ge [sflag:s12], $0x1400  }
0x62: {  	[sflag:s12] =	ssyncset.done $0x0  }
0x63: {  	s14 =	simm.s32 $0x139E8;
	[sflag:s12] =	ssyncadd.s32 $0xFFFFEC00  }
0x64: {  	[tilespmem:s28], [sflag:$0x4] =	stream.indirect.gather [hbm4b:s1+s20], $0x80, s14, s20, $0xb8;
	[tilespmem:$0x1FF80] =	vst v63  }
0x65: {  	s10 =	simm.s32 $0x160C8  }
0x66: {  	[spmem:s3] =	stream.indirect.scatter.add.f32 [tilespmem:s22], [sflag:$0xC], $0x80, s10, s20, $0xb8;
	[tilespmem:$0x1FF80] =	vst v63  }
0x67: {  	_ =	swait.ge [sflag:s29], $0x1400  }
0x68: {  	[sflag:s29] =	ssyncset.done $0x0  }
0x69: {  	[sflag:s29] =	ssyncadd.s32 $0xFFFFEC00  }
0x6a: {  	_ =	swait.ge [sflag:s8], $0x1400  }
0x6b: {  	[sflag:s8] =	ssyncset.done $0x0  }
0x6c: {  	s14 =	simm.s32 $0x13A10;
	[sflag:s8] =	ssyncadd.s32 $0xFFFFEC00  }
0x6d: {  	[tilespmem:s31], [sflag:$0x5] =	stream.indirect.gather [hbm4b:s1+s20], $0x80, s14, s20, $0xb8;
	[tilespmem:$0x1FF80] =	vst v63  }
0x6e: {  	s10 =	simm.s32 $0x160F0  }
0x6f: {  	[spmem:s3] =	stream.indirect.scatter.add.f32 [tilespmem:s21], [sflag:$0x7], $0x80, s10, s20, $0xb8;
	[tilespmem:$0x1FF80] =	vst v63  }
0x70: {  	_ =	swait.ge [sflag:s2], $0x1400  }
0x71: {  	[sflag:s2] =	ssyncset.done $0x0  }
0x72: {  	[sflag:s2] =	ssyncadd.s32 $0xFFFFEC00  }
0x73: {  	_ =	swait.ge [sflag:s13], $0x1400  }
0x74: {  	[sflag:s13] =	ssyncset.done $0x0  }
0x75: {  	s14 =	simm.s32 $0x13A38;
	[sflag:s13] =	ssyncadd.s32 $0xFFFFEC00  }
0x76: {  	[tilespmem:s22], [sflag:$0x6] =	stream.indirect.gather [hbm4b:s1+s20], $0x80, s14, s20, $0xb8;
	[tilespmem:$0x1FF80] =	vst v63  }
0x77: {  	s10 =	simm.s32 $0x16118  }
0x78: {  	[spmem:s3] =	stream.indirect.scatter.add.f32 [tilespmem:s23], [sflag:$0x8], $0x80, s10, s20, $0xb8;
	[tilespmem:$0x1FF80] =	vst v63  }
0x79: {  	_ =	swait.ge [sflag:s26], $0x1400  }
0x7a: {  	[sflag:s26] =	ssyncset.done $0x0  }
0x7b: {  	[sflag:s26] =	ssyncadd.s32 $0xFFFFEC00  }
0x7c: {  	_ =	swait.ge [sflag:s30], $0x1400  }
0x7d: {  	[sflag:s30] =	ssyncset.done $0x0  }
0x7e: {  	s14 =	simm.s32 $0x13A60;
	[sflag:s30] =	ssyncadd.s32 $0xFFFFEC00  }
0x7f: {  	[tilespmem:s21], [sflag:$0x1] =	stream.indirect.gather [hbm4b:s1+s20], $0x80, s14, s20, $0xb8;
	[tilespmem:$0x1FF80] =	vst v63  }
0x80: {  	s10 =	simm.s32 $0x16140  }
0x81: {  	[spmem:s3] =	stream.indirect.scatter.add.f32 [tilespmem:s25], [sflag:$0x9], $0x80, s10, s20, $0xb8;
	[tilespmem:$0x1FF80] =	vst v63  }
0x82: {  	_ =	swait.ge [sflag:s0], $0x1400  }
0x83: {  	[sflag:s0] =	ssyncset.done $0x0  }
0x84: {  	[sflag:s0] =	ssyncadd.s32 $0xFFFFEC00  }
0x85: {  	_ =	swait.ge [sflag:s24], $0x1400  }
0x86: {  	[sflag:s24] =	ssyncset.done $0x0  }
0x87: {  	s14 =	simm.s32 $0x13A88;
	[sflag:s24] =	ssyncadd.s32 $0xFFFFEC00  }
0x88: {  	[tilespmem:s23], [sflag:$0x2] =	stream.indirect.gather [hbm4b:s1+s20], $0x80, s14, s20, $0xb8;
	[tilespmem:$0x1FF80] =	vst v63  }
0x89: {  	s10 =	simm.s32 $0x16168  }
0x8a: {  	[spmem:s3] =	stream.indirect.scatter.add.f32 [tilespmem:s28], [sflag:$0xA], $0x80, s10, s20, $0xb8;
	[tilespmem:$0x1FF80] =	vst v63  }
0x8b: {  	_ =	swait.ge [sflag:s5], $0x1400  }
0x8c: {  	[sflag:s5] =	ssyncset.done $0x0  }
0x8d: {  	[sflag:s5] =	ssyncadd.s32 $0xFFFFEC00  }
0x8e: {  	_ =	swait.ge [sflag:s6], $0x1400  }
0x8f: {  	[sflag:s6] =	ssyncset.done $0x0  }
0x90: {  	s14 =	simm.s32 $0x13AB0;
	[sflag:s6] =	ssyncadd.s32 $0xFFFFEC00  }
0x91: {  	[tilespmem:s25], [sflag:$0x3] =	stream.indirect.gather [hbm4b:s1+s20], $0x80, s14, s20, $0xb8;
	[tilespmem:$0x1FF80] =	vst v63  }
0x92: {  	s10 =	simm.s32 $0x16190  }
0x93: {  	[spmem:s3] =	stream.indirect.scatter.add.f32 [tilespmem:s31], [sflag:$0xB], $0x80, s10, s20, $0xb8;
	[tilespmem:$0x1FF80] =	vst v63  }
0x94: {  	_ =	swait.ge [sflag:s7], $0x1400  }
0x95: {  	[sflag:s7] =	ssyncset.done $0x0  }
0x96: {  	[sflag:s7] =	ssyncadd.s32 $0xFFFFEC00  }
0x97: {  	_ =	swait.ge [sflag:s12], $0x1400  }
0x98: {  	[sflag:s12] =	ssyncset.done $0x0  }
0x99: {  	s14 =	simm.s32 $0x13AD8;
	[sflag:s12] =	ssyncadd.s32 $0xFFFFEC00  }
0x9a: {  	[tilespmem:s28], [sflag:$0x4] =	stream.indirect.gather [hbm4b:s1+s20], $0x80, s14, s20, $0xb8;
	[tilespmem:$0x1FF80] =	vst v63  }
0x9b: {  	s9 =	simm.s32 $0x3C0;
	s14 =	simm.s32 $0x161B8  }
.LBB2_2:
0x9c: {  	[spmem:s3] =	stream.indirect.scatter.add.f32 [tilespmem:s22], [sflag:$0xC], $0x80, s14, s20, $0xb8;
	[tilespmem:$0x1FF80] =	vst v63  }
0x9d: {  	s14 =	smov.u32 s9  }
0x9e: {  	p1 =	sne.s32 s9, $0x9240;
	s9 =	sadd.s32 $0x3C0, s9;
	_ =	swait.ge [sflag:s29], $0x1400  }
0x9f: {  	[sflag:s29] =	ssyncset.done $0x0  }
0xa0: {  	[sflag:s29] =	ssyncadd.s32 $0xFFFFEC00  }
0xa1: {  	_ =	swait.ge [sflag:s8], $0x1400  }
0xa2: {  	s14 =	sshra.s32 s14, $0x2;
	[sflag:s8] =	ssyncset.done $0x0  }
0xa3: {  	s10 =	sadd.s32 $0x13A10, s14;
	[sflag:s8] =	ssyncadd.s32 $0xFFFFEC00  }
0xa4: {  	[tilespmem:s31], [sflag:$0x5] =	stream.indirect.gather [hbm4b:s1+s20], $0x80, s10, s20, $0xb8;
	[tilespmem:$0x1FF80] =	vst v63  }
0xa5: {  	s10 =	sadd.s32 $0x160F0, s14  }
0xa6: {  	[spmem:s3] =	stream.indirect.scatter.add.f32 [tilespmem:s21], [sflag:$0x7], $0x80, s10, s20, $0xb8;
	[tilespmem:$0x1FF80] =	vst v63  }
0xa7: {  	_ =	swait.ge [sflag:s2], $0x1400  }
0xa8: {  	[sflag:s2] =	ssyncset.done $0x0  }
0xa9: {  	[sflag:s2] =	ssyncadd.s32 $0xFFFFEC00  }
0xaa: {  	_ =	swait.ge [sflag:s13], $0x1400  }
0xab: {  	[sflag:s13] =	ssyncset.done $0x0  }
0xac: {  	s10 =	sadd.s32 $0x13A38, s14;
	[sflag:s13] =	ssyncadd.s32 $0xFFFFEC00  }
0xad: {  	[tilespmem:s22], [sflag:$0x6] =	stream.indirect.gather [hbm4b:s1+s20], $0x80, s10, s20, $0xb8;
	[tilespmem:$0x1FF80] =	vst v63  }
0xae: {  	s10 =	sadd.s32 $0x16118, s14  }
0xaf: {  	[spmem:s3] =	stream.indirect.scatter.add.f32 [tilespmem:s23], [sflag:$0x8], $0x80, s10, s20, $0xb8;
	[tilespmem:$0x1FF80] =	vst v63  }
0xb0: {  	_ =	swait.ge [sflag:s26], $0x1400  }
0xb1: {  	[sflag:s26] =	ssyncset.done $0x0  }
0xb2: {  	[sflag:s26] =	ssyncadd.s32 $0xFFFFEC00  }
0xb3: {  	_ =	swait.ge [sflag:s30], $0x1400  }
0xb4: {  	[sflag:s30] =	ssyncset.done $0x0  }
0xb5: {  	s10 =	sadd.s32 $0x13A60, s14;
	[sflag:s30] =	ssyncadd.s32 $0xFFFFEC00  }
0xb6: {  	[tilespmem:s21], [sflag:$0x1] =	stream.indirect.gather [hbm4b:s1+s20], $0x80, s10, s20, $0xb8;
	[tilespmem:$0x1FF80] =	vst v63  }
0xb7: {  	s10 =	sadd.s32 $0x16140, s14  }
0xb8: {  	[spmem:s3] =	stream.indirect.scatter.add.f32 [tilespmem:s25], [sflag:$0x9], $0x80, s10, s20, $0xb8;
	[tilespmem:$0x1FF80] =	vst v63  }
0xb9: {  	_ =	swait.ge [sflag:s0], $0x1400  }
0xba: {  	[sflag:s0] =	ssyncset.done $0x0  }
0xbb: {  	[sflag:s0] =	ssyncadd.s32 $0xFFFFEC00  }
0xbc: {  	_ =	swait.ge [sflag:s24], $0x1400  }
0xbd: {  	[sflag:s24] =	ssyncset.done $0x0  }
0xbe: {  	s10 =	sadd.s32 $0x13A88, s14;
	[sflag:s24] =	ssyncadd.s32 $0xFFFFEC00  }
0xbf: {  	[tilespmem:s23], [sflag:$0x2] =	stream.indirect.gather [hbm4b:s1+s20], $0x80, s10, s20, $0xb8;
	[tilespmem:$0x1FF80] =	vst v63  }
0xc0: {  	s10 =	sadd.s32 $0x16168, s14  }
0xc1: {  	[spmem:s3] =	stream.indirect.scatter.add.f32 [tilespmem:s28], [sflag:$0xA], $0x80, s10, s20, $0xb8;
	[tilespmem:$0x1FF80] =	vst v63  }
0xc2: {  	_ =	swait.ge [sflag:s5], $0x1400  }
0xc3: {  	[sflag:s5] =	ssyncset.done $0x0  }
0xc4: {  	[sflag:s5] =	ssyncadd.s32 $0xFFFFEC00  }
0xc5: {  	_ =	swait.ge [sflag:s6], $0x1400  }
0xc6: {  	[sflag:s6] =	ssyncset.done $0x0  }
0xc7: {  	s10 =	sadd.s32 $0x13AB0, s14;
	[sflag:s6] =	ssyncadd.s32 $0xFFFFEC00  }
0xc8: {  	[tilespmem:s25], [sflag:$0x3] =	stream.indirect.gather [hbm4b:s1+s20], $0x80, s10, s20, $0xb8;
	[tilespmem:$0x1FF80] =	vst v63  }
0xc9: {  	s10 =	sadd.s32 $0x16190, s14  }
0xca: {  	[spmem:s3] =	stream.indirect.scatter.add.f32 [tilespmem:s31], [sflag:$0xB], $0x80, s10, s20, $0xb8;
	[tilespmem:$0x1FF80] =	vst v63  }
0xcb: {  	_ =	swait.ge [sflag:s7], $0x1400  }
0xcc: {  	[sflag:s7] =	ssyncset.done $0x0  }
0xcd: {  	[sflag:s7] =	ssyncadd.s32 $0xFFFFEC00  }
.Ltmp0:
0xce: {  	_ =	swait.ge [sflag:s12], $0x1400;
	(pc) =	sbr.rel @p1 .LBB2_2-.Ltmp0, $4  }
0xcf: {  	[sflag:s12] =	ssyncset.done $0x0  }
0xd0: {  	s10 =	sadd.s32 $0x13AD8, s14;
	[sflag:s12] =	ssyncadd.s32 $0xFFFFEC00  }
0xd1: {  	[tilespmem:s28], [sflag:$0x4] =	stream.indirect.gather [hbm4b:s1+s20], $0x80, s10, s20, $0xb8;
	[tilespmem:$0x1FF80] =	vst v63  }
0xd2: {  	s14 =	sadd.s32 $0x161B8, s14  }
0xd3: {  	[spmem:s3] =	stream.indirect.scatter.add.f32 [tilespmem:s22], [sflag:$0xC], $0x80, s14, s20, $0xb8;
	[tilespmem:$0x1FF80] =	vst v63  }
0xd4: {  	_ =	swait.ge [sflag:s29], $0x1400  }
0xd5: {  	[sflag:s29] =	ssyncset.done $0x0  }
0xd6: {  	[sflag:s29] =	ssyncadd.s32 $0xFFFFEC00  }
0xd7: {  	_ =	swait.ge [sflag:s8], $0x1400  }
0xd8: {  	[sflag:s8] =	ssyncset.done $0x0  }
0xd9: {  	s9 =	simm.s32 $0x18670;
	[sflag:s8] =	ssyncadd.s32 $0xFFFFEC00  }
0xda: {  	[spmem:s3] =	stream.indirect.scatter.add.f32 [tilespmem:s21], [sflag:$0x7], $0x80, s9, s20, $0xb8;
	[tilespmem:$0x1FF80] =	vst v63  }
0xdb: {  	_ =	swait.ge [sflag:s2], $0x1400  }
0xdc: {  	[sflag:s2] =	ssyncset.done $0x0  }
0xdd: {  	[sflag:s2] =	ssyncadd.s32 $0xFFFFEC00  }
0xde: {  	_ =	swait.ge [sflag:s13], $0x1400  }
0xdf: {  	[sflag:s13] =	ssyncset.done $0x0  }
0xe0: {  	s10 =	simm.s32 $0x18698;
	[sflag:s13] =	ssyncadd.s32 $0xFFFFEC00  }
0xe1: {  	[spmem:s3] =	stream.indirect.scatter.add.f32 [tilespmem:s23], [sflag:$0x8], $0x80, s10, s20, $0xb8;
	[tilespmem:$0x1FF80] =	vst v63  }
0xe2: {  	_ =	swait.ge [sflag:s26], $0x1400  }
0xe3: {  	[sflag:s26] =	ssyncset.done $0x0  }
0xe4: {  	[sflag:s26] =	ssyncadd.s32 $0xFFFFEC00  }
0xe5: {  	_ =	swait.ge [sflag:s30], $0x1400  }
0xe6: {  	[sflag:s30] =	ssyncset.done $0x0  }
0xe7: {  	s14 =	simm.s32 $0x186C0;
	[sflag:s30] =	ssyncadd.s32 $0xFFFFEC00  }
0xe8: {  	[spmem:s3] =	stream.indirect.scatter.add.f32 [tilespmem:s25], [sflag:$0x9], $0x80, s14, s20, $0xb8;
	[tilespmem:$0x1FF80] =	vst v63  }
0xe9: {  	_ =	swait.ge [sflag:s0], $0x1400  }
0xea: {  	[sflag:s0] =	ssyncset.done $0x0  }
0xeb: {  	[sflag:s0] =	ssyncadd.s32 $0xFFFFEC00  }
0xec: {  	_ =	swait.ge [sflag:s24], $0x1400  }
0xed: {  	[sflag:s24] =	ssyncset.done $0x0  }
0xee: {  	s10 =	simm.s32 $0x186E8;
	[sflag:s24] =	ssyncadd.s32 $0xFFFFEC00  }
0xef: {  	[spmem:s3] =	stream.indirect.scatter.add.f32 [tilespmem:s28], [sflag:$0xA], $0x80, s10, s20, $0xb8;
	[tilespmem:$0x1FF80] =	vst v63  }
0xf0: {  	_ =	swait.ge [sflag:s6], $0x1400  }
0xf1: {  	[sflag:s6] =	ssyncset.done $0x0  }
0xf2: {  	[sflag:s6] =	ssyncadd.s32 $0xFFFFEC00  }
0xf3: {  	_ =	swait.ge [sflag:s12], $0x1400  }
0xf4: {  	[sflag:s12] =	ssyncset.done $0x0  }
0xf5: {  	[sflag:s12] =	ssyncadd.s32 $0xFFFFEC00  }
0xf6: {  	[bflag:$0x0] =	sbarrier.arrive $0xFFFF  }
0xf7: {  	s9 =	simm.s32 @p0 $0x1FCD;
	s10 =	rddreg [dreg:$0x9]  }
0xf8: {  	[hbm:s10], [sflag:s9] =	dma.local @p0 [spmem:s17], $0x2080  }
0xf9: {  	s9 =	simm.s32 @p0 $0xD  }
0xfa: {  	_ =	swait.ge @p0 [sflag:s9], $0x2080  }
0xfb: {  	[sflag:s9] =	ssyncset.done @p0 $0x0  }
0xfc: {  	[sflag:s9] =	ssyncadd.s32 @p0 $0xFFFFDF80;
	s9 =	rddreg [dreg:$0x8]  }
0xfd: {  	[hbm:s9], [sflag:s18] =	dma.local @!p0 [spmem:s19], $0x2780  }
0xfe: {  	s9 =	simm.s32 @!p0 $0xD  }
0xff: {  	_ =	swait.ge @!p0 [sflag:s9], $0x2780  }
0x100: {  	s4 =	sadd.s32 $0x1, s4;
	s14 =	rddreg [dreg:$0xa]  }
0x101: {  	p1 =	sne.s32 s4, s14  }
.Ltmp1:
0x102: {  	_ = 	snop;
	(pc) =	sbr.rel @p1 .LBB2_1-.Ltmp1, $3  }
0x103: {  	_ =	sdelay $0x1  }
0x104: {  	[sflag:s9] =	ssyncset.done @!p0 $0x0  }
0x105: {  	[sflag:s9] =	ssyncadd.s32 @!p0 $0xFFFFD880  }
0x106: {  	_ =	sfence.sel $0x180000  }
0x107: {  	[bflag:$0x0] =	sbarrier.arrive $0xFFFF  }
0x108: {  	_ =	strace $0x9000004D  }
0x109: {  	s0 =	stileid.u32;
	[bflag:$0x2] =	sbarrier.arrive $0xFFFF  }
0x10a: {  	p0 =	sne.s32 s0, $0x0;
	s0 =	rddreg [dreg:$0x3]  }
0x10b: {  	s0 =	sadd.s32 @!p0 $0x100000, s0  }
0x10c: {  	[sflag:s0] =	ssyncadd.tile.s32 @!p0 $0x1;
	_ =	shalt  }
.Lfunc_end2:
_tile_overlayer_lowered:
.L_overlay_start_2:
0x10d: {  	(tag) =	ssettag $0x2  }
0x10e: {  	s0 =	rddreg [dreg:$0x0];
	s2 =	stileid.u32  }
0x10f: {  	s1 =	rddreg [dreg:$0x1];
	p0 =	sne.s32 s2, $0x0  }
0x110: {  	s3 =	rddreg [dreg:$0x2];
	[bflag:$0x3] =	sbarrier.arrive $0xFFFF;
	s2 =	simm.s32 @!p0 $0x1C0D  }
0x111: {  	[timem:s3], [sflag:s2] =	dma.local @!p0 [hbm:s0], s1  }
0x112: {  	s0 =	simm.s32 @!p0 $0xD  }
0x113: {  	_ =	swait.ge @!p0 [sflag:s0], s1  }
0x114: {  	s1 =	ssub.s32 @!p0 $0x0, s1;
	[sflag:s0] =	ssyncset.done @!p0 $0x0  }
0x115: {  	[sflag:s0] =	ssyncadd.s32 @!p0 s1  }
0x116: {  	[bflag:$0x3] =	sbarrier.arrive $0xFFFF  }
0x117: {  	_ =	shalt  }

// kernel: kernel.8.cloned.1.call-start
scs
__scs_entry_jumppad:
0x0: {  	(pc) =	sbr.rel $0x88, $3  }
0x1: {  	(tag) =	ssettag $0x0;
	lr =	simm.s32 $0x1  }
0x2: {  	[smem:$0x3F9B] =	sst lr;
	_ =	strace $0xD0000000  }
0x3: {  	_ = 	snop  }
0x4: {  	_ = 	snop  }
0x5: {  	_ = 	snop  }
0x6: {  	_ = 	snop  }
0x7: {  	_ = 	snop  }
__scs_overlays_trampoline_lowered:
0x8: {  	[smem:$0x3FAA] =	sst s0  }
0x9: {  	[smem:$0x3FAB] =	sst s1  }
0xa: {  	[smem:$0x3FAC] =	sst s2  }
0xb: {  	[smem:$0x3FAD] =	sst s3  }
0xc: {  	[smem:$0x3FAE] =	sst s4  }
0xd: {  	[smem:$0x3FAF] =	sst s5  }
0xe: {  	[smem:$0x3FB0] =	sst s6  }
0xf: {  	[smem:$0x3FB1] =	sst s7  }
0x10: {  	[smem:$0x3FB2] =	sst s8  }
0x11: {  	[smem:$0x3FB3] =	sst s9;
	s0 =	simm.s32 @!p0 $0x0  }
0x12: {  	s1 =	sld [smem:$0x3F99];
	s0 =	simm.s32 @p0 $0x1  }
0x13: {  	[smem:$0x3FB4] =	sst s0;
	s0 =	simm.s32 @!p1 $0x0  }
0x14: {  	s2 =	sld [smem:$0x3F98];
	s0 =	simm.s32 @p1 $0x1  }
0x15: {  	[smem:$0x3FB5] =	sst s0;
	s0 =	simm.s32 @!p2 $0x0  }
0x16: {  	s3 =	sld [smem:$0x3FDB];
	s0 =	simm.s32 @p2 $0x1  }
0x17: {  	s4 =	simm.s32 $0x1BF5;
	[smem:$0x3FB7] =	sst s0  }
0x18: {  	s0 =	sld [smem:$0x3F9A];
	_ =	swait.ge [sflag:s4], $0x0  }
0x19: {  	s7 =	sld [smem:$0x3F9B]  }
0x1a: {  	s8 =	sadd.s32 $0xFFFFE003, lr  }
0x1b: {  	s9 =	sadd.s32 $0xFFFFFEF7, lr;
	s5 =	simm.s32 $0xFFFFFFFF;
	p2 =	slt.u32 s8, $0xFFFFF086  }
0x1c: {  	p1 =	slt.u32 s9, $0xF7A;
	s5 =	simm.s32 @!p2 $0x0  }
0x1d: {  	s5 =	simm.s32 @p1 $0x1;
	p0 =	seq.s32 s7, s2  }
0x1e: {  	s7 =	smul.u32 @!p0 $0xF7A, s2;
	p2 =	seq.s32 @!p0 s5, $0x0  }
0x1f: {  	s9 =	smul.u32 $0xF7A, s1;
	s8 =	simm.s32 @!p0 $0x1BF5;
	p2 =	por !p2, p0  }
0x20: {  	[sflag:s8] =	ssyncset.s32 @!p0 $0xFFFFF086;
	s6 =	sadd.s32 @!p0 s3, s7;
	s7 =	simm.s32 @!p0 $0x108  }
0x21: {  	s3 =	sadd.s32 s3, s9;
	s6 =	sadd.s32 @!p0 $0x88, s6;
	s7 =	simm.s32 @p2 $0x1082  }
0x22: {  	[simem:s7], [sflag:s8] =	dma.local @!p0 [hbm:s6], $0xF7A  }
0x23: {  	s9 =	sor.u32 $0xD0000000, s2;
	s6 =	simm.s32 $0x108;
	_ =	swait.ge @!p0 [sflag:s8], $0x0  }
0x24: {  	s3 =	sadd.s32 $0x88, s3;
	s6 =	simm.s32 @!p1 $0x1082;
	[sflag:s4] =	ssyncset.s32 $0xFFFFF086  }
0x25: {  	[simem:s6], [sflag:s4] =	dma.local [hbm:s3], $0xF7A  }
0x26: {  	[smem:$0x3F9B] =	sst s1;
	(tag) =	ssettag s2;
	_ =	strace s9  }
0x27: {  	s1 =	sld [smem:$0x3FAB]  }
0x28: {  	s2 =	sld [smem:$0x3FAC]  }
0x29: {  	s4 =	sld [smem:$0x3FAE]  }
0x2a: {  	p0 =	seq.s32 s5, $0x0;
	s5 =	sld [smem:$0x3FAF]  }
0x2b: {  	s6 =	sld [smem:$0x3FB0]  }
0x2c: {  	s7 =	sld [smem:$0x3FB1]  }
0x2d: {  	s3 =	simm.s32 $0x108;
	s8 =	sld [smem:$0x3FB2]  }
0x2e: {  	s3 =	simm.s32 @!p0 $0x1082;
	s9 =	sld [smem:$0x3FB3]  }
0x2f: {  	lr =	sadd.s32 s0, s3;
	s0 =	sld [smem:$0x3FAA]  }
0x30: {  	s3 =	sld [smem:$0x3FAD]  }
0x31: {  	[smem:$0x3FB6] =	sst s10  }
0x32: {  	s10 =	sld [smem:$0x3FB4];
	_ =	sdelay $0x3  }
0x33: {  	p0 =	seq.s32 s10, $0x1;
	s10 =	sld [smem:$0x3FB6];
	_ =	sdelay $0x3  }
0x34: {  	[smem:$0x3FB6] =	sst s10  }
0x35: {  	s10 =	sld [smem:$0x3FB5];
	_ =	sdelay $0x3  }
0x36: {  	p1 =	seq.s32 s10, $0x1;
	s10 =	sld [smem:$0x3FB6];
	_ =	sdelay $0x3  }
0x37: {  	[smem:$0x3FB6] =	sst s10  }
0x38: {  	s10 =	sld [smem:$0x3FB7]  }
0x39: {  	_ = 	snop;
	(pc) =	sbr.ind lr, $3  }
0x3a: {  	_ = 	snop  }
0x3b: {  	_ = 	snop  }
0x3c: {  	p2 =	seq.s32 s10, $0x1;
	s10 =	sld [smem:$0x3FB6]  }
0x3d: {  	_ =	shalt  }
0x3e: {  	_ =	shalt  }
0x3f: {  	_ =	shalt  }
0x40: {  	_ =	shalt  }
0x41: {  	_ =	shalt  }
0x42: {  	_ =	shalt  }
0x43: {  	_ =	shalt  }
0x44: {  	_ =	shalt  }
0x45: {  	_ =	shalt  }
0x46: {  	_ =	shalt  }
0x47: {  	_ =	shalt  }
0x48: {  	_ =	shalt  }
0x49: {  	_ =	shalt  }
0x4a: {  	_ =	shalt  }
0x4b: {  	_ =	shalt  }
0x4c: {  	_ =	shalt  }
0x4d: {  	_ =	shalt  }
0x4e: {  	_ =	shalt  }
0x4f: {  	_ =	shalt  }
0x50: {  	_ =	shalt  }
0x51: {  	_ =	shalt  }
0x52: {  	_ =	shalt  }
0x53: {  	_ =	shalt  }
0x54: {  	_ =	shalt  }
0x55: {  	_ =	shalt  }
0x56: {  	_ =	shalt  }
0x57: {  	_ =	shalt  }
0x58: {  	_ =	shalt  }
0x59: {  	_ =	shalt  }
0x5a: {  	_ =	shalt  }
0x5b: {  	_ =	shalt  }
0x5c: {  	_ =	shalt  }
0x5d: {  	_ =	shalt  }
0x5e: {  	_ =	shalt  }
0x5f: {  	_ =	shalt  }
0x60: {  	_ =	shalt  }
0x61: {  	_ =	shalt  }
0x62: {  	_ =	shalt  }
0x63: {  	_ =	shalt  }
0x64: {  	_ =	shalt  }
0x65: {  	_ =	shalt  }
0x66: {  	_ =	shalt  }
0x67: {  	_ =	shalt  }
0x68: {  	_ =	shalt  }
0x69: {  	_ =	shalt  }
0x6a: {  	_ =	shalt  }
0x6b: {  	_ =	shalt  }
0x6c: {  	_ =	shalt  }
0x6d: {  	_ =	shalt  }
0x6e: {  	_ =	shalt  }
0x6f: {  	_ =	shalt  }
0x70: {  	_ =	shalt  }
0x71: {  	_ =	shalt  }
0x72: {  	_ =	shalt  }
0x73: {  	_ =	shalt  }
0x74: {  	_ =	shalt  }
0x75: {  	_ =	shalt  }
0x76: {  	_ =	shalt  }
0x77: {  	_ =	shalt  }
0x78: {  	_ =	shalt  }
0x79: {  	_ =	shalt  }
0x7a: {  	_ =	shalt  }
0x7b: {  	_ =	shalt  }
0x7c: {  	_ =	shalt  }
0x7d: {  	_ =	shalt  }
0x7e: {  	_ =	shalt  }
0x7f: {  	_ =	shalt  }
0x80: {  	_ =	shalt  }
0x81: {  	_ =	shalt  }
0x82: {  	_ =	shalt  }
0x83: {  	_ =	shalt  }
0x84: {  	_ =	shalt  }
0x85: {  	_ =	shalt  }
0x86: {  	_ =	shalt  }
0x87: {  	_ =	shalt  }
.Lfunc_end0:
.L_simem_size_0:
called_computation_lowered:
.L_overlay_start_0:
0x88: {  	s2 =	sld [smem:$0x3FD9]  }
0x89: {  	s3 =	sld [smem:$0x3FFE];
	_ =	sdelay $0x1  }
0x8a: {  	s1 =	srdreg.scid  }
0x8b: {  	s0 =	sand.u32 $0x1, s1  }
0x8c: {  	s16 =	sshll.u32 s0, $0xA;
	s2 =	sadd.s32 s3, s2  }
0x8d: {  	s2 =	sadd.s32 s2, s16  }
0x8e: {  	[smem:$0x3FC2] =	sst s2  }
0x8f: {  	_ = 	snop  }
0x90: {  	(tm) =	ssettm $0x1  }
0x91: {  	s17 =	sld [smem:$0x3FFB];
	_ =	sdelay $0x3  }
0x92: {  	_ =	strace s17  }
0x93: {  	s2 =	sld [smem:$0x3FFC];
	_ =	sdelay $0x3  }
0x94: {  	_ =	strace s2  }
0x95: {  	s2 =	sld [smem:$0x3FFD];
	_ =	sdelay $0x3  }
0x96: {  	_ =	strace s2  }
0x97: {  	_ =	strace $0x8FFFFFFF  }
0x98: {  	s18 =	sld [smem:$0x3FDB];
	_ =	sdelay $0x1  }
0x99: {  	s19 =	simm.s32 $_scs_section_size  }
0x9a: {  	s4 =	simm.s32 $_size__tile_overlayer_lowered;
	s5 =	simm.s32 $_tile_overlayer_lowered  }
0x9b: {  	s22 =	simm.s32 $0x1BFF;
	s21 =	sshll.u32 s5, $0x1;
	s2 =	sadd.s32 s19, s18  }
0x9c: {  	s6 =	simm.s32 $0x0;
	s20 =	sshll.u32 s4, $0x1;
	s4 =	sadd.s32 s21, s2  }
0x9d: {  	[timem:s6], [sflag:s22] =	dma.local [hbm:s4], s20  }
0x9e: {  	_ =	swait.ge [sflag:s22], s20  }
0x9f: {  	s3 =	ssub.s32 $0x0, s20;
	[sflag:s22] =	ssyncset.done $0x0  }
0xa0: {  	[sflag:s22] =	ssyncadd.s32 s3;
	_ =	sdelay $0x1  }
0xa1: {  	s23 =	simm.s32 $0x1B8B  }
0xa2: {  	_ =	swait.ge [sflag:s23], $0x1  }
0xa3: {  	[sflag:s23] =	ssyncset.done $0x0  }
0xa4: {  	s25 =	simm.s32 $0x1B8E;
	s24 =	sld [smem:$0x3FFE];
	[sflag:s23] =	ssyncadd.s32 $0xFFFFFFFF  }
0xa5: {  	s26 =	simm.s32 $execute0_lowered;
	[smem:$0x3FD2] =	sst s25  }
0xa6: {  	s4 =	sshll.u32 s26, $0x1;
	_ =	strace $0x80000046;
	[dreg:$0x1] =	wrdreg $0xFFFFFFFF  }
0xa7: {  	s28 =	simm.s32 $_size_execute0_lowered;
	s2 =	sadd.s32 s2, s4;
	[dreg:$0x0] =	wrdreg $0x0  }
0xa8: {  	s4 =	sshll.u32 s28, $0x1;
	[dreg:$0x2] =	wrdreg s2  }
0xa9: {  	[dreg:$0x3] =	wrdreg s4  }
0xaa: {  	[dreg:$0x4] =	wrdreg $0xC0  }
0xab: {  	_ =	task [dreg:s6], $0x5FFFF  }
0xac: {  	[dreg:$0x1] =	wrdreg $0xFFFFFFFF  }
0xad: {  	[dreg:$0x0] =	wrdreg $0x60  }
0xae: {  	[dreg:$0x2] =	wrdreg s24  }
0xaf: {  	[dreg:$0x3] =	wrdreg $0x0  }
0xb0: {  	[dreg:$0x4] =	wrdreg $0x9  }
0xb1: {  	_ =	task.clear_ibuf [dreg:s6], $0x5FFFF;
	_ =	strace $0x90000046  }
0xb2: {  	s29 =	simm.s32 $0x9;
	_ =	strace $0x80000048  }
0xb3: {  	_ =	swait.ge [sflag:s29], $0x1  }
0xb4: {  	[sflag:s29] =	ssyncadd.s32 $0xFFFFFFFF  }
0xb5: {  	_ =	strace $0x90000048  }
0xb6: {  	_ =	sfence  }
0xb7: {  	s30 =	sld [smem:$0x0];
	_ =	sdelay $0x2  }
0xb8: {  	s31 =	sshll.u32 s1, $0xD;
	s1 =	sshrl.u32 s1, $0x2  }
0xb9: {  	s3 =	sand.u32 $0x4000, s31;
	s1 =	sadd.s32 s1, s30  }
0xba: {  	s0 =	sor.u32 s3, s0;
	s1 =	sshll.u32 s1, $0x11  }
0xbb: {  	s0 =	sor.u32 s1, s0  }
0xbc: {  	s0 =	sadd.s32 $0x8F2B, s0  }
0xbd: {  	[sflag:s0] =	ssyncadd.remote.s32 $0x1  }
0xbe: {  	_ =	sfence.sel $0xFFFF  }
0xbf: {  	[dreg:$0x0] =	wrdreg $0xFFFFFFFF;
	(pc) =	sbr.abs _section_cstart, $3  }
0xc0: {  	[dreg:$0x1] =	wrdreg $0xFFFFFFFF  }
0xc1: {  	_ =	task.clear_ibuf [dreg:s6], $0x2FFFF;
	_ =	strace $0x9FFFFFFF  }
0xc2: {  	(tm) =	ssettm $0x7FFFFFFF  }
0xc3: {  	_ =	shalt  }
tec
execute0_lowered:
.L_overlay_start_1:
0x0: {  	(tag) =	ssettag $0x1  }
0x1: {  	s4 =	rddreg [dreg:$0x0]  }
0x2: {  	s2 =	rddreg [dreg:$0x1]  }
0x3: {  	s0 =	rddreg [dreg:$0x2];
	s3 =	simm.s32 $0x0  }
0x4: {  	s1 =	stileid.u32;
	s5 =	srdreg.scid;
	s11 =	simm.s32 $0x50  }
0x5: {  	s12 =	simm.s32 $0x4280;
	s13 =	simm.s32 $0x4580;
	s14 =	simm.s32 $0x0  }
0x6: {  	[smem:$0x7FF] =	sst s3;
	s6 =	smul.u32 $0x2800, s1;
	s8 =	sand.u32 $0x1, s5  }
0x7: {  	s31 =	sshll.u32 s1, $0xB;
	s9 =	smul.u32 $0xA00, s1;
	s7 =	ssub.s32 $0x2, s8  }
.Ltmp0:
0x8: {  	_ =	strace $0x80000047;
	s5 =	sadd.s32 s31, s4;
	(pc) =	sbr.rel .LBB2_1-.Ltmp0, $4  }
0x9: {  	p0 =	sne.s32 s8, $0x0;
	s8 =	simm.s32 $0x280;
	s10 =	sshrl.u32 s7, $0x1  }
0xa: {  	s6 =	sadd.s32 s6, s4;
	s9 =	sshrl.u32 s9, $0x2;
	s4 =	sadd.s32 $0x1C00, s5  }
0xb: {  	s7 =	ssub.s32 s7, s10;
	s5 =	sadd.s32 s9, s2;
	s6 =	sadd.s32 $0x9C00, s6  }
0xc: {  	v0 =	vimm.f32 $0.0e+00;
	v1 =	vimm.f32 $1.000000000e+00;
	s9 =	simm.s32 $0x1;
	s10 =	simm.s32 $0x4300;
	s7 =	smax.u32 s7, $0x1  }
.LBB2_11:
0xd: {  	[bflag:$0x0] =	sbarrier.arrive $0xFFFF  }
0xe: {  	[bflag:$0x0] =	sbarrier.arrive $0xFFFF  }
.LBB2_9:
0xf: {  	s14 =	sadd.s32 $0x1, s14  }
0x10: {  	p1 =	sne.s32 s14, s7  }
.Ltmp1:
0x11: {  	_ = 	snop;
	(pc) =	sbr.rel @!p1 .LBB2_10-.Ltmp1, $1  }
0x12: {  	_ =	sdelay $0x3  }
.LBB2_1:
.Ltmp2:
0x13: {  	(pc) =	sbr.rel @p0 .LBB2_11-.Ltmp2, $1  }
0x14: {  	_ =	sdelay $0x3  }
0x15: {  	s15 =	simm.s32 $0x0  }
0x16: {  	[tilespmem:s8], [sflag:$0x1] =	stream.linear.gather [hbm4b:s4+s15], $0x3E80, $0x38;
	[tilespmem:$0x18580] =	vst v63  }
0x17: {  	_ =	swait.ge [sflag:s9], $0x3E80  }
0x18: {  	[sflag:s9] =	ssyncset.done $0x0  }
0x19: {  	[sflag:s9] =	ssyncadd.s32 $0xFFFFC180  }
0x1a: {  	[tilespmem:$0x4300] =	vst v0  }
0x1b: {  	[tilespmem:$0x4310] =	vst v0  }
0x1c: {  	[tilespmem:$0x4320] =	vst v0  }
0x1d: {  	[tilespmem:$0x4330] =	vst v0  }
0x1e: {  	[tilespmem:$0x4340] =	vst v0  }
0x1f: {  	[tilespmem:$0x4350] =	vst v0  }
0x20: {  	[tilespmem:$0x4360] =	vst v0  }
0x21: {  	[tilespmem:$0x4370] =	vst v0  }
0x22: {  	[tilespmem:$0x4380] =	vst v0  }
0x23: {  	[tilespmem:$0x4390] =	vst v0  }
0x24: {  	[tilespmem:$0x43A0] =	vst v0  }
0x25: {  	[tilespmem:$0x43B0] =	vst v0  }
0x26: {  	[tilespmem:$0x43C0] =	vst v0  }
0x27: {  	[tilespmem:$0x43D0] =	vst v0  }
0x28: {  	[tilespmem:$0x43E0] =	vst v0  }
0x29: {  	[tilespmem:$0x43F0] =	vst v0  }
0x2a: {  	[tilespmem:$0x4400] =	vst v0  }
0x2b: {  	[tilespmem:$0x4410] =	vst v0  }
0x2c: {  	[tilespmem:$0x4420] =	vst v0  }
0x2d: {  	[tilespmem:$0x4430] =	vst v0  }
0x2e: {  	[tilespmem:$0x4440] =	vst v0  }
0x2f: {  	[tilespmem:$0x4450] =	vst v0  }
0x30: {  	[tilespmem:$0x4460] =	vst v0  }
0x31: {  	[tilespmem:$0x4470] =	vst v0  }
0x32: {  	[tilespmem:$0x4480] =	vst v0  }
0x33: {  	[tilespmem:$0x4490] =	vst v0  }
0x34: {  	[tilespmem:$0x44A0] =	vst v0  }
0x35: {  	[tilespmem:$0x44B0] =	vst v0  }
0x36: {  	[tilespmem:$0x44C0] =	vst v0  }
0x37: {  	[tilespmem:$0x44D0] =	vst v0  }
0x38: {  	[tilespmem:$0x44E0] =	vst v0  }
0x39: {  	[tilespmem:$0x44F0] =	vst v0  }
0x3a: {  	[tilespmem:$0x4500] =	vst v0  }
0x3b: {  	[tilespmem:$0x4510] =	vst v0  }
0x3c: {  	[tilespmem:$0x4520] =	vst v0  }
0x3d: {  	[tilespmem:$0x4530] =	vst v0  }
0x3e: {  	[tilespmem:$0x4540] =	vst v0  }
0x3f: {  	[tilespmem:$0x4550] =	vst v0  }
0x40: {  	[tilespmem:$0x4560] =	vst v0  }
0x41: {  	[tilespmem:$0x4570] =	vst v0  }
0x42: {  	[tilespmem:$0x4280] =	vst v1  }
0x43: {  	[tilespmem:$0x4290] =	vst v1  }
0x44: {  	[tilespmem:$0x42A0] =	vst v1  }
0x45: {  	[tilespmem:$0x42B0] =	vst v1  }
0x46: {  	[tilespmem:$0x42C0] =	vst v1  }
0x47: {  	[spmem:s5] =	stream.linear.scatter [tilespmem:s10], [sflag:$0x1], $0x280, $0x38;
	[tilespmem:$0x18580] =	vst v63  }
0x48: {  	_ =	swait.ge [sflag:s9], $0x280  }
0x49: {  	[sflag:s9] =	ssyncset.done $0x0  }
0x4a: {  	[sflag:s9] =	ssyncadd.s32 $0xFFFFFD80  }
0x4b: {  	s31 =	simm.s32 $0x280;
	[bflag:$0x0] =	sbarrier.arrive $0xFFFF  }
0x4c: {  	[spmem:s2] =	stream.indirect.scatter.add.f32 [tilespmem:s12], [sflag:$0x1], $0x1, s31, s11, $0xb8;
	[tilespmem:$0x18580] =	vst v63  }
0x4d: {  	s15 =	simm.s32 $0x200;
	_ =	swait.ge [sflag:s9], $0x50  }
.LBB2_3:
0x4e: {  	s16 =	sshra.s32 s15, $0x2;
	[sflag:s9] =	ssyncset.done $0x0;
	p1 =	seq.s32 s15, $0xF800  }
.Ltmp3:
0x4f: {  	s16 =	sadd.s32 $0x280, s16;
	[sflag:s9] =	ssyncadd.s32 $0xFFFFFFB0;
	(pc) =	sbr.rel @!p1 .LBB2_3-.Ltmp3, $3  }
0x50: {  	[spmem:s2] =	stream.indirect.scatter.add.f32 [tilespmem:s12], [sflag:$0x1], $0x1, s16, s11, $0xb8;
	[tilespmem:$0x18580] =	vst v63  }
0x51: {  	s15 =	sadd.s32 $0x200, s15;
	_ =	sdelay $0x1  }
0x52: {  	_ =	swait.ge [sflag:s9], $0x50  }
0x53: {  	[sflag:s9] =	ssyncset.done $0x0  }
0x54: {  	[sflag:s9] =	ssyncadd.s32 $0xFFFFFFB0  }
0x55: {  	[bflag:$0x0] =	sbarrier.arrive $0xFFFF  }
0x56: {  	[tilespmem:s10], [sflag:$0x1] =	stream.linear.gather [spmem:s5], $0x280, $0x38;
	[tilespmem:$0x18580] =	vst v63  }
0x57: {  	_ =	swait.ge [sflag:s9], $0x280  }
0x58: {  	[sflag:s9] =	ssyncset.done $0x0  }
0x59: {  	s15 =	simm.s32 $0x0;
	s16 =	simm.s32 $0x40;
	[sflag:s9] =	ssyncadd.s32 $0xFFFFFD80  }
.LBB2_5:
0x5a: {  	p1 =	sne.s32 s16, $0x9C0;
	v2 =	vld [tilespmem:s15+$0x4300];
	_ =	sdelay $0x4  }
0x5b: {  	v2 =	vadd.f32 $1.000000000e+00, v2;
	_ =	sdelay $0x1  }
0x5c: {  	(erf) = vrcp.f32 v2;
	_ =	sdelay $0x5  }
.Ltmp4:
0x5d: {  	(pc) =	sbr.rel @p1 .LBB2_5-.Ltmp4, $3  }
0x5e: {  	_ =	sdelay $0x1  }
0x5f: {  	v2 =	vpop (erf)  }
0x60: {  	[tilespmem:s15+$0x4300] =	vst v2;
	s15 =	sshra.s32 s16, $0x2;
	s16 =	sadd.s32 $0x40, s16  }
0x61: {  	v2 =	vld [tilespmem:s15+$0x4300];
	_ =	sdelay $0x4  }
0x62: {  	v2 =	vadd.f32 $1.000000000e+00, v2;
	_ =	sdelay $0x1  }
0x63: {  	(erf) = vrcp.f32 v2;
	_ =	sdelay $0x8  }
0x64: {  	v2 =	vpop (erf)  }
0x65: {  	s31 =	simm.s32 $0x0;
	[tilespmem:s15+$0x4300] =	vst v2  }
0x66: {  	v2 =	vld [tilespmem:s31+$0x4300];
	_ =	sdelay $0x4  }
0x67: {  	v3 =	vbroadcast v2, $0x0  }
0x68: {  	s15 =	simm.s32 $0x4980;
	v4 =	vbroadcast v2, $0x1  }
0x69: {  	v5 =	vbroadcast v2, $0x2;
	[tilespmem:s15+$0xFFFFFC00] =	vst v3  }
0x6a: {  	v56 =	vbroadcast v2, $0x4;
	[tilespmem:s15+$0xFFFFFC80] =	vst v4  }
0x6b: {  	v57 =	vbroadcast v2, $0x5;
	[tilespmem:s15+$0xFFFFFD00] =	vst v5  }
0x6c: {  	v58 =	vbroadcast v2, $0x7;
	[tilespmem:s15+$0xFFFFFE00] =	vst v56  }
0x6d: {  	v59 =	vbroadcast v2, $0x8;
	[tilespmem:s15+$0xFFFFFE80] =	vst v57  }
0x6e: {  	v60 =	vbroadcast v2, $0xA;
	[tilespmem:s15+$0xFFFFFF80] =	vst v58  }
0x6f: {  	v3 =	vbroadcast v2, $0x3;
	[tilespmem:s15+$0x0] =	vst v59  }
0x70: {  	v61 =	vbroadcast v2, $0xB;
	[tilespmem:s15+$0x100] =	vst v60  }
0x71: {  	[tilespmem:s15+$0xFFFFFD80] =	vst v3;
	v3 =	vbroadcast v2, $0x6  }
0x72: {  	v62 =	vbroadcast v2, $0xD;
	[tilespmem:s15+$0x180] =	vst v61  }
0x73: {  	[tilespmem:s15+$0xFFFFFF00] =	vst v3;
	v3 =	vbroadcast v2, $0x9  }
0x74: {  	v63 =	vbroadcast v2, $0xE;
	[tilespmem:s15+$0x280] =	vst v62  }
0x75: {  	[tilespmem:s15+$0x80] =	vst v3;
	v3 =	vbroadcast v2, $0xC  }
0x76: {  	[tilespmem:s15+$0x300] =	vst v63;
	v2 =	vbroadcast v2, $0xF  }
0x77: {  	[tilespmem:s15+$0x200] =	vst v3  }
0x78: {  	s17 =	simm.s32 $0x10;
	s16 =	simm.s32 $0x80;
	[tilespmem:s15+$0x380] =	vst v2  }
.LBB2_7:
0x79: {  	p1 =	sne.s32 s16, $0x9C0;
	v2 =	vld [tilespmem:s17+$0x4300];
	_ =	sdelay $0x4  }
0x7a: {  	v3 =	vbroadcast v2, $0x0;
	v4 =	vbroadcast v2, $0x1  }
0x7b: {  	s15 =	sadd.s32 $0x800, s15;
	v5 =	vbroadcast v2, $0x2;
	v6 =	vbroadcast v2, $0x3  }
0x7c: {  	v7 =	vbroadcast v2, $0x5;
	[tilespmem:s15+$0xFFFFFC00] =	vst v3;
	v3 =	vbroadcast v2, $0x4  }
0x7d: {  	v8 =	vbroadcast v2, $0x7;
	[tilespmem:s15+$0xFFFFFC80] =	vst v4;
	v4 =	vbroadcast v2, $0x6  }
0x7e: {  	v9 =	vbroadcast v2, $0x9;
	[tilespmem:s15+$0xFFFFFD00] =	vst v5;
	v5 =	vbroadcast v2, $0x8  }
0x7f: {  	v10 =	vbroadcast v2, $0xB;
	[tilespmem:s15+$0xFFFFFD80] =	vst v6;
	v6 =	vbroadcast v2, $0xA  }
0x80: {  	v11 =	vbroadcast v2, $0xD;
	[tilespmem:s15+$0xFFFFFE00] =	vst v3;
	v3 =	vbroadcast v2, $0xC  }
0x81: {  	[tilespmem:s15+$0xFFFFFE80] =	vst v7;
	v7 =	vbroadcast v2, $0xE;
	v2 =	vbroadcast v2, $0xF  }
0x82: {  	[tilespmem:s15+$0xFFFFFF00] =	vst v4  }
0x83: {  	[tilespmem:s15+$0xFFFFFF80] =	vst v8  }
0x84: {  	[tilespmem:s15+$0x0] =	vst v5  }
0x85: {  	[tilespmem:s15+$0x80] =	vst v9  }
0x86: {  	[tilespmem:s15+$0x100] =	vst v6  }
.Ltmp5:
0x87: {  	[tilespmem:s15+$0x180] =	vst v10;
	(pc) =	sbr.rel @p1 .LBB2_7-.Ltmp5, $4  }
0x88: {  	[tilespmem:s15+$0x200] =	vst v3  }
0x89: {  	[tilespmem:s15+$0x280] =	vst v11  }
0x8a: {  	[tilespmem:s15+$0x300] =	vst v7  }
0x8b: {  	s17 =	sshra.s32 s16, $0x2;
	s16 =	sadd.s32 $0x40, s16;
	[tilespmem:s15+$0x380] =	vst v2  }
0x8c: {  	v2 =	vld [tilespmem:s17+$0x4300];
	_ =	sdelay $0x4  }
0x8d: {  	v3 =	vbroadcast v2, $0x0  }
0x8e: {  	s15 =	sadd.s32 $0x800, s15;
	v4 =	vbroadcast v2, $0x1  }
0x8f: {  	v5 =	vbroadcast v2, $0x2;
	[tilespmem:s15+$0xFFFFFC00] =	vst v3  }
0x90: {  	v56 =	vbroadcast v2, $0x4;
	[tilespmem:s15+$0xFFFFFC80] =	vst v4  }
0x91: {  	v57 =	vbroadcast v2, $0x5;
	[tilespmem:s15+$0xFFFFFD00] =	vst v5  }
0x92: {  	v58 =	vbroadcast v2, $0x7;
	[tilespmem:s15+$0xFFFFFE00] =	vst v56  }
0x93: {  	v59 =	vbroadcast v2, $0x8;
	[tilespmem:s15+$0xFFFFFE80] =	vst v57  }
0x94: {  	v60 =	vbroadcast v2, $0xA;
	[tilespmem:s15+$0xFFFFFF80] =	vst v58  }
0x95: {  	v3 =	vbroadcast v2, $0x3;
	[tilespmem:s15+$0x0] =	vst v59  }
0x96: {  	v61 =	vbroadcast v2, $0xB;
	[tilespmem:s15+$0x100] =	vst v60  }
0x97: {  	[tilespmem:s15+$0xFFFFFD80] =	vst v3;
	v3 =	vbroadcast v2, $0x6  }
0x98: {  	v62 =	vbroadcast v2, $0xD;
	[tilespmem:s15+$0x180] =	vst v61  }
0x99: {  	[tilespmem:s15+$0xFFFFFF00] =	vst v3;
	v3 =	vbroadcast v2, $0x9  }
0x9a: {  	v63 =	vbroadcast v2, $0xE;
	[tilespmem:s15+$0x280] =	vst v62  }
0x9b: {  	[tilespmem:s15+$0x80] =	vst v3;
	v3 =	vbroadcast v2, $0xC  }
0x9c: {  	[tilespmem:s15+$0x300] =	vst v63;
	v2 =	vbroadcast v2, $0xF  }
0x9d: {  	[tilespmem:s15+$0x200] =	vst v3  }
.Ltmp6:
0x9e: {  	[tilespmem:s15+$0x380] =	vst v2;
	(pc) =	sbr.rel .LBB2_9-.Ltmp6, $4  }
0x9f: {  	[hbm4b:s6+s3] =	stream.linear.scatter [tilespmem:s13], [sflag:$0x1], $0x14000, $0x38;
	[tilespmem:$0x18580] =	vst v63  }
0xa0: {  	_ =	swait.ge [sflag:s9], $0x14000  }
0xa1: {  	[sflag:s9] =	ssyncset.done $0x0  }
0xa2: {  	[sflag:s9] =	ssyncadd.s32 $0xFFFEC000  }
.LBB2_10:
0xa3: {  	_ =	sfence.sel $0x180000  }
0xa4: {  	[bflag:$0x0] =	sbarrier.arrive $0xFFFF  }
0xa5: {  	p0 =	sne.s32 s1, $0x0;
	_ =	strace $0x90000047  }
0xa6: {  	s0 =	sadd.s32 @!p0 $0x100000, s0;
	[bflag:$0x2] =	sbarrier.arrive $0xFFFF  }
0xa7: {  	[sflag:s0] =	ssyncadd.tile.s32 @!p0 $0x1;
	_ =	shalt  }
.Lfunc_end2:
_tile_overlayer_lowered:
.L_overlay_start_2:
0xa8: {  	(tag) =	ssettag $0x2  }
0xa9: {  	s0 =	rddreg [dreg:$0x0];
	s2 =	stileid.u32  }
0xaa: {  	s1 =	rddreg [dreg:$0x1];
	p0 =	sne.s32 s2, $0x0  }
0xab: {  	s3 =	rddreg [dreg:$0x2];
	[bflag:$0x3] =	sbarrier.arrive $0xFFFF;
	s2 =	simm.s32 @!p0 $0x1C01  }
0xac: {  	[timem:s3], [sflag:s2] =	dma.local @!p0 [hbm:s0], s1  }
0xad: {  	s0 =	simm.s32 @!p0 $0x1  }
0xae: {  	_ =	swait.ge @!p0 [sflag:s0], s1  }
0xaf: {  	s1 =	ssub.s32 @!p0 $0x0, s1;
	[sflag:s0] =	ssyncset.done @!p0 $0x0  }
0xb0: {  	[sflag:s0] =	ssyncadd.s32 @!p0 s1  }
0xb1: {  	[bflag:$0x3] =	sbarrier.arrive $0xFFFF  }
0xb2: {  	_ =	shalt  }

</sc_bundles>
